<compile_context>
chip_gen: v7x
topology: tpu7x:2x2x1
jax: 0.10.2.dev20260603
libtpu: 0.0.44.dev20260713+nightly
codegen_flags: <defaults>
</compile_context>

<pallas_src>
import functools

import jax
import jax.numpy as jnp
from jax import lax
from jax.experimental import pallas as pl
from jax.experimental.pallas import tpu as pltpu
from jax.experimental.pallas import tpu_sc as plsc

D = 32
NC, NS = 2, 16
NW = NC * NS
BLK = 512


@functools.partial(jax.jit, static_argnums=(2, 3))
def _gather(x_flat, weight, hist, batch):
    blocks_per_h = batch // BLK
    n_items = hist * blocks_per_h
    items_per_w = n_items // NW
    mesh = plsc.VectorSubcoreMesh(core_axis_name="c", subcore_axis_name="s")

    @functools.partial(
        pl.kernel,
        out_type=jax.ShapeDtypeStruct((hist, D // 8, batch // 128, 8, 128),
                                      jnp.float32),
        mesh=mesh,
        scratch_types=[
            pltpu.VMEM((2, BLK), jnp.int32),
            pltpu.VMEM((2, BLK, D), jnp.float32),
            pltpu.VMEM((2, D // 8, BLK // 128, 8, 128), jnp.float32),
            pltpu.SemaphoreType.DMA,
            pltpu.SemaphoreType.DMA,
            pltpu.SemaphoreType.DMA,
            pltpu.SemaphoreType.DMA,
            pltpu.SemaphoreType.DMA,
            pltpu.SemaphoreType.DMA,
        ],
        compiler_params=pltpu.CompilerParams(
            use_tc_tiling_on_sc=False, needs_layout_passes=False),
    )
    def body(x_hbm, table_hbm, out_hbm, idx_v, rows_v, tr_v,
             sem_g0, sem_g1, sem_i0, sem_i1, sem_s0, sem_s1):
        wid = lax.axis_index("s") * NC + lax.axis_index("c")
        base_item = wid * items_per_w
        lanes = lax.iota(jnp.int32, 16)
        sem_g = (sem_g0, sem_g1)
        sem_i = (sem_i0, sem_i1)
        sem_s = (sem_s0, sem_s1)

        def idx_src(item):
            return x_hbm.at[pl.ds(item * BLK, BLK)]

        def gather_cp(item, b):
            return pltpu.make_async_copy(
                table_hbm.at[idx_v.at[b]], rows_v.at[b], sem_g[b])

        def store_cp(item, b):
            h = item // blocks_per_h
            jb0 = (item % blocks_per_h) * (BLK // 128)
            return pltpu.make_async_copy(
                tr_v.at[b],
                out_hbm.at[h, :, pl.ds(jb0, BLK // 128)], sem_s[b])

        def transpose_block(b):
            @plsc.parallel_loop(0, BLK // 16, unroll=1)
            def tr_body(j):
                jj = j // 8
                l0 = (j % 8) * 16
                row_idx = j * 16 + lanes
                for d in range(D):
                    val = plsc.load_gather(
                        rows_v.at[b], [row_idx, jnp.full((16,), d, jnp.int32)])
                    tr_v[b, d // 8, jj, d % 8, pl.ds(l0, 16)] = val

        pltpu.sync_copy(idx_src(base_item), idx_v.at[0])
        pltpu.async_copy(idx_src(base_item + 1), idx_v.at[1], sem_i[1])
        gather_cp(base_item, 0).start()

        def iter_body(g, carry):
            for b in range(2):
                t = g * 2 + b
                item = base_item + t
                nb = 1 - b
                gather_cp(item, b).wait()

                @pl.when(t + 2 < items_per_w)
                def _():
                    pltpu.async_copy(idx_src(item + 2), idx_v.at[b], sem_i[b])

                @pl.when(t + 1 < items_per_w)
                def _():
                    pltpu.make_async_copy(
                        idx_src(item + 1), idx_v.at[nb], sem_i[nb]).wait()
                    gather_cp(item + 1, nb).start()

                @pl.when(t >= 2)
                def _():
                    store_cp(item - 2, b).wait()

                transpose_block(b)
                store_cp(item, b).start()
            return carry

        lax.fori_loop(0, items_per_w // 2, iter_body, 0)
        store_cp(base_item + items_per_w - 2, items_per_w % 2).wait()
        store_cp(base_item + items_per_w - 1, (items_per_w - 1) % 2).wait()

    return body(x_flat, weight)


def kernel(x, weight):
    batch, hist = x.shape
    xt_flat = jnp.transpose(x).reshape(hist * batch)
    y5 = _gather(xt_flat, weight, hist, batch)
    return jnp.transpose(y5, (2, 4, 0, 1, 3)).reshape(batch, hist, D)

# --- scband reference (transcript-rebuilt; emitter-appended) ---
"""Pipeline reference for scband-embedding-64218351010148 (READ-ONLY COPY).

The authoritative reference and input builder live on the scoring server;
editing this copy changes nothing except your own understanding.
"""

import jax, jax.numpy as jnp
import numpy as np

NUM_EMBEDDINGS = 1000000
EMBEDDING_DIM = 32
BATCH = 16384
HIST = 50

def setup_inputs(seed: int = 0) -> dict:
    key = jax.random.key(seed)
    k_idx, k_w = jax.random.split(key)
    x = jax.random.randint(k_idx, (BATCH, HIST), 0, NUM_EMBEDDINGS, dtype=jnp.int64 if jax.config.jax_enable_x64 else jnp.int32)
    weight = jax.random.normal(k_w, (NUM_EMBEDDINGS, EMBEDDING_DIM), dtype=jnp.float32)
    return {"x": x, "weight": weight}

def reference(x, weight):
    # nn.Embedding forward: gather rows of the table by index
    return jnp.take(weight, x, axis=0)

if __name__ == "__main__":
    import jax
    _d = setup_inputs()
    print(jax.jit(kernel)(*tuple(_d.values())))

</pallas_src>

<mosaic_0001>
#map = affine_map<(d0, d1) -> (0)>
#map1 = affine_map<(d0, d1) -> (0, 0)>
#map2 = affine_map<(d0, d1) -> (0, 0, 0, 0, 0)>
module attributes {stable_mosaic.version = 14 : i64} {
  func.func @body(%arg0: i32, %arg1: i32, %arg2: memref<819200xi32, #tpu.memory_space<hbm>>, %arg3: memref<1000000x32xf32, #tpu.memory_space<hbm>>, %arg4: memref<50x4x128x8x128xf32, #tpu.memory_space<hbm>>, %arg5: memref<2x512xi32, #tpu.memory_space<vmem>>, %arg6: memref<2x512x32xf32, #tpu.memory_space<vmem>>, %arg7: memref<2x4x4x8x128xf32, #tpu.memory_space<vmem>>, %arg8: memref<!tpu.dma_semaphore, #tpu.memory_space<semaphore_mem>>, %arg9: memref<!tpu.dma_semaphore, #tpu.memory_space<semaphore_mem>>, %arg10: memref<!tpu.dma_semaphore, #tpu.memory_space<semaphore_mem>>, %arg11: memref<!tpu.dma_semaphore, #tpu.memory_space<semaphore_mem>>, %arg12: memref<!tpu.dma_semaphore, #tpu.memory_space<semaphore_mem>>, %arg13: memref<!tpu.dma_semaphore, #tpu.memory_space<semaphore_mem>>) attributes {dimension_semantics = [#tpu.dimension_semantics<core_parallel>, #tpu.dimension_semantics<subcore_parallel>], iteration_bounds = array<i64: 2, 16>, scalar_prefetch = 0 : i64, scratch_operands = 9 : i64, tpu.core_type = #tpu.core_type<sc_vector_subcore>, window_params = [{transform_indices = #map}, {transform_indices = #map1}, {transform_indices = #map2}]} {
    %mul3A = arith.constant 2 : i32
    %mul3A_0 = arith.muli %arg1, %mul3A : i32
    %add3A = arith.addi %mul3A_0, %arg0 : i32
    %mul3A_1 = arith.constant 50 : i32
    %mul3A_2 = arith.muli %add3A, %mul3A_1 : i32
    %iota3A = tpu.iota {dimensions = array<i32: 0>} : vector<16xi32>
    %mul3A_3 = arith.constant 512 : i32
    %mul3A_4 = arith.muli %mul3A_2, %mul3A_3 : i32
    %run_scoped3A = arith.constant 0 : i32
    "tpu.region"() ({
      %run_scoped3A_161 = tpu.sem_alloc : memref<!tpu.dma_semaphore, #tpu.memory_space<semaphore_mem>>
      %dma_start3A_162 = arith.constant 0 : i32
      %dma_start3A_163 = tpu.memref_slice %arg5[%run_scoped3A, %dma_start3A_162] : memref<2x512xi32, #tpu.memory_space<vmem>> -> memref<1x512xi32, #tpu.memory_space<vmem>>
      %dma_start3A_164 = tpu.memref_squeeze %dma_start3A_163 : memref<1x512xi32, #tpu.memory_space<vmem>> -> memref<512xi32, #tpu.memory_space<vmem>>
      %dma_start3A_165 = tpu.memref_slice %arg2[%mul3A_4] : memref<819200xi32, #tpu.memory_space<hbm>> -> memref<512xi32, #tpu.memory_space<hbm>>
      %dma_start3A_166 = arith.constant 0 : i32
      %dma_start3A_167 = tpu.memref_slice %arg5[%run_scoped3A, %dma_start3A_166] : memref<2x512xi32, #tpu.memory_space<vmem>> -> memref<1x512xi32, #tpu.memory_space<vmem>>
      %dma_start3A_168 = tpu.memref_squeeze %dma_start3A_167 : memref<1x512xi32, #tpu.memory_space<vmem>> -> memref<512xi32, #tpu.memory_space<vmem>>
      %dma_start3A_169 = tpu.memref_slice %arg2[%mul3A_4] : memref<819200xi32, #tpu.memory_space<hbm>> -> memref<512xi32, #tpu.memory_space<hbm>>
      tpu.enqueue_dma source(%dma_start3A_169 : memref<512xi32, #tpu.memory_space<hbm>>) target(%dma_start3A_168 : memref<512xi32, #tpu.memory_space<vmem>>) target_semaphore(%run_scoped3A_161 : memref<!tpu.dma_semaphore, #tpu.memory_space<semaphore_mem>>)
      %dma_wait3A_170 = arith.constant 0 : i32
      %dma_wait3A_171 = tpu.memref_slice %arg5[%run_scoped3A, %dma_wait3A_170] : memref<2x512xi32, #tpu.memory_space<vmem>> -> memref<1x512xi32, #tpu.memory_space<vmem>>
      %dma_wait3A_172 = tpu.memref_squeeze %dma_wait3A_171 : memref<1x512xi32, #tpu.memory_space<vmem>> -> memref<512xi32, #tpu.memory_space<vmem>>
      %dma_wait3A_173 = tpu.memref_slice %arg2[%mul3A_4] : memref<819200xi32, #tpu.memory_space<hbm>> -> memref<512xi32, #tpu.memory_space<hbm>>
      %dma_wait3A_174 = arith.constant 0 : i32
      %dma_wait3A_175 = tpu.memref_slice %arg5[%run_scoped3A, %dma_wait3A_174] : memref<2x512xi32, #tpu.memory_space<vmem>> -> memref<1x512xi32, #tpu.memory_space<vmem>>
      %dma_wait3A_176 = tpu.memref_squeeze %dma_wait3A_175 : memref<1x512xi32, #tpu.memory_space<vmem>> -> memref<512xi32, #tpu.memory_space<vmem>>
      %dma_wait3A_177 = tpu.memref_slice %arg2[%mul3A_4] : memref<819200xi32, #tpu.memory_space<hbm>> -> memref<512xi32, #tpu.memory_space<hbm>>
      tpu.wait_dma2 semaphore(%run_scoped3A_161 : memref<!tpu.dma_semaphore, #tpu.memory_space<semaphore_mem>>) src(%dma_wait3A_177 : memref<512xi32, #tpu.memory_space<hbm>>) dst(%dma_wait3A_176 : memref<512xi32, #tpu.memory_space<vmem>>)
      tpu.yield
    }) : () -> ()
    %add3A_5 = arith.constant 1 : i32
    %add3A_6 = arith.addi %mul3A_2, %add3A_5 : i32
    %mul3A_7 = arith.constant 512 : i32
    %mul3A_8 = arith.muli %add3A_6, %mul3A_7 : i32
    %dma_start3A = arith.constant 1 : i32
    %dma_start3A_9 = arith.constant 0 : i32
    %dma_start3A_10 = tpu.memref_slice %arg5[%dma_start3A, %dma_start3A_9] : memref<2x512xi32, #tpu.memory_space<vmem>> -> memref<1x512xi32, #tpu.memory_space<vmem>>
    %dma_start3A_11 = tpu.memref_squeeze %dma_start3A_10 : memref<1x512xi32, #tpu.memory_space<vmem>> -> memref<512xi32, #tpu.memory_space<vmem>>
    %dma_start3A_12 = tpu.memref_slice %arg2[%mul3A_8] : memref<819200xi32, #tpu.memory_space<hbm>> -> memref<512xi32, #tpu.memory_space<hbm>>
    %dma_start3A_13 = arith.constant 0 : i32
    %dma_start3A_14 = tpu.memref_slice %arg5[%dma_start3A, %dma_start3A_13] : memref<2x512xi32, #tpu.memory_space<vmem>> -> memref<1x512xi32, #tpu.memory_space<vmem>>
    %dma_start3A_15 = tpu.memref_squeeze %dma_start3A_14 : memref<1x512xi32, #tpu.memory_space<vmem>> -> memref<512xi32, #tpu.memory_space<vmem>>
    %dma_start3A_16 = tpu.memref_slice %arg2[%mul3A_8] : memref<819200xi32, #tpu.memory_space<hbm>> -> memref<512xi32, #tpu.memory_space<hbm>>
    tpu.enqueue_dma source(%dma_start3A_16 : memref<512xi32, #tpu.memory_space<hbm>>) target(%dma_start3A_15 : memref<512xi32, #tpu.memory_space<vmem>>) target_semaphore(%arg11 : memref<!tpu.dma_semaphore, #tpu.memory_space<semaphore_mem>>)
    %dma_start3A_17 = arith.constant 0 : i32
    %dma_start3A_18 = arith.constant 0 : i32
    %dma_start3A_19 = arith.constant 0 : i32
    %dma_start3A_20 = arith.constant 0 : i32
    %dma_start3A_21 = tpu.memref_slice %arg6[%dma_start3A_18, %dma_start3A_19, %dma_start3A_20] : memref<2x512x32xf32, #tpu.memory_space<vmem>> -> memref<1x512x32xf32, #tpu.memory_space<vmem>>
    %dma_start3A_22 = tpu.memref_squeeze %dma_start3A_21 : memref<1x512x32xf32, #tpu.memory_space<vmem>> -> memref<512x32xf32, #tpu.memory_space<vmem>>
    %dma_start3A_23 = arith.constant 0 : i32
    %dma_start3A_24 = tpu.memref_slice %arg5[%dma_start3A_17, %dma_start3A_23] : memref<2x512xi32, #tpu.memory_space<vmem>> -> memref<1x512xi32, #tpu.memory_space<vmem>>
    %dma_start3A_25 = tpu.memref_squeeze %dma_start3A_24 : memref<1x512xi32, #tpu.memory_space<vmem>> -> memref<512xi32, #tpu.memory_space<vmem>>
    %dma_start3A_26 = arith.constant 0 : i32
    %dma_start3A_27 = arith.constant 0 : i32
    %dma_start3A_28 = tpu.memref_slice %arg3[%dma_start3A_26, %dma_start3A_27] : memref<1000000x32xf32, #tpu.memory_space<hbm>> -> memref<1000000x32xf32, #tpu.memory_space<hbm>>
    tpu.enqueue_indirect_dma source(%dma_start3A_28 : memref<1000000x32xf32, #tpu.memory_space<hbm>>) target(%dma_start3A_22 : memref<512x32xf32, #tpu.memory_space<vmem>>) offsets(%dma_start3A_25 : memref<512xi32, #tpu.memory_space<vmem>>) semaphore(%arg8 : memref<!tpu.dma_semaphore, #tpu.memory_space<semaphore_mem>>)
    %scan3A = arith.constant 0 : i32
    %scan3A_29 = arith.constant 0 : i32
    %scan3A_30 = arith.constant 25 : i32
    %scan3A_31 = arith.addi %scan3A_29, %scan3A_30 : i32
    %scan3A_32 = arith.constant 1 : i32
    scf.for %scan3A_161 = %scan3A_29 to %scan3A_31 step %scan3A_32  : i32 {
      %mul3A_162 = arith.constant 2 : i32
      %mul3A_163 = arith.muli %scan3A_161, %mul3A_162 : i32
      %add3A_164 = arith.constant 0 : i32
      %add3A_165 = arith.addi %mul3A_163, %add3A_164 : i32
      %add3A_166 = arith.addi %mul3A_2, %add3A_165 : i32
      %dma_wait3A_167 = arith.constant 0 : i32
      %dma_wait3A_168 = arith.constant 0 : i32
      %dma_wait3A_169 = arith.constant 0 : i32
      %dma_wait3A_170 = arith.constant 0 : i32
      %dma_wait3A_171 = tpu.memref_slice %arg6[%dma_wait3A_168, %dma_wait3A_169, %dma_wait3A_170] : memref<2x512x32xf32, #tpu.memory_space<vmem>> -> memref<1x512x32xf32, #tpu.memory_space<vmem>>
      %dma_wait3A_172 = tpu.memref_squeeze %dma_wait3A_171 : memref<1x512x32xf32, #tpu.memory_space<vmem>> -> memref<512x32xf32, #tpu.memory_space<vmem>>
      %dma_wait3A_173 = arith.constant 0 : i32
      %dma_wait3A_174 = tpu.memref_slice %arg5[%dma_wait3A_167, %dma_wait3A_173] : memref<2x512xi32, #tpu.memory_space<vmem>> -> memref<1x512xi32, #tpu.memory_space<vmem>>
      %dma_wait3A_175 = tpu.memref_squeeze %dma_wait3A_174 : memref<1x512xi32, #tpu.memory_space<vmem>> -> memref<512xi32, #tpu.memory_space<vmem>>
      %dma_wait3A_176 = arith.constant 0 : i32
      %dma_wait3A_177 = arith.constant 0 : i32
      %dma_wait3A_178 = tpu.memref_slice %arg3[%dma_wait3A_176, %dma_wait3A_177] : memref<1000000x32xf32, #tpu.memory_space<hbm>> -> memref<1000000x32xf32, #tpu.memory_space<hbm>>
      tpu.wait_indirect_dma semaphore(%arg8 : memref<!tpu.dma_semaphore, #tpu.memory_space<semaphore_mem>>) src(%dma_wait3A_178 : memref<1000000x32xf32, #tpu.memory_space<hbm>>) dst(%dma_wait3A_172 : memref<512x32xf32, #tpu.memory_space<vmem>>)
      %add3A_179 = arith.constant 2 : i32
      %add3A_180 = arith.addi %add3A_165, %add3A_179 : i32
      %lt3A_181 = arith.constant 50 : i32
      %lt3A_182 = arith.cmpi slt, %add3A_180, %lt3A_181 : i32
      %convert_element_type3A = arith.extui %lt3A_182 : i1 to i32
      %cond3A = arith.constant 0 : i32
      %cond3A_183 = arith.cmpi ne, %convert_element_type3A, %cond3A : i32
      scf.if %cond3A_183 {
        %add3A_366 = arith.constant 2 : i32
        %add3A_367 = arith.addi %add3A_166, %add3A_366 : i32
        %mul3A_368 = arith.constant 512 : i32
        %mul3A_369 = arith.muli %add3A_367, %mul3A_368 : i32
        %dma_start3A_370 = arith.constant 0 : i32
        %dma_start3A_371 = arith.constant 0 : i32
        %dma_start3A_372 = tpu.memref_slice %arg5[%dma_start3A_370, %dma_start3A_371] : memref<2x512xi32, #tpu.memory_space<vmem>> -> memref<1x512xi32, #tpu.memory_space<vmem>>
        %dma_start3A_373 = tpu.memref_squeeze %dma_start3A_372 : memref<1x512xi32, #tpu.memory_space<vmem>> -> memref<512xi32, #tpu.memory_space<vmem>>
        %dma_start3A_374 = tpu.memref_slice %arg2[%mul3A_369] : memref<819200xi32, #tpu.memory_space<hbm>> -> memref<512xi32, #tpu.memory_space<hbm>>
        %dma_start3A_375 = arith.constant 0 : i32
        %dma_start3A_376 = tpu.memref_slice %arg5[%dma_start3A_370, %dma_start3A_375] : memref<2x512xi32, #tpu.memory_space<vmem>> -> memref<1x512xi32, #tpu.memory_space<vmem>>
        %dma_start3A_377 = tpu.memref_squeeze %dma_start3A_376 : memref<1x512xi32, #tpu.memory_space<vmem>> -> memref<512xi32, #tpu.memory_space<vmem>>
        %dma_start3A_378 = tpu.memref_slice %arg2[%mul3A_369] : memref<819200xi32, #tpu.memory_space<hbm>> -> memref<512xi32, #tpu.memory_space<hbm>>
        tpu.enqueue_dma source(%dma_start3A_378 : memref<512xi32, #tpu.memory_space<hbm>>) target(%dma_start3A_377 : memref<512xi32, #tpu.memory_space<vmem>>) target_semaphore(%arg10 : memref<!tpu.dma_semaphore, #tpu.memory_space<semaphore_mem>>)
      } else {
      }
      %add3A_184 = arith.constant 1 : i32
      %add3A_185 = arith.addi %add3A_165, %add3A_184 : i32
      %lt3A_186 = arith.constant 50 : i32
      %lt3A_187 = arith.cmpi slt, %add3A_185, %lt3A_186 : i32
      %convert_element_type3A_188 = arith.extui %lt3A_187 : i1 to i32
      %cond3A_189 = arith.constant 0 : i32
      %cond3A_190 = arith.cmpi ne, %convert_element_type3A_188, %cond3A_189 : i32
      scf.if %cond3A_190 {
        %add3A_366 = arith.constant 1 : i32
        %add3A_367 = arith.addi %add3A_166, %add3A_366 : i32
        %mul3A_368 = arith.constant 512 : i32
        %mul3A_369 = arith.muli %add3A_367, %mul3A_368 : i32
        %dma_wait3A_370 = arith.constant 1 : i32
        %dma_wait3A_371 = arith.constant 0 : i32
        %dma_wait3A_372 = tpu.memref_slice %arg5[%dma_wait3A_370, %dma_wait3A_371] : memref<2x512xi32, #tpu.memory_space<vmem>> -> memref<1x512xi32, #tpu.memory_space<vmem>>
        %dma_wait3A_373 = tpu.memref_squeeze %dma_wait3A_372 : memref<1x512xi32, #tpu.memory_space<vmem>> -> memref<512xi32, #tpu.memory_space<vmem>>
        %dma_wait3A_374 = tpu.memref_slice %arg2[%mul3A_369] : memref<819200xi32, #tpu.memory_space<hbm>> -> memref<512xi32, #tpu.memory_space<hbm>>
        %dma_wait3A_375 = arith.constant 0 : i32
        %dma_wait3A_376 = tpu.memref_slice %arg5[%dma_wait3A_370, %dma_wait3A_375] : memref<2x512xi32, #tpu.memory_space<vmem>> -> memref<1x512xi32, #tpu.memory_space<vmem>>
        %dma_wait3A_377 = tpu.memref_squeeze %dma_wait3A_376 : memref<1x512xi32, #tpu.memory_space<vmem>> -> memref<512xi32, #tpu.memory_space<vmem>>
        %dma_wait3A_378 = tpu.memref_slice %arg2[%mul3A_369] : memref<819200xi32, #tpu.memory_space<hbm>> -> memref<512xi32, #tpu.memory_space<hbm>>
        tpu.wait_dma2 semaphore(%arg11 : memref<!tpu.dma_semaphore, #tpu.memory_space<semaphore_mem>>) src(%dma_wait3A_378 : memref<512xi32, #tpu.memory_space<hbm>>) dst(%dma_wait3A_377 : memref<512xi32, #tpu.memory_space<vmem>>)
        %add3A_379 = arith.constant 1 : i32
        %add3A_380 = arith.addi %add3A_166, %add3A_379 : i32
        %dma_start3A_381 = arith.constant 1 : i32
        %dma_start3A_382 = arith.constant 1 : i32
        %dma_start3A_383 = arith.constant 0 : i32
        %dma_start3A_384 = arith.constant 0 : i32
        %dma_start3A_385 = tpu.memref_slice %arg6[%dma_start3A_382, %dma_start3A_383, %dma_start3A_384] : memref<2x512x32xf32, #tpu.memory_space<vmem>> -> memref<1x512x32xf32, #tpu.memory_space<vmem>>
        %dma_start3A_386 = tpu.memref_squeeze %dma_start3A_385 : memref<1x512x32xf32, #tpu.memory_space<vmem>> -> memref<512x32xf32, #tpu.memory_space<vmem>>
        %dma_start3A_387 = arith.constant 0 : i32
        %dma_start3A_388 = tpu.memref_slice %arg5[%dma_start3A_381, %dma_start3A_387] : memref<2x512xi32, #tpu.memory_space<vmem>> -> memref<1x512xi32, #tpu.memory_space<vmem>>
        %dma_start3A_389 = tpu.memref_squeeze %dma_start3A_388 : memref<1x512xi32, #tpu.memory_space<vmem>> -> memref<512xi32, #tpu.memory_space<vmem>>
        %dma_start3A_390 = arith.constant 0 : i32
        %dma_start3A_391 = arith.constant 0 : i32
        %dma_start3A_392 = tpu.memref_slice %arg3[%dma_start3A_390, %dma_start3A_391] : memref<1000000x32xf32, #tpu.memory_space<hbm>> -> memref<1000000x32xf32, #tpu.memory_space<hbm>>
        tpu.enqueue_indirect_dma source(%dma_start3A_392 : memref<1000000x32xf32, #tpu.memory_space<hbm>>) target(%dma_start3A_386 : memref<512x32xf32, #tpu.memory_space<vmem>>) offsets(%dma_start3A_389 : memref<512xi32, #tpu.memory_space<vmem>>) semaphore(%arg9 : memref<!tpu.dma_semaphore, #tpu.memory_space<semaphore_mem>>)
      } else {
      }
      %ge3A = arith.constant 2 : i32
      %ge3A_191 = arith.cmpi sge, %add3A_165, %ge3A : i32
      %convert_element_type3A_192 = arith.extui %ge3A_191 : i1 to i32
      %cond3A_193 = arith.constant 0 : i32
      %cond3A_194 = arith.cmpi ne, %convert_element_type3A_192, %cond3A_193 : i32
      scf.if %cond3A_194 {
        %sub3A_366 = arith.constant 2 : i32
        %sub3A_367 = arith.subi %add3A_166, %sub3A_366 : i32
        %jit3A_368 = arith.constant 32 : i32
        %div3A_369 = arith.divsi %sub3A_367, %jit3A_368 : i32
        %sign3A_370 = arith.constant 0 : i32
        %sign3A_371 = arith.cmpi sgt, %sub3A_367, %sign3A_370 : i32
        %sign3A_372 = arith.extui %sign3A_371 : i1 to i32
        %sign3A_373 = arith.constant 0 : i32
        %sign3A_374 = arith.cmpi slt, %sub3A_367, %sign3A_373 : i32
        %sign3A_375 = arith.extui %sign3A_374 : i1 to i32
        %sign3A_376 = arith.subi %sign3A_372, %sign3A_375 : i32
        %sign3A_377 = arith.constant 0 : i32
        %sign3A_378 = arith.cmpi sgt, %jit3A_368, %sign3A_377 : i32
        %sign3A_379 = arith.extui %sign3A_378 : i1 to i32
        %sign3A_380 = arith.constant 0 : i32
        %sign3A_381 = arith.cmpi slt, %jit3A_368, %sign3A_380 : i32
        %sign3A_382 = arith.extui %sign3A_381 : i1 to i32
        %sign3A_383 = arith.subi %sign3A_379, %sign3A_382 : i32
        %ne3A_384 = arith.cmpi ne, %sign3A_376, %sign3A_383 : i32
        %rem3A_385 = arith.remsi %sub3A_367, %jit3A_368 : i32
        %ne3A_386 = arith.constant 0 : i32
        %ne3A_387 = arith.cmpi ne, %rem3A_385, %ne3A_386 : i32
        %and3A_388 = arith.andi %ne3A_384, %ne3A_387 : i1
        %sub3A_389 = arith.constant 1 : i32
        %sub3A_390 = arith.subi %div3A_369, %sub3A_389 : i32
        %select_n3A_391 = arith.select %and3A_388, %sub3A_390, %div3A_369 : i32
        %jit3A_392 = arith.constant 32 : i32
        %eq3A_393 = arith.constant 0 : i32
        %eq3A_394 = arith.cmpi eq, %jit3A_392, %eq3A_393 : i32
        %jit3A_395 = arith.constant 1 : i32
        %select_n3A_396 = arith.select %eq3A_394, %jit3A_395, %jit3A_392 : i32
        %rem3A_397 = arith.remsi %sub3A_367, %select_n3A_396 : i32
        %ne3A_398 = arith.constant 0 : i32
        %ne3A_399 = arith.cmpi ne, %rem3A_397, %ne3A_398 : i32
        %lt3A_400 = arith.constant 0 : i32
        %lt3A_401 = arith.cmpi slt, %rem3A_397, %lt3A_400 : i32
        %lt3A_402 = arith.constant 0 : i32
        %lt3A_403 = arith.cmpi slt, %select_n3A_396, %lt3A_402 : i32
        %ne3A_404 = arith.xori %lt3A_401, %lt3A_403 : i1
        %and3A_405 = arith.andi %ne3A_404, %ne3A_399 : i1
        %add3A_406 = arith.addi %rem3A_397, %select_n3A_396 : i32
        %select_n3A_407 = arith.select %and3A_405, %add3A_406, %rem3A_397 : i32
        %mul3A_408 = arith.constant 4 : i32
        %mul3A_409 = arith.muli %select_n3A_407, %mul3A_408 : i32
        %dma_wait3A_410 = arith.constant 0 : i32
        %dma_wait3A_411 = arith.constant 0 : i32
        %dma_wait3A_412 = arith.constant 0 : i32
        %dma_wait3A_413 = arith.constant 0 : i32
        %dma_wait3A_414 = arith.constant 0 : i32
        %dma_wait3A_415 = tpu.memref_slice %arg7[%dma_wait3A_410, %dma_wait3A_411, %dma_wait3A_412, %dma_wait3A_413, %dma_wait3A_414] : memref<2x4x4x8x128xf32, #tpu.memory_space<vmem>> -> memref<1x4x4x8x128xf32, #tpu.memory_space<vmem>>
        %dma_wait3A_416 = tpu.memref_squeeze %dma_wait3A_415 : memref<1x4x4x8x128xf32, #tpu.memory_space<vmem>> -> memref<4x4x8x128xf32, #tpu.memory_space<vmem>>
        %dma_wait3A_417 = arith.constant 0 : i32
        %dma_wait3A_418 = arith.constant 0 : i32
        %dma_wait3A_419 = arith.constant 0 : i32
        %dma_wait3A_420 = tpu.memref_slice %arg4[%select_n3A_391, %dma_wait3A_417, %mul3A_409, %dma_wait3A_418, %dma_wait3A_419] : memref<50x4x128x8x128xf32, #tpu.memory_space<hbm>> -> memref<1x4x4x8x128xf32, #tpu.memory_space<hbm>>
        %dma_wait3A_421 = tpu.memref_squeeze %dma_wait3A_420 : memref<1x4x4x8x128xf32, #tpu.memory_space<hbm>> -> memref<4x4x8x128xf32, #tpu.memory_space<hbm>>
        %dma_wait3A_422 = arith.constant 0 : i32
        %dma_wait3A_423 = arith.constant 0 : i32
        %dma_wait3A_424 = arith.constant 0 : i32
        %dma_wait3A_425 = tpu.memref_slice %arg4[%select_n3A_391, %dma_wait3A_422, %mul3A_409, %dma_wait3A_423, %dma_wait3A_424] : memref<50x4x128x8x128xf32, #tpu.memory_space<hbm>> -> memref<1x4x4x8x128xf32, #tpu.memory_space<hbm>>
        %dma_wait3A_426 = tpu.memref_squeeze %dma_wait3A_425 : memref<1x4x4x8x128xf32, #tpu.memory_space<hbm>> -> memref<4x4x8x128xf32, #tpu.memory_space<hbm>>
        %dma_wait3A_427 = arith.constant 0 : i32
        %dma_wait3A_428 = arith.constant 0 : i32
        %dma_wait3A_429 = arith.constant 0 : i32
        %dma_wait3A_430 = arith.constant 0 : i32
        %dma_wait3A_431 = tpu.memref_slice %arg7[%dma_wait3A_410, %dma_wait3A_427, %dma_wait3A_428, %dma_wait3A_429, %dma_wait3A_430] : memref<2x4x4x8x128xf32, #tpu.memory_space<vmem>> -> memref<1x4x4x8x128xf32, #tpu.memory_space<vmem>>
        %dma_wait3A_432 = tpu.memref_squeeze %dma_wait3A_431 : memref<1x4x4x8x128xf32, #tpu.memory_space<vmem>> -> memref<4x4x8x128xf32, #tpu.memory_space<vmem>>
        tpu.wait_dma2 semaphore(%arg12 : memref<!tpu.dma_semaphore, #tpu.memory_space<semaphore_mem>>) src(%dma_wait3A_432 : memref<4x4x8x128xf32, #tpu.memory_space<vmem>>) dst(%dma_wait3A_426 : memref<4x4x8x128xf32, #tpu.memory_space<hbm>>)
      } else {
      }
      %parallel_loop3A = arith.constant 0 : i32
      %parallel_loop3A_195 = arith.constant 32 : i32
      %parallel_loop3A_196 = arith.constant 1 : i32
      scf.for %parallel_loop3A_366 = %parallel_loop3A to %parallel_loop3A_195 step %parallel_loop3A_196  : i32 {
        %parallel_loop3A_367 = arith.constant 8 : i32
        %parallel_loop3A_368 = arith.divsi %parallel_loop3A_366, %parallel_loop3A_367 : i32
        %parallel_loop3A_369 = arith.constant 0 : i32
        %parallel_loop3A_370 = arith.cmpi sgt, %parallel_loop3A_366, %parallel_loop3A_369 : i32
        %parallel_loop3A_371 = arith.extui %parallel_loop3A_370 : i1 to i32
        %parallel_loop3A_372 = arith.constant 0 : i32
        %parallel_loop3A_373 = arith.cmpi slt, %parallel_loop3A_366, %parallel_loop3A_372 : i32
        %parallel_loop3A_374 = arith.extui %parallel_loop3A_373 : i1 to i32
        %parallel_loop3A_375 = arith.subi %parallel_loop3A_371, %parallel_loop3A_374 : i32
        %parallel_loop3A_376 = arith.constant 0 : i32
        %parallel_loop3A_377 = arith.cmpi sgt, %parallel_loop3A_367, %parallel_loop3A_376 : i32
        %parallel_loop3A_378 = arith.extui %parallel_loop3A_377 : i1 to i32
        %parallel_loop3A_379 = arith.constant 0 : i32
        %parallel_loop3A_380 = arith.cmpi slt, %parallel_loop3A_367, %parallel_loop3A_379 : i32
        %parallel_loop3A_381 = arith.extui %parallel_loop3A_380 : i1 to i32
        %parallel_loop3A_382 = arith.subi %parallel_loop3A_378, %parallel_loop3A_381 : i32
        %parallel_loop3A_383 = arith.cmpi ne, %parallel_loop3A_375, %parallel_loop3A_382 : i32
        %parallel_loop3A_384 = arith.remsi %parallel_loop3A_366, %parallel_loop3A_367 : i32
        %parallel_loop3A_385 = arith.constant 0 : i32
        %parallel_loop3A_386 = arith.cmpi ne, %parallel_loop3A_384, %parallel_loop3A_385 : i32
        %parallel_loop3A_387 = arith.andi %parallel_loop3A_383, %parallel_loop3A_386 : i1
        %parallel_loop3A_388 = arith.constant 1 : i32
        %parallel_loop3A_389 = arith.subi %parallel_loop3A_368, %parallel_loop3A_388 : i32
        %parallel_loop3A_390 = arith.select %parallel_loop3A_387, %parallel_loop3A_389, %parallel_loop3A_368 : i32
        %parallel_loop3A_391 = arith.constant 8 : i32
        %parallel_loop3A_392 = arith.constant 0 : i32
        %parallel_loop3A_393 = arith.cmpi eq, %parallel_loop3A_391, %parallel_loop3A_392 : i32
        %parallel_loop3A_394 = arith.constant 1 : i32
        %parallel_loop3A_395 = arith.select %parallel_loop3A_393, %parallel_loop3A_394, %parallel_loop3A_391 : i32
        %parallel_loop3A_396 = arith.remsi %parallel_loop3A_366, %parallel_loop3A_395 : i32
        %parallel_loop3A_397 = arith.constant 0 : i32
        %parallel_loop3A_398 = arith.cmpi ne, %parallel_loop3A_396, %parallel_loop3A_397 : i32
        %parallel_loop3A_399 = arith.constant 0 : i32
        %parallel_loop3A_400 = arith.cmpi slt, %parallel_loop3A_396, %parallel_loop3A_399 : i32
        %parallel_loop3A_401 = arith.constant 0 : i32
        %parallel_loop3A_402 = arith.cmpi slt, %parallel_loop3A_395, %parallel_loop3A_401 : i32
        %parallel_loop3A_403 = arith.xori %parallel_loop3A_400, %parallel_loop3A_402 : i1
        %parallel_loop3A_404 = arith.andi %parallel_loop3A_403, %parallel_loop3A_398 : i1
        %parallel_loop3A_405 = arith.addi %parallel_loop3A_396, %parallel_loop3A_395 : i32
        %parallel_loop3A_406 = arith.select %parallel_loop3A_404, %parallel_loop3A_405, %parallel_loop3A_396 : i32
        %parallel_loop3A_407 = arith.constant 16 : i32
        %parallel_loop3A_408 = arith.muli %parallel_loop3A_406, %parallel_loop3A_407 : i32
        %parallel_loop3A_409 = arith.constant 16 : i32
        %parallel_loop3A_410 = arith.muli %parallel_loop3A_366, %parallel_loop3A_409 : i32
        %parallel_loop3A_411 = vector.broadcast %parallel_loop3A_410 : i32 to vector<16xi32>
        %parallel_loop3A_412 = arith.addi %parallel_loop3A_411, %iota3A : vector<16xi32>
        %parallel_loop3A_413 = arith.constant 0 : i32
        %parallel_loop3A_414 = vector.broadcast %parallel_loop3A_413 : i32 to vector<16xi32>
        %parallel_loop3A_415 = arith.constant 0 : i32
        %parallel_loop3A_416 = arith.constant 0 : i32
        %parallel_loop3A_417 = arith.constant 0 : i32
        %parallel_loop3A_418 = tpu.memref_slice %arg6[%parallel_loop3A_415, %parallel_loop3A_416, %parallel_loop3A_417] : memref<2x512x32xf32, #tpu.memory_space<vmem>> -> memref<1x512x32xf32, #tpu.memory_space<vmem>>
        %parallel_loop3A_419 = tpu.memref_squeeze %parallel_loop3A_418 : memref<1x512x32xf32, #tpu.memory_space<vmem>> -> memref<512x32xf32, #tpu.memory_space<vmem>>
        %parallel_loop3A_420 = tpu.vector_load_idx %parallel_loop3A_419[%parallel_loop3A_412, %parallel_loop3A_414] : memref<512x32xf32, #tpu.memory_space<vmem>>[vector<16xi32>, vector<16xi32>], vector<16xf32>,
        %parallel_loop3A_421 = arith.constant 0 : i32
        %parallel_loop3A_422 = arith.constant 0 : i32
        %parallel_loop3A_423 = arith.constant 0 : i32
        %parallel_loop3A_424 = arith.index_cast %parallel_loop3A_421 : i32 to index
        %parallel_loop3A_425 = arith.index_cast %parallel_loop3A_422 : i32 to index
        %parallel_loop3A_426 = arith.index_cast %parallel_loop3A_390 : i32 to index
        %parallel_loop3A_427 = arith.index_cast %parallel_loop3A_423 : i32 to index
        %parallel_loop3A_428 = arith.index_cast %parallel_loop3A_408 : i32 to index
        %parallel_loop3A_429 = tpu.vector_load %arg7[%parallel_loop3A_424, %parallel_loop3A_425, %parallel_loop3A_426, %parallel_loop3A_427, %parallel_loop3A_428] {strides = array<i32>} : memref<2x4x4x8x128xf32, #tpu.memory_space<vmem>>, vector<16xf32>,
        tpu.vector_store %arg7[%parallel_loop3A_424, %parallel_loop3A_425, %parallel_loop3A_426, %parallel_loop3A_427, %parallel_loop3A_428], %parallel_loop3A_420 {strides = array<i32>} : memref<2x4x4x8x128xf32, #tpu.memory_space<vmem>>, vector<16xf32>,
        %parallel_loop3A_430 = arith.constant 1 : i32
        %parallel_loop3A_431 = vector.broadcast %parallel_loop3A_430 : i32 to vector<16xi32>
        %parallel_loop3A_432 = arith.constant 0 : i32
        %parallel_loop3A_433 = arith.constant 0 : i32
        %parallel_loop3A_434 = arith.constant 0 : i32
        %parallel_loop3A_435 = tpu.memref_slice %arg6[%parallel_loop3A_432, %parallel_loop3A_433, %parallel_loop3A_434] : memref<2x512x32xf32, #tpu.memory_space<vmem>> -> memref<1x512x32xf32, #tpu.memory_space<vmem>>
        %parallel_loop3A_436 = tpu.memref_squeeze %parallel_loop3A_435 : memref<1x512x32xf32, #tpu.memory_space<vmem>> -> memref<512x32xf32, #tpu.memory_space<vmem>>
        %parallel_loop3A_437 = tpu.vector_load_idx %parallel_loop3A_436[%parallel_loop3A_412, %parallel_loop3A_431] : memref<512x32xf32, #tpu.memory_space<vmem>>[vector<16xi32>, vector<16xi32>], vector<16xf32>,
        %parallel_loop3A_438 = arith.constant 0 : i32
        %parallel_loop3A_439 = arith.constant 0 : i32
        %parallel_loop3A_440 = arith.constant 1 : i32
        %parallel_loop3A_441 = arith.index_cast %parallel_loop3A_438 : i32 to index
        %parallel_loop3A_442 = arith.index_cast %parallel_loop3A_439 : i32 to index
        %parallel_loop3A_443 = arith.index_cast %parallel_loop3A_390 : i32 to index
        %parallel_loop3A_444 = arith.index_cast %parallel_loop3A_440 : i32 to index
        %parallel_loop3A_445 = arith.index_cast %parallel_loop3A_408 : i32 to index
        %parallel_loop3A_446 = tpu.vector_load %arg7[%parallel_loop3A_441, %parallel_loop3A_442, %parallel_loop3A_443, %parallel_loop3A_444, %parallel_loop3A_445] {strides = array<i32>} : memref<2x4x4x8x128xf32, #tpu.memory_space<vmem>>, vector<16xf32>,
        tpu.vector_store %arg7[%parallel_loop3A_441, %parallel_loop3A_442, %parallel_loop3A_443, %parallel_loop3A_444, %parallel_loop3A_445], %parallel_loop3A_437 {strides = array<i32>} : memref<2x4x4x8x128xf32, #tpu.memory_space<vmem>>, vector<16xf32>,
        %parallel_loop3A_447 = arith.constant 2 : i32
        %parallel_loop3A_448 = vector.broadcast %parallel_loop3A_447 : i32 to vector<16xi32>
        %parallel_loop3A_449 = arith.constant 0 : i32
        %parallel_loop3A_450 = arith.constant 0 : i32
        %parallel_loop3A_451 = arith.constant 0 : i32
        %parallel_loop3A_452 = tpu.memref_slice %arg6[%parallel_loop3A_449, %parallel_loop3A_450, %parallel_loop3A_451] : memref<2x512x32xf32, #tpu.memory_space<vmem>> -> memref<1x512x32xf32, #tpu.memory_space<vmem>>
        %parallel_loop3A_453 = tpu.memref_squeeze %parallel_loop3A_452 : memref<1x512x32xf32, #tpu.memory_space<vmem>> -> memref<512x32xf32, #tpu.memory_space<vmem>>
        %parallel_loop3A_454 = tpu.vector_load_idx %parallel_loop3A_453[%parallel_loop3A_412, %parallel_loop3A_448] : memref<512x32xf32, #tpu.memory_space<vmem>>[vector<16xi32>, vector<16xi32>], vector<16xf32>,
        %parallel_loop3A_455 = arith.constant 0 : i32
        %parallel_loop3A_456 = arith.constant 0 : i32
        %parallel_loop3A_457 = arith.constant 2 : i32
        %parallel_loop3A_458 = arith.index_cast %parallel_loop3A_455 : i32 to index
        %parallel_loop3A_459 = arith.index_cast %parallel_loop3A_456 : i32 to index
        %parallel_loop3A_460 = arith.index_cast %parallel_loop3A_390 : i32 to index
        %parallel_loop3A_461 = arith.index_cast %parallel_loop3A_457 : i32 to index
        %parallel_loop3A_462 = arith.index_cast %parallel_loop3A_408 : i32 to index
        %parallel_loop3A_463 = tpu.vector_load %arg7[%parallel_loop3A_458, %parallel_loop3A_459, %parallel_loop3A_460, %parallel_loop3A_461, %parallel_loop3A_462] {strides = array<i32>} : memref<2x4x4x8x128xf32, #tpu.memory_space<vmem>>, vector<16xf32>,
        tpu.vector_store %arg7[%parallel_loop3A_458, %parallel_loop3A_459, %parallel_loop3A_460, %parallel_loop3A_461, %parallel_loop3A_462], %parallel_loop3A_454 {strides = array<i32>} : memref<2x4x4x8x128xf32, #tpu.memory_space<vmem>>, vector<16xf32>,
        %parallel_loop3A_464 = arith.constant 3 : i32
        %parallel_loop3A_465 = vector.broadcast %parallel_loop3A_464 : i32 to vector<16xi32>
        %parallel_loop3A_466 = arith.constant 0 : i32
        %parallel_loop3A_467 = arith.constant 0 : i32
        %parallel_loop3A_468 = arith.constant 0 : i32
        %parallel_loop3A_469 = tpu.memref_slice %arg6[%parallel_loop3A_466, %parallel_loop3A_467, %parallel_loop3A_468] : memref<2x512x32xf32, #tpu.memory_space<vmem>> -> memref<1x512x32xf32, #tpu.memory_space<vmem>>
        %parallel_loop3A_470 = tpu.memref_squeeze %parallel_loop3A_469 : memref<1x512x32xf32, #tpu.memory_space<vmem>> -> memref<512x32xf32, #tpu.memory_space<vmem>>
        %parallel_loop3A_471 = tpu.vector_load_idx %parallel_loop3A_470[%parallel_loop3A_412, %parallel_loop3A_465] : memref<512x32xf32, #tpu.memory_space<vmem>>[vector<16xi32>, vector<16xi32>], vector<16xf32>,
        %parallel_loop3A_472 = arith.constant 0 : i32
        %parallel_loop3A_473 = arith.constant 0 : i32
        %parallel_loop3A_474 = arith.constant 3 : i32
        %parallel_loop3A_475 = arith.index_cast %parallel_loop3A_472 : i32 to index
        %parallel_loop3A_476 = arith.index_cast %parallel_loop3A_473 : i32 to index
        %parallel_loop3A_477 = arith.index_cast %parallel_loop3A_390 : i32 to index
        %parallel_loop3A_478 = arith.index_cast %parallel_loop3A_474 : i32 to index
        %parallel_loop3A_479 = arith.index_cast %parallel_loop3A_408 : i32 to index
        %parallel_loop3A_480 = tpu.vector_load %arg7[%parallel_loop3A_475, %parallel_loop3A_476, %parallel_loop3A_477, %parallel_loop3A_478, %parallel_loop3A_479] {strides = array<i32>} : memref<2x4x4x8x128xf32, #tpu.memory_space<vmem>>, vector<16xf32>,
        tpu.vector_store %arg7[%parallel_loop3A_475, %parallel_loop3A_476, %parallel_loop3A_477, %parallel_loop3A_478, %parallel_loop3A_479], %parallel_loop3A_471 {strides = array<i32>} : memref<2x4x4x8x128xf32, #tpu.memory_space<vmem>>, vector<16xf32>,
        %parallel_loop3A_481 = arith.constant 4 : i32
        %parallel_loop3A_482 = vector.broadcast %parallel_loop3A_481 : i32 to vector<16xi32>
        %parallel_loop3A_483 = arith.constant 0 : i32
        %parallel_loop3A_484 = arith.constant 0 : i32
        %parallel_loop3A_485 = arith.constant 0 : i32
        %parallel_loop3A_486 = tpu.memref_slice %arg6[%parallel_loop3A_483, %parallel_loop3A_484, %parallel_loop3A_485] : memref<2x512x32xf32, #tpu.memory_space<vmem>> -> memref<1x512x32xf32, #tpu.memory_space<vmem>>
        %parallel_loop3A_487 = tpu.memref_squeeze %parallel_loop3A_486 : memref<1x512x32xf32, #tpu.memory_space<vmem>> -> memref<512x32xf32, #tpu.memory_space<vmem>>
        %parallel_loop3A_488 = tpu.vector_load_idx %parallel_loop3A_487[%parallel_loop3A_412, %parallel_loop3A_482] : memref<512x32xf32, #tpu.memory_space<vmem>>[vector<16xi32>, vector<16xi32>], vector<16xf32>,
        %parallel_loop3A_489 = arith.constant 0 : i32
        %parallel_loop3A_490 = arith.constant 0 : i32
        %parallel_loop3A_491 = arith.constant 4 : i32
        %parallel_loop3A_492 = arith.index_cast %parallel_loop3A_489 : i32 to index
        %parallel_loop3A_493 = arith.index_cast %parallel_loop3A_490 : i32 to index
        %parallel_loop3A_494 = arith.index_cast %parallel_loop3A_390 : i32 to index
        %parallel_loop3A_495 = arith.index_cast %parallel_loop3A_491 : i32 to index
        %parallel_loop3A_496 = arith.index_cast %parallel_loop3A_408 : i32 to index
        %parallel_loop3A_497 = tpu.vector_load %arg7[%parallel_loop3A_492, %parallel_loop3A_493, %parallel_loop3A_494, %parallel_loop3A_495, %parallel_loop3A_496] {strides = array<i32>} : memref<2x4x4x8x128xf32, #tpu.memory_space<vmem>>, vector<16xf32>,
        tpu.vector_store %arg7[%parallel_loop3A_492, %parallel_loop3A_493, %parallel_loop3A_494, %parallel_loop3A_495, %parallel_loop3A_496], %parallel_loop3A_488 {strides = array<i32>} : memref<2x4x4x8x128xf32, #tpu.memory_space<vmem>>, vector<16xf32>,
        %parallel_loop3A_498 = arith.constant 5 : i32
        %parallel_loop3A_499 = vector.broadcast %parallel_loop3A_498 : i32 to vector<16xi32>
        %parallel_loop3A_500 = arith.constant 0 : i32
        %parallel_loop3A_501 = arith.constant 0 : i32
        %parallel_loop3A_502 = arith.constant 0 : i32
        %parallel_loop3A_503 = tpu.memref_slice %arg6[%parallel_loop3A_500, %parallel_loop3A_501, %parallel_loop3A_502] : memref<2x512x32xf32, #tpu.memory_space<vmem>> -> memref<1x512x32xf32, #tpu.memory_space<vmem>>
        %parallel_loop3A_504 = tpu.memref_squeeze %parallel_loop3A_503 : memref<1x512x32xf32, #tpu.memory_space<vmem>> -> memref<512x32xf32, #tpu.memory_space<vmem>>
        %parallel_loop3A_505 = tpu.vector_load_idx %parallel_loop3A_504[%parallel_loop3A_412, %parallel_loop3A_499] : memref<512x32xf32, #tpu.memory_space<vmem>>[vector<16xi32>, vector<16xi32>], vector<16xf32>,
        %parallel_loop3A_506 = arith.constant 0 : i32
        %parallel_loop3A_507 = arith.constant 0 : i32
        %parallel_loop3A_508 = arith.constant 5 : i32
        %parallel_loop3A_509 = arith.index_cast %parallel_loop3A_506 : i32 to index
        %parallel_loop3A_510 = arith.index_cast %parallel_loop3A_507 : i32 to index
        %parallel_loop3A_511 = arith.index_cast %parallel_loop3A_390 : i32 to index
        %parallel_loop3A_512 = arith.index_cast %parallel_loop3A_508 : i32 to index
        %parallel_loop3A_513 = arith.index_cast %parallel_loop3A_408 : i32 to index
        %parallel_loop3A_514 = tpu.vector_load %arg7[%parallel_loop3A_509, %parallel_loop3A_510, %parallel_loop3A_511, %parallel_loop3A_512, %parallel_loop3A_513] {strides = array<i32>} : memref<2x4x4x8x128xf32, #tpu.memory_space<vmem>>, vector<16xf32>,
        tpu.vector_store %arg7[%parallel_loop3A_509, %parallel_loop3A_510, %parallel_loop3A_511, %parallel_loop3A_512, %parallel_loop3A_513], %parallel_loop3A_505 {strides = array<i32>} : memref<2x4x4x8x128xf32, #tpu.memory_space<vmem>>, vector<16xf32>,
        %parallel_loop3A_515 = arith.constant 6 : i32
        %parallel_loop3A_516 = vector.broadcast %parallel_loop3A_515 : i32 to vector<16xi32>
        %parallel_loop3A_517 = arith.constant 0 : i32
        %parallel_loop3A_518 = arith.constant 0 : i32
        %parallel_loop3A_519 = arith.constant 0 : i32
        %parallel_loop3A_520 = tpu.memref_slice %arg6[%parallel_loop3A_517, %parallel_loop3A_518, %parallel_loop3A_519] : memref<2x512x32xf32, #tpu.memory_space<vmem>> -> memref<1x512x32xf32, #tpu.memory_space<vmem>>
        %parallel_loop3A_521 = tpu.memref_squeeze %parallel_loop3A_520 : memref<1x512x32xf32, #tpu.memory_space<vmem>> -> memref<512x32xf32, #tpu.memory_space<vmem>>
        %parallel_loop3A_522 = tpu.vector_load_idx %parallel_loop3A_521[%parallel_loop3A_412, %parallel_loop3A_516] : memref<512x32xf32, #tpu.memory_space<vmem>>[vector<16xi32>, vector<16xi32>], vector<16xf32>,
        %parallel_loop3A_523 = arith.constant 0 : i32
        %parallel_loop3A_524 = arith.constant 0 : i32
        %parallel_loop3A_525 = arith.constant 6 : i32
        %parallel_loop3A_526 = arith.index_cast %parallel_loop3A_523 : i32 to index
        %parallel_loop3A_527 = arith.index_cast %parallel_loop3A_524 : i32 to index
        %parallel_loop3A_528 = arith.index_cast %parallel_loop3A_390 : i32 to index
        %parallel_loop3A_529 = arith.index_cast %parallel_loop3A_525 : i32 to index
        %parallel_loop3A_530 = arith.index_cast %parallel_loop3A_408 : i32 to index
        %parallel_loop3A_531 = tpu.vector_load %arg7[%parallel_loop3A_526, %parallel_loop3A_527, %parallel_loop3A_528, %parallel_loop3A_529, %parallel_loop3A_530] {strides = array<i32>} : memref<2x4x4x8x128xf32, #tpu.memory_space<vmem>>, vector<16xf32>,
        tpu.vector_store %arg7[%parallel_loop3A_526, %parallel_loop3A_527, %parallel_loop3A_528, %parallel_loop3A_529, %parallel_loop3A_530], %parallel_loop3A_522 {strides = array<i32>} : memref<2x4x4x8x128xf32, #tpu.memory_space<vmem>>, vector<16xf32>,
        %parallel_loop3A_532 = arith.constant 7 : i32
        %parallel_loop3A_533 = vector.broadcast %parallel_loop3A_532 : i32 to vector<16xi32>
        %parallel_loop3A_534 = arith.constant 0 : i32
        %parallel_loop3A_535 = arith.constant 0 : i32
        %parallel_loop3A_536 = arith.constant 0 : i32
        %parallel_loop3A_537 = tpu.memref_slice %arg6[%parallel_loop3A_534, %parallel_loop3A_535, %parallel_loop3A_536] : memref<2x512x32xf32, #tpu.memory_space<vmem>> -> memref<1x512x32xf32, #tpu.memory_space<vmem>>
        %parallel_loop3A_538 = tpu.memref_squeeze %parallel_loop3A_537 : memref<1x512x32xf32, #tpu.memory_space<vmem>> -> memref<512x32xf32, #tpu.memory_space<vmem>>
        %parallel_loop3A_539 = tpu.vector_load_idx %parallel_loop3A_538[%parallel_loop3A_412, %parallel_loop3A_533] : memref<512x32xf32, #tpu.memory_space<vmem>>[vector<16xi32>, vector<16xi32>], vector<16xf32>,
        %parallel_loop3A_540 = arith.constant 0 : i32
        %parallel_loop3A_541 = arith.constant 0 : i32
        %parallel_loop3A_542 = arith.constant 7 : i32
        %parallel_loop3A_543 = arith.index_cast %parallel_loop3A_540 : i32 to index
        %parallel_loop3A_544 = arith.index_cast %parallel_loop3A_541 : i32 to index
        %parallel_loop3A_545 = arith.index_cast %parallel_loop3A_390 : i32 to index
        %parallel_loop3A_546 = arith.index_cast %parallel_loop3A_542 : i32 to index
        %parallel_loop3A_547 = arith.index_cast %parallel_loop3A_408 : i32 to index
        %parallel_loop3A_548 = tpu.vector_load %arg7[%parallel_loop3A_543, %parallel_loop3A_544, %parallel_loop3A_545, %parallel_loop3A_546, %parallel_loop3A_547] {strides = array<i32>} : memref<2x4x4x8x128xf32, #tpu.memory_space<vmem>>, vector<16xf32>,
        tpu.vector_store %arg7[%parallel_loop3A_543, %parallel_loop3A_544, %parallel_loop3A_545, %parallel_loop3A_546, %parallel_loop3A_547], %parallel_loop3A_539 {strides = array<i32>} : memref<2x4x4x8x128xf32, #tpu.memory_space<vmem>>, vector<16xf32>,
        %parallel_loop3A_549 = arith.constant 8 : i32
        %parallel_loop3A_550 = vector.broadcast %parallel_loop3A_549 : i32 to vector<16xi32>
        %parallel_loop3A_551 = arith.constant 0 : i32
        %parallel_loop3A_552 = arith.constant 0 : i32
        %parallel_loop3A_553 = arith.constant 0 : i32
        %parallel_loop3A_554 = tpu.memref_slice %arg6[%parallel_loop3A_551, %parallel_loop3A_552, %parallel_loop3A_553] : memref<2x512x32xf32, #tpu.memory_space<vmem>> -> memref<1x512x32xf32, #tpu.memory_space<vmem>>
        %parallel_loop3A_555 = tpu.memref_squeeze %parallel_loop3A_554 : memref<1x512x32xf32, #tpu.memory_space<vmem>> -> memref<512x32xf32, #tpu.memory_space<vmem>>
        %parallel_loop3A_556 = tpu.vector_load_idx %parallel_loop3A_555[%parallel_loop3A_412, %parallel_loop3A_550] : memref<512x32xf32, #tpu.memory_space<vmem>>[vector<16xi32>, vector<16xi32>], vector<16xf32>,
        %parallel_loop3A_557 = arith.constant 0 : i32
        %parallel_loop3A_558 = arith.constant 1 : i32
        %parallel_loop3A_559 = arith.constant 0 : i32
        %parallel_loop3A_560 = arith.index_cast %parallel_loop3A_557 : i32 to index
        %parallel_loop3A_561 = arith.index_cast %parallel_loop3A_558 : i32 to index
        %parallel_loop3A_562 = arith.index_cast %parallel_loop3A_390 : i32 to index
        %parallel_loop3A_563 = arith.index_cast %parallel_loop3A_559 : i32 to index
        %parallel_loop3A_564 = arith.index_cast %parallel_loop3A_408 : i32 to index
        %parallel_loop3A_565 = tpu.vector_load %arg7[%parallel_loop3A_560, %parallel_loop3A_561, %parallel_loop3A_562, %parallel_loop3A_563, %parallel_loop3A_564] {strides = array<i32>} : memref<2x4x4x8x128xf32, #tpu.memory_space<vmem>>, vector<16xf32>,
        tpu.vector_store %arg7[%parallel_loop3A_560, %parallel_loop3A_561, %parallel_loop3A_562, %parallel_loop3A_563, %parallel_loop3A_564], %parallel_loop3A_556 {strides = array<i32>} : memref<2x4x4x8x128xf32, #tpu.memory_space<vmem>>, vector<16xf32>,
        %parallel_loop3A_566 = arith.constant 9 : i32
        %parallel_loop3A_567 = vector.broadcast %parallel_loop3A_566 : i32 to vector<16xi32>
        %parallel_loop3A_568 = arith.constant 0 : i32
        %parallel_loop3A_569 = arith.constant 0 : i32
        %parallel_loop3A_570 = arith.constant 0 : i32
        %parallel_loop3A_571 = tpu.memref_slice %arg6[%parallel_loop3A_568, %parallel_loop3A_569, %parallel_loop3A_570] : memref<2x512x32xf32, #tpu.memory_space<vmem>> -> memref<1x512x32xf32, #tpu.memory_space<vmem>>
        %parallel_loop3A_572 = tpu.memref_squeeze %parallel_loop3A_571 : memref<1x512x32xf32, #tpu.memory_space<vmem>> -> memref<512x32xf32, #tpu.memory_space<vmem>>
        %parallel_loop3A_573 = tpu.vector_load_idx %parallel_loop3A_572[%parallel_loop3A_412, %parallel_loop3A_567] : memref<512x32xf32, #tpu.memory_space<vmem>>[vector<16xi32>, vector<16xi32>], vector<16xf32>,
        %parallel_loop3A_574 = arith.constant 0 : i32
        %parallel_loop3A_575 = arith.constant 1 : i32
        %parallel_loop3A_576 = arith.constant 1 : i32
        %parallel_loop3A_577 = arith.index_cast %parallel_loop3A_574 : i32 to index
        %parallel_loop3A_578 = arith.index_cast %parallel_loop3A_575 : i32 to index
        %parallel_loop3A_579 = arith.index_cast %parallel_loop3A_390 : i32 to index
        %parallel_loop3A_580 = arith.index_cast %parallel_loop3A_576 : i32 to index
        %parallel_loop3A_581 = arith.index_cast %parallel_loop3A_408 : i32 to index
        %parallel_loop3A_582 = tpu.vector_load %arg7[%parallel_loop3A_577, %parallel_loop3A_578, %parallel_loop3A_579, %parallel_loop3A_580, %parallel_loop3A_581] {strides = array<i32>} : memref<2x4x4x8x128xf32, #tpu.memory_space<vmem>>, vector<16xf32>,
        tpu.vector_store %arg7[%parallel_loop3A_577, %parallel_loop3A_578, %parallel_loop3A_579, %parallel_loop3A_580, %parallel_loop3A_581], %parallel_loop3A_573 {strides = array<i32>} : memref<2x4x4x8x128xf32, #tpu.memory_space<vmem>>, vector<16xf32>,
        %parallel_loop3A_583 = arith.constant 10 : i32
        %parallel_loop3A_584 = vector.broadcast %parallel_loop3A_583 : i32 to vector<16xi32>
        %parallel_loop3A_585 = arith.constant 0 : i32
        %parallel_loop3A_586 = arith.constant 0 : i32
        %parallel_loop3A_587 = arith.constant 0 : i32
        %parallel_loop3A_588 = tpu.memref_slice %arg6[%parallel_loop3A_585, %parallel_loop3A_586, %parallel_loop3A_587] : memref<2x512x32xf32, #tpu.memory_space<vmem>> -> memref<1x512x32xf32, #tpu.memory_space<vmem>>
        %parallel_loop3A_589 = tpu.memref_squeeze %parallel_loop3A_588 : memref<1x512x32xf32, #tpu.memory_space<vmem>> -> memref<512x32xf32, #tpu.memory_space<vmem>>
        %parallel_loop3A_590 = tpu.vector_load_idx %parallel_loop3A_589[%parallel_loop3A_412, %parallel_loop3A_584] : memref<512x32xf32, #tpu.memory_space<vmem>>[vector<16xi32>, vector<16xi32>], vector<16xf32>,
        %parallel_loop3A_591 = arith.constant 0 : i32
        %parallel_loop3A_592 = arith.constant 1 : i32
        %parallel_loop3A_593 = arith.constant 2 : i32
        %parallel_loop3A_594 = arith.index_cast %parallel_loop3A_591 : i32 to index
        %parallel_loop3A_595 = arith.index_cast %parallel_loop3A_592 : i32 to index
        %parallel_loop3A_596 = arith.index_cast %parallel_loop3A_390 : i32 to index
        %parallel_loop3A_597 = arith.index_cast %parallel_loop3A_593 : i32 to index
        %parallel_loop3A_598 = arith.index_cast %parallel_loop3A_408 : i32 to index
        %parallel_loop3A_599 = tpu.vector_load %arg7[%parallel_loop3A_594, %parallel_loop3A_595, %parallel_loop3A_596, %parallel_loop3A_597, %parallel_loop3A_598] {strides = array<i32>} : memref<2x4x4x8x128xf32, #tpu.memory_space<vmem>>, vector<16xf32>,
        tpu.vector_store %arg7[%parallel_loop3A_594, %parallel_loop3A_595, %parallel_loop3A_596, %parallel_loop3A_597, %parallel_loop3A_598], %parallel_loop3A_590 {strides = array<i32>} : memref<2x4x4x8x128xf32, #tpu.memory_space<vmem>>, vector<16xf32>,
        %parallel_loop3A_600 = arith.constant 11 : i32
        %parallel_loop3A_601 = vector.broadcast %parallel_loop3A_600 : i32 to vector<16xi32>
        %parallel_loop3A_602 = arith.constant 0 : i32
        %parallel_loop3A_603 = arith.constant 0 : i32
        %parallel_loop3A_604 = arith.constant 0 : i32
        %parallel_loop3A_605 = tpu.memref_slice %arg6[%parallel_loop3A_602, %parallel_loop3A_603, %parallel_loop3A_604] : memref<2x512x32xf32, #tpu.memory_space<vmem>> -> memref<1x512x32xf32, #tpu.memory_space<vmem>>
        %parallel_loop3A_606 = tpu.memref_squeeze %parallel_loop3A_605 : memref<1x512x32xf32, #tpu.memory_space<vmem>> -> memref<512x32xf32, #tpu.memory_space<vmem>>
        %parallel_loop3A_607 = tpu.vector_load_idx %parallel_loop3A_606[%parallel_loop3A_412, %parallel_loop3A_601] : memref<512x32xf32, #tpu.memory_space<vmem>>[vector<16xi32>, vector<16xi32>], vector<16xf32>,
        %parallel_loop3A_608 = arith.constant 0 : i32
        %parallel_loop3A_609 = arith.constant 1 : i32
        %parallel_loop3A_610 = arith.constant 3 : i32
        %parallel_loop3A_611 = arith.index_cast %parallel_loop3A_608 : i32 to index
        %parallel_loop3A_612 = arith.index_cast %parallel_loop3A_609 : i32 to index
        %parallel_loop3A_613 = arith.index_cast %parallel_loop3A_390 : i32 to index
        %parallel_loop3A_614 = arith.index_cast %parallel_loop3A_610 : i32 to index
        %parallel_loop3A_615 = arith.index_cast %parallel_loop3A_408 : i32 to index
        %parallel_loop3A_616 = tpu.vector_load %arg7[%parallel_loop3A_611, %parallel_loop3A_612, %parallel_loop3A_613, %parallel_loop3A_614, %parallel_loop3A_615] {strides = array<i32>} : memref<2x4x4x8x128xf32, #tpu.memory_space<vmem>>, vector<16xf32>,
        tpu.vector_store %arg7[%parallel_loop3A_611, %parallel_loop3A_612, %parallel_loop3A_613, %parallel_loop3A_614, %parallel_loop3A_615], %parallel_loop3A_607 {strides = array<i32>} : memref<2x4x4x8x128xf32, #tpu.memory_space<vmem>>, vector<16xf32>,
        %parallel_loop3A_617 = arith.constant 12 : i32
        %parallel_loop3A_618 = vector.broadcast %parallel_loop3A_617 : i32 to vector<16xi32>
        %parallel_loop3A_619 = arith.constant 0 : i32
        %parallel_loop3A_620 = arith.constant 0 : i32
        %parallel_loop3A_621 = arith.constant 0 : i32
        %parallel_loop3A_622 = tpu.memref_slice %arg6[%parallel_loop3A_619, %parallel_loop3A_620, %parallel_loop3A_621] : memref<2x512x32xf32, #tpu.memory_space<vmem>> -> memref<1x512x32xf32, #tpu.memory_space<vmem>>
        %parallel_loop3A_623 = tpu.memref_squeeze %parallel_loop3A_622 : memref<1x512x32xf32, #tpu.memory_space<vmem>> -> memref<512x32xf32, #tpu.memory_space<vmem>>
        %parallel_loop3A_624 = tpu.vector_load_idx %parallel_loop3A_623[%parallel_loop3A_412, %parallel_loop3A_618] : memref<512x32xf32, #tpu.memory_space<vmem>>[vector<16xi32>, vector<16xi32>], vector<16xf32>,
        %parallel_loop3A_625 = arith.constant 0 : i32
        %parallel_loop3A_626 = arith.constant 1 : i32
        %parallel_loop3A_627 = arith.constant 4 : i32
        %parallel_loop3A_628 = arith.index_cast %parallel_loop3A_625 : i32 to index
        %parallel_loop3A_629 = arith.index_cast %parallel_loop3A_626 : i32 to index
        %parallel_loop3A_630 = arith.index_cast %parallel_loop3A_390 : i32 to index
        %parallel_loop3A_631 = arith.index_cast %parallel_loop3A_627 : i32 to index
        %parallel_loop3A_632 = arith.index_cast %parallel_loop3A_408 : i32 to index
        %parallel_loop3A_633 = tpu.vector_load %arg7[%parallel_loop3A_628, %parallel_loop3A_629, %parallel_loop3A_630, %parallel_loop3A_631, %parallel_loop3A_632] {strides = array<i32>} : memref<2x4x4x8x128xf32, #tpu.memory_space<vmem>>, vector<16xf32>,
        tpu.vector_store %arg7[%parallel_loop3A_628, %parallel_loop3A_629, %parallel_loop3A_630, %parallel_loop3A_631, %parallel_loop3A_632], %parallel_loop3A_624 {strides = array<i32>} : memref<2x4x4x8x128xf32, #tpu.memory_space<vmem>>, vector<16xf32>,
        %parallel_loop3A_634 = arith.constant 13 : i32
        %parallel_loop3A_635 = vector.broadcast %parallel_loop3A_634 : i32 to vector<16xi32>
        %parallel_loop3A_636 = arith.constant 0 : i32
        %parallel_loop3A_637 = arith.constant 0 : i32
        %parallel_loop3A_638 = arith.constant 0 : i32
        %parallel_loop3A_639 = tpu.memref_slice %arg6[%parallel_loop3A_636, %parallel_loop3A_637, %parallel_loop3A_638] : memref<2x512x32xf32, #tpu.memory_space<vmem>> -> memref<1x512x32xf32, #tpu.memory_space<vmem>>
        %parallel_loop3A_640 = tpu.memref_squeeze %parallel_loop3A_639 : memref<1x512x32xf32, #tpu.memory_space<vmem>> -> memref<512x32xf32, #tpu.memory_space<vmem>>
        %parallel_loop3A_641 = tpu.vector_load_idx %parallel_loop3A_640[%parallel_loop3A_412, %parallel_loop3A_635] : memref<512x32xf32, #tpu.memory_space<vmem>>[vector<16xi32>, vector<16xi32>], vector<16xf32>,
        %parallel_loop3A_642 = arith.constant 0 : i32
        %parallel_loop3A_643 = arith.constant 1 : i32
        %parallel_loop3A_644 = arith.constant 5 : i32
        %parallel_loop3A_645 = arith.index_cast %parallel_loop3A_642 : i32 to index
        %parallel_loop3A_646 = arith.index_cast %parallel_loop3A_643 : i32 to index
        %parallel_loop3A_647 = arith.index_cast %parallel_loop3A_390 : i32 to index
        %parallel_loop3A_648 = arith.index_cast %parallel_loop3A_644 : i32 to index
        %parallel_loop3A_649 = arith.index_cast %parallel_loop3A_408 : i32 to index
        %parallel_loop3A_650 = tpu.vector_load %arg7[%parallel_loop3A_645, %parallel_loop3A_646, %parallel_loop3A_647, %parallel_loop3A_648, %parallel_loop3A_649] {strides = array<i32>} : memref<2x4x4x8x128xf32, #tpu.memory_space<vmem>>, vector<16xf32>,
        tpu.vector_store %arg7[%parallel_loop3A_645, %parallel_loop3A_646, %parallel_loop3A_647, %parallel_loop3A_648, %parallel_loop3A_649], %parallel_loop3A_641 {strides = array<i32>} : memref<2x4x4x8x128xf32, #tpu.memory_space<vmem>>, vector<16xf32>,
        %parallel_loop3A_651 = arith.constant 14 : i32
        %parallel_loop3A_652 = vector.broadcast %parallel_loop3A_651 : i32 to vector<16xi32>
        %parallel_loop3A_653 = arith.constant 0 : i32
        %parallel_loop3A_654 = arith.constant 0 : i32
        %parallel_loop3A_655 = arith.constant 0 : i32
        %parallel_loop3A_656 = tpu.memref_slice %arg6[%parallel_loop3A_653, %parallel_loop3A_654, %parallel_loop3A_655] : memref<2x512x32xf32, #tpu.memory_space<vmem>> -> memref<1x512x32xf32, #tpu.memory_space<vmem>>
        %parallel_loop3A_657 = tpu.memref_squeeze %parallel_loop3A_656 : memref<1x512x32xf32, #tpu.memory_space<vmem>> -> memref<512x32xf32, #tpu.memory_space<vmem>>
        %parallel_loop3A_658 = tpu.vector_load_idx %parallel_loop3A_657[%parallel_loop3A_412, %parallel_loop3A_652] : memref<512x32xf32, #tpu.memory_space<vmem>>[vector<16xi32>, vector<16xi32>], vector<16xf32>,
        %parallel_loop3A_659 = arith.constant 0 : i32
        %parallel_loop3A_660 = arith.constant 1 : i32
        %parallel_loop3A_661 = arith.constant 6 : i32
        %parallel_loop3A_662 = arith.index_cast %parallel_loop3A_659 : i32 to index
        %parallel_loop3A_663 = arith.index_cast %parallel_loop3A_660 : i32 to index
        %parallel_loop3A_664 = arith.index_cast %parallel_loop3A_390 : i32 to index
        %parallel_loop3A_665 = arith.index_cast %parallel_loop3A_661 : i32 to index
        %parallel_loop3A_666 = arith.index_cast %parallel_loop3A_408 : i32 to index
        %parallel_loop3A_667 = tpu.vector_load %arg7[%parallel_loop3A_662, %parallel_loop3A_663, %parallel_loop3A_664, %parallel_loop3A_665, %parallel_loop3A_666] {strides = array<i32>} : memref<2x4x4x8x128xf32, #tpu.memory_space<vmem>>, vector<16xf32>,
        tpu.vector_store %arg7[%parallel_loop3A_662, %parallel_loop3A_663, %parallel_loop3A_664, %parallel_loop3A_665, %parallel_loop3A_666], %parallel_loop3A_658 {strides = array<i32>} : memref<2x4x4x8x128xf32, #tpu.memory_space<vmem>>, vector<16xf32>,
        %parallel_loop3A_668 = arith.constant 15 : i32
        %parallel_loop3A_669 = vector.broadcast %parallel_loop3A_668 : i32 to vector<16xi32>
        %parallel_loop3A_670 = arith.constant 0 : i32
        %parallel_loop3A_671 = arith.constant 0 : i32
        %parallel_loop3A_672 = arith.constant 0 : i32
        %parallel_loop3A_673 = tpu.memref_slice %arg6[%parallel_loop3A_670, %parallel_loop3A_671, %parallel_loop3A_672] : memref<2x512x32xf32, #tpu.memory_space<vmem>> -> memref<1x512x32xf32, #tpu.memory_space<vmem>>
        %parallel_loop3A_674 = tpu.memref_squeeze %parallel_loop3A_673 : memref<1x512x32xf32, #tpu.memory_space<vmem>> -> memref<512x32xf32, #tpu.memory_space<vmem>>
        %parallel_loop3A_675 = tpu.vector_load_idx %parallel_loop3A_674[%parallel_loop3A_412, %parallel_loop3A_669] : memref<512x32xf32, #tpu.memory_space<vmem>>[vector<16xi32>, vector<16xi32>], vector<16xf32>,
        %parallel_loop3A_676 = arith.constant 0 : i32
        %parallel_loop3A_677 = arith.constant 1 : i32
        %parallel_loop3A_678 = arith.constant 7 : i32
        %parallel_loop3A_679 = arith.index_cast %parallel_loop3A_676 : i32 to index
        %parallel_loop3A_680 = arith.index_cast %parallel_loop3A_677 : i32 to index
        %parallel_loop3A_681 = arith.index_cast %parallel_loop3A_390 : i32 to index
        %parallel_loop3A_682 = arith.index_cast %parallel_loop3A_678 : i32 to index
        %parallel_loop3A_683 = arith.index_cast %parallel_loop3A_408 : i32 to index
        %parallel_loop3A_684 = tpu.vector_load %arg7[%parallel_loop3A_679, %parallel_loop3A_680, %parallel_loop3A_681, %parallel_loop3A_682, %parallel_loop3A_683] {strides = array<i32>} : memref<2x4x4x8x128xf32, #tpu.memory_space<vmem>>, vector<16xf32>,
        tpu.vector_store %arg7[%parallel_loop3A_679, %parallel_loop3A_680, %parallel_loop3A_681, %parallel_loop3A_682, %parallel_loop3A_683], %parallel_loop3A_675 {strides = array<i32>} : memref<2x4x4x8x128xf32, #tpu.memory_space<vmem>>, vector<16xf32>,
        %parallel_loop3A_685 = arith.constant 16 : i32
        %parallel_loop3A_686 = vector.broadcast %parallel_loop3A_685 : i32 to vector<16xi32>
        %parallel_loop3A_687 = arith.constant 0 : i32
        %parallel_loop3A_688 = arith.constant 0 : i32
        %parallel_loop3A_689 = arith.constant 0 : i32
        %parallel_loop3A_690 = tpu.memref_slice %arg6[%parallel_loop3A_687, %parallel_loop3A_688, %parallel_loop3A_689] : memref<2x512x32xf32, #tpu.memory_space<vmem>> -> memref<1x512x32xf32, #tpu.memory_space<vmem>>
        %parallel_loop3A_691 = tpu.memref_squeeze %parallel_loop3A_690 : memref<1x512x32xf32, #tpu.memory_space<vmem>> -> memref<512x32xf32, #tpu.memory_space<vmem>>
        %parallel_loop3A_692 = tpu.vector_load_idx %parallel_loop3A_691[%parallel_loop3A_412, %parallel_loop3A_686] : memref<512x32xf32, #tpu.memory_space<vmem>>[vector<16xi32>, vector<16xi32>], vector<16xf32>,
        %parallel_loop3A_693 = arith.constant 0 : i32
        %parallel_loop3A_694 = arith.constant 2 : i32
        %parallel_loop3A_695 = arith.constant 0 : i32
        %parallel_loop3A_696 = arith.index_cast %parallel_loop3A_693 : i32 to index
        %parallel_loop3A_697 = arith.index_cast %parallel_loop3A_694 : i32 to index
        %parallel_loop3A_698 = arith.index_cast %parallel_loop3A_390 : i32 to index
        %parallel_loop3A_699 = arith.index_cast %parallel_loop3A_695 : i32 to index
        %parallel_loop3A_700 = arith.index_cast %parallel_loop3A_408 : i32 to index
        %parallel_loop3A_701 = tpu.vector_load %arg7[%parallel_loop3A_696, %parallel_loop3A_697, %parallel_loop3A_698, %parallel_loop3A_699, %parallel_loop3A_700] {strides = array<i32>} : memref<2x4x4x8x128xf32, #tpu.memory_space<vmem>>, vector<16xf32>,
        tpu.vector_store %arg7[%parallel_loop3A_696, %parallel_loop3A_697, %parallel_loop3A_698, %parallel_loop3A_699, %parallel_loop3A_700], %parallel_loop3A_692 {strides = array<i32>} : memref<2x4x4x8x128xf32, #tpu.memory_space<vmem>>, vector<16xf32>,
        %parallel_loop3A_702 = arith.constant 17 : i32
        %parallel_loop3A_703 = vector.broadcast %parallel_loop3A_702 : i32 to vector<16xi32>
        %parallel_loop3A_704 = arith.constant 0 : i32
        %parallel_loop3A_705 = arith.constant 0 : i32
        %parallel_loop3A_706 = arith.constant 0 : i32
        %parallel_loop3A_707 = tpu.memref_slice %arg6[%parallel_loop3A_704, %parallel_loop3A_705, %parallel_loop3A_706] : memref<2x512x32xf32, #tpu.memory_space<vmem>> -> memref<1x512x32xf32, #tpu.memory_space<vmem>>
        %parallel_loop3A_708 = tpu.memref_squeeze %parallel_loop3A_707 : memref<1x512x32xf32, #tpu.memory_space<vmem>> -> memref<512x32xf32, #tpu.memory_space<vmem>>
        %parallel_loop3A_709 = tpu.vector_load_idx %parallel_loop3A_708[%parallel_loop3A_412, %parallel_loop3A_703] : memref<512x32xf32, #tpu.memory_space<vmem>>[vector<16xi32>, vector<16xi32>], vector<16xf32>,
        %parallel_loop3A_710 = arith.constant 0 : i32
        %parallel_loop3A_711 = arith.constant 2 : i32
        %parallel_loop3A_712 = arith.constant 1 : i32
        %parallel_loop3A_713 = arith.index_cast %parallel_loop3A_710 : i32 to index
        %parallel_loop3A_714 = arith.index_cast %parallel_loop3A_711 : i32 to index
        %parallel_loop3A_715 = arith.index_cast %parallel_loop3A_390 : i32 to index
        %parallel_loop3A_716 = arith.index_cast %parallel_loop3A_712 : i32 to index
        %parallel_loop3A_717 = arith.index_cast %parallel_loop3A_408 : i32 to index
        %parallel_loop3A_718 = tpu.vector_load %arg7[%parallel_loop3A_713, %parallel_loop3A_714, %parallel_loop3A_715, %parallel_loop3A_716, %parallel_loop3A_717] {strides = array<i32>} : memref<2x4x4x8x128xf32, #tpu.memory_space<vmem>>, vector<16xf32>,
        tpu.vector_store %arg7[%parallel_loop3A_713, %parallel_loop3A_714, %parallel_loop3A_715, %parallel_loop3A_716, %parallel_loop3A_717], %parallel_loop3A_709 {strides = array<i32>} : memref<2x4x4x8x128xf32, #tpu.memory_space<vmem>>, vector<16xf32>,
        %parallel_loop3A_719 = arith.constant 18 : i32
        %parallel_loop3A_720 = vector.broadcast %parallel_loop3A_719 : i32 to vector<16xi32>
        %parallel_loop3A_721 = arith.constant 0 : i32
        %parallel_loop3A_722 = arith.constant 0 : i32
        %parallel_loop3A_723 = arith.constant 0 : i32
        %parallel_loop3A_724 = tpu.memref_slice %arg6[%parallel_loop3A_721, %parallel_loop3A_722, %parallel_loop3A_723] : memref<2x512x32xf32, #tpu.memory_space<vmem>> -> memref<1x512x32xf32, #tpu.memory_space<vmem>>
        %parallel_loop3A_725 = tpu.memref_squeeze %parallel_loop3A_724 : memref<1x512x32xf32, #tpu.memory_space<vmem>> -> memref<512x32xf32, #tpu.memory_space<vmem>>
        %parallel_loop3A_726 = tpu.vector_load_idx %parallel_loop3A_725[%parallel_loop3A_412, %parallel_loop3A_720] : memref<512x32xf32, #tpu.memory_space<vmem>>[vector<16xi32>, vector<16xi32>], vector<16xf32>,
        %parallel_loop3A_727 = arith.constant 0 : i32
        %parallel_loop3A_728 = arith.constant 2 : i32
        %parallel_loop3A_729 = arith.constant 2 : i32
        %parallel_loop3A_730 = arith.index_cast %parallel_loop3A_727 : i32 to index
        %parallel_loop3A_731 = arith.index_cast %parallel_loop3A_728 : i32 to index
        %parallel_loop3A_732 = arith.index_cast %parallel_loop3A_390 : i32 to index
        %parallel_loop3A_733 = arith.index_cast %parallel_loop3A_729 : i32 to index
        %parallel_loop3A_734 = arith.index_cast %parallel_loop3A_408 : i32 to index
        %parallel_loop3A_735 = tpu.vector_load %arg7[%parallel_loop3A_730, %parallel_loop3A_731, %parallel_loop3A_732, %parallel_loop3A_733, %parallel_loop3A_734] {strides = array<i32>} : memref<2x4x4x8x128xf32, #tpu.memory_space<vmem>>, vector<16xf32>,
        tpu.vector_store %arg7[%parallel_loop3A_730, %parallel_loop3A_731, %parallel_loop3A_732, %parallel_loop3A_733, %parallel_loop3A_734], %parallel_loop3A_726 {strides = array<i32>} : memref<2x4x4x8x128xf32, #tpu.memory_space<vmem>>, vector<16xf32>,
        %parallel_loop3A_736 = arith.constant 19 : i32
        %parallel_loop3A_737 = vector.broadcast %parallel_loop3A_736 : i32 to vector<16xi32>
        %parallel_loop3A_738 = arith.constant 0 : i32
        %parallel_loop3A_739 = arith.constant 0 : i32
        %parallel_loop3A_740 = arith.constant 0 : i32
        %parallel_loop3A_741 = tpu.memref_slice %arg6[%parallel_loop3A_738, %parallel_loop3A_739, %parallel_loop3A_740] : memref<2x512x32xf32, #tpu.memory_space<vmem>> -> memref<1x512x32xf32, #tpu.memory_space<vmem>>
        %parallel_loop3A_742 = tpu.memref_squeeze %parallel_loop3A_741 : memref<1x512x32xf32, #tpu.memory_space<vmem>> -> memref<512x32xf32, #tpu.memory_space<vmem>>
        %parallel_loop3A_743 = tpu.vector_load_idx %parallel_loop3A_742[%parallel_loop3A_412, %parallel_loop3A_737] : memref<512x32xf32, #tpu.memory_space<vmem>>[vector<16xi32>, vector<16xi32>], vector<16xf32>,
        %parallel_loop3A_744 = arith.constant 0 : i32
        %parallel_loop3A_745 = arith.constant 2 : i32
        %parallel_loop3A_746 = arith.constant 3 : i32
        %parallel_loop3A_747 = arith.index_cast %parallel_loop3A_744 : i32 to index
        %parallel_loop3A_748 = arith.index_cast %parallel_loop3A_745 : i32 to index
        %parallel_loop3A_749 = arith.index_cast %parallel_loop3A_390 : i32 to index
        %parallel_loop3A_750 = arith.index_cast %parallel_loop3A_746 : i32 to index
        %parallel_loop3A_751 = arith.index_cast %parallel_loop3A_408 : i32 to index
        %parallel_loop3A_752 = tpu.vector_load %arg7[%parallel_loop3A_747, %parallel_loop3A_748, %parallel_loop3A_749, %parallel_loop3A_750, %parallel_loop3A_751] {strides = array<i32>} : memref<2x4x4x8x128xf32, #tpu.memory_space<vmem>>, vector<16xf32>,
        tpu.vector_store %arg7[%parallel_loop3A_747, %parallel_loop3A_748, %parallel_loop3A_749, %parallel_loop3A_750, %parallel_loop3A_751], %parallel_loop3A_743 {strides = array<i32>} : memref<2x4x4x8x128xf32, #tpu.memory_space<vmem>>, vector<16xf32>,
        %parallel_loop3A_753 = arith.constant 20 : i32
        %parallel_loop3A_754 = vector.broadcast %parallel_loop3A_753 : i32 to vector<16xi32>
        %parallel_loop3A_755 = arith.constant 0 : i32
        %parallel_loop3A_756 = arith.constant 0 : i32
        %parallel_loop3A_757 = arith.constant 0 : i32
        %parallel_loop3A_758 = tpu.memref_slice %arg6[%parallel_loop3A_755, %parallel_loop3A_756, %parallel_loop3A_757] : memref<2x512x32xf32, #tpu.memory_space<vmem>> -> memref<1x512x32xf32, #tpu.memory_space<vmem>>
        %parallel_loop3A_759 = tpu.memref_squeeze %parallel_loop3A_758 : memref<1x512x32xf32, #tpu.memory_space<vmem>> -> memref<512x32xf32, #tpu.memory_space<vmem>>
        %parallel_loop3A_760 = tpu.vector_load_idx %parallel_loop3A_759[%parallel_loop3A_412, %parallel_loop3A_754] : memref<512x32xf32, #tpu.memory_space<vmem>>[vector<16xi32>, vector<16xi32>], vector<16xf32>,
        %parallel_loop3A_761 = arith.constant 0 : i32
        %parallel_loop3A_762 = arith.constant 2 : i32
        %parallel_loop3A_763 = arith.constant 4 : i32
        %parallel_loop3A_764 = arith.index_cast %parallel_loop3A_761 : i32 to index
        %parallel_loop3A_765 = arith.index_cast %parallel_loop3A_762 : i32 to index
        %parallel_loop3A_766 = arith.index_cast %parallel_loop3A_390 : i32 to index
        %parallel_loop3A_767 = arith.index_cast %parallel_loop3A_763 : i32 to index
        %parallel_loop3A_768 = arith.index_cast %parallel_loop3A_408 : i32 to index
        %parallel_loop3A_769 = tpu.vector_load %arg7[%parallel_loop3A_764, %parallel_loop3A_765, %parallel_loop3A_766, %parallel_loop3A_767, %parallel_loop3A_768] {strides = array<i32>} : memref<2x4x4x8x128xf32, #tpu.memory_space<vmem>>, vector<16xf32>,
        tpu.vector_store %arg7[%parallel_loop3A_764, %parallel_loop3A_765, %parallel_loop3A_766, %parallel_loop3A_767, %parallel_loop3A_768], %parallel_loop3A_760 {strides = array<i32>} : memref<2x4x4x8x128xf32, #tpu.memory_space<vmem>>, vector<16xf32>,
        %parallel_loop3A_770 = arith.constant 21 : i32
        %parallel_loop3A_771 = vector.broadcast %parallel_loop3A_770 : i32 to vector<16xi32>
        %parallel_loop3A_772 = arith.constant 0 : i32
        %parallel_loop3A_773 = arith.constant 0 : i32
        %parallel_loop3A_774 = arith.constant 0 : i32
        %parallel_loop3A_775 = tpu.memref_slice %arg6[%parallel_loop3A_772, %parallel_loop3A_773, %parallel_loop3A_774] : memref<2x512x32xf32, #tpu.memory_space<vmem>> -> memref<1x512x32xf32, #tpu.memory_space<vmem>>
        %parallel_loop3A_776 = tpu.memref_squeeze %parallel_loop3A_775 : memref<1x512x32xf32, #tpu.memory_space<vmem>> -> memref<512x32xf32, #tpu.memory_space<vmem>>
        %parallel_loop3A_777 = tpu.vector_load_idx %parallel_loop3A_776[%parallel_loop3A_412, %parallel_loop3A_771] : memref<512x32xf32, #tpu.memory_space<vmem>>[vector<16xi32>, vector<16xi32>], vector<16xf32>,
        %parallel_loop3A_778 = arith.constant 0 : i32
        %parallel_loop3A_779 = arith.constant 2 : i32
        %parallel_loop3A_780 = arith.constant 5 : i32
        %parallel_loop3A_781 = arith.index_cast %parallel_loop3A_778 : i32 to index
        %parallel_loop3A_782 = arith.index_cast %parallel_loop3A_779 : i32 to index
        %parallel_loop3A_783 = arith.index_cast %parallel_loop3A_390 : i32 to index
        %parallel_loop3A_784 = arith.index_cast %parallel_loop3A_780 : i32 to index
        %parallel_loop3A_785 = arith.index_cast %parallel_loop3A_408 : i32 to index
        %parallel_loop3A_786 = tpu.vector_load %arg7[%parallel_loop3A_781, %parallel_loop3A_782, %parallel_loop3A_783, %parallel_loop3A_784, %parallel_loop3A_785] {strides = array<i32>} : memref<2x4x4x8x128xf32, #tpu.memory_space<vmem>>, vector<16xf32>,
        tpu.vector_store %arg7[%parallel_loop3A_781, %parallel_loop3A_782, %parallel_loop3A_783, %parallel_loop3A_784, %parallel_loop3A_785], %parallel_loop3A_777 {strides = array<i32>} : memref<2x4x4x8x128xf32, #tpu.memory_space<vmem>>, vector<16xf32>,
        %parallel_loop3A_787 = arith.constant 22 : i32
        %parallel_loop3A_788 = vector.broadcast %parallel_loop3A_787 : i32 to vector<16xi32>
        %parallel_loop3A_789 = arith.constant 0 : i32
        %parallel_loop3A_790 = arith.constant 0 : i32
        %parallel_loop3A_791 = arith.constant 0 : i32
        %parallel_loop3A_792 = tpu.memref_slice %arg6[%parallel_loop3A_789, %parallel_loop3A_790, %parallel_loop3A_791] : memref<2x512x32xf32, #tpu.memory_space<vmem>> -> memref<1x512x32xf32, #tpu.memory_space<vmem>>
        %parallel_loop3A_793 = tpu.memref_squeeze %parallel_loop3A_792 : memref<1x512x32xf32, #tpu.memory_space<vmem>> -> memref<512x32xf32, #tpu.memory_space<vmem>>
        %parallel_loop3A_794 = tpu.vector_load_idx %parallel_loop3A_793[%parallel_loop3A_412, %parallel_loop3A_788] : memref<512x32xf32, #tpu.memory_space<vmem>>[vector<16xi32>, vector<16xi32>], vector<16xf32>,
        %parallel_loop3A_795 = arith.constant 0 : i32
        %parallel_loop3A_796 = arith.constant 2 : i32
        %parallel_loop3A_797 = arith.constant 6 : i32
        %parallel_loop3A_798 = arith.index_cast %parallel_loop3A_795 : i32 to index
        %parallel_loop3A_799 = arith.index_cast %parallel_loop3A_796 : i32 to index
        %parallel_loop3A_800 = arith.index_cast %parallel_loop3A_390 : i32 to index
        %parallel_loop3A_801 = arith.index_cast %parallel_loop3A_797 : i32 to index
        %parallel_loop3A_802 = arith.index_cast %parallel_loop3A_408 : i32 to index
        %parallel_loop3A_803 = tpu.vector_load %arg7[%parallel_loop3A_798, %parallel_loop3A_799, %parallel_loop3A_800, %parallel_loop3A_801, %parallel_loop3A_802] {strides = array<i32>} : memref<2x4x4x8x128xf32, #tpu.memory_space<vmem>>, vector<16xf32>,
        tpu.vector_store %arg7[%parallel_loop3A_798, %parallel_loop3A_799, %parallel_loop3A_800, %parallel_loop3A_801, %parallel_loop3A_802], %parallel_loop3A_794 {strides = array<i32>} : memref<2x4x4x8x128xf32, #tpu.memory_space<vmem>>, vector<16xf32>,
        %parallel_loop3A_804 = arith.constant 23 : i32
        %parallel_loop3A_805 = vector.broadcast %parallel_loop3A_804 : i32 to vector<16xi32>
        %parallel_loop3A_806 = arith.constant 0 : i32
        %parallel_loop3A_807 = arith.constant 0 : i32
        %parallel_loop3A_808 = arith.constant 0 : i32
        %parallel_loop3A_809 = tpu.memref_slice %arg6[%parallel_loop3A_806, %parallel_loop3A_807, %parallel_loop3A_808] : memref<2x512x32xf32, #tpu.memory_space<vmem>> -> memref<1x512x32xf32, #tpu.memory_space<vmem>>
        %parallel_loop3A_810 = tpu.memref_squeeze %parallel_loop3A_809 : memref<1x512x32xf32, #tpu.memory_space<vmem>> -> memref<512x32xf32, #tpu.memory_space<vmem>>
        %parallel_loop3A_811 = tpu.vector_load_idx %parallel_loop3A_810[%parallel_loop3A_412, %parallel_loop3A_805] : memref<512x32xf32, #tpu.memory_space<vmem>>[vector<16xi32>, vector<16xi32>], vector<16xf32>,
        %parallel_loop3A_812 = arith.constant 0 : i32
        %parallel_loop3A_813 = arith.constant 2 : i32
        %parallel_loop3A_814 = arith.constant 7 : i32
        %parallel_loop3A_815 = arith.index_cast %parallel_loop3A_812 : i32 to index
        %parallel_loop3A_816 = arith.index_cast %parallel_loop3A_813 : i32 to index
        %parallel_loop3A_817 = arith.index_cast %parallel_loop3A_390 : i32 to index
        %parallel_loop3A_818 = arith.index_cast %parallel_loop3A_814 : i32 to index
        %parallel_loop3A_819 = arith.index_cast %parallel_loop3A_408 : i32 to index
        %parallel_loop3A_820 = tpu.vector_load %arg7[%parallel_loop3A_815, %parallel_loop3A_816, %parallel_loop3A_817, %parallel_loop3A_818, %parallel_loop3A_819] {strides = array<i32>} : memref<2x4x4x8x128xf32, #tpu.memory_space<vmem>>, vector<16xf32>,
        tpu.vector_store %arg7[%parallel_loop3A_815, %parallel_loop3A_816, %parallel_loop3A_817, %parallel_loop3A_818, %parallel_loop3A_819], %parallel_loop3A_811 {strides = array<i32>} : memref<2x4x4x8x128xf32, #tpu.memory_space<vmem>>, vector<16xf32>,
        %parallel_loop3A_821 = arith.constant 24 : i32
        %parallel_loop3A_822 = vector.broadcast %parallel_loop3A_821 : i32 to vector<16xi32>
        %parallel_loop3A_823 = arith.constant 0 : i32
        %parallel_loop3A_824 = arith.constant 0 : i32
        %parallel_loop3A_825 = arith.constant 0 : i32
        %parallel_loop3A_826 = tpu.memref_slice %arg6[%parallel_loop3A_823, %parallel_loop3A_824, %parallel_loop3A_825] : memref<2x512x32xf32, #tpu.memory_space<vmem>> -> memref<1x512x32xf32, #tpu.memory_space<vmem>>
        %parallel_loop3A_827 = tpu.memref_squeeze %parallel_loop3A_826 : memref<1x512x32xf32, #tpu.memory_space<vmem>> -> memref<512x32xf32, #tpu.memory_space<vmem>>
        %parallel_loop3A_828 = tpu.vector_load_idx %parallel_loop3A_827[%parallel_loop3A_412, %parallel_loop3A_822] : memref<512x32xf32, #tpu.memory_space<vmem>>[vector<16xi32>, vector<16xi32>], vector<16xf32>,
        %parallel_loop3A_829 = arith.constant 0 : i32
        %parallel_loop3A_830 = arith.constant 3 : i32
        %parallel_loop3A_831 = arith.constant 0 : i32
        %parallel_loop3A_832 = arith.index_cast %parallel_loop3A_829 : i32 to index
        %parallel_loop3A_833 = arith.index_cast %parallel_loop3A_830 : i32 to index
        %parallel_loop3A_834 = arith.index_cast %parallel_loop3A_390 : i32 to index
        %parallel_loop3A_835 = arith.index_cast %parallel_loop3A_831 : i32 to index
        %parallel_loop3A_836 = arith.index_cast %parallel_loop3A_408 : i32 to index
        %parallel_loop3A_837 = tpu.vector_load %arg7[%parallel_loop3A_832, %parallel_loop3A_833, %parallel_loop3A_834, %parallel_loop3A_835, %parallel_loop3A_836] {strides = array<i32>} : memref<2x4x4x8x128xf32, #tpu.memory_space<vmem>>, vector<16xf32>,
        tpu.vector_store %arg7[%parallel_loop3A_832, %parallel_loop3A_833, %parallel_loop3A_834, %parallel_loop3A_835, %parallel_loop3A_836], %parallel_loop3A_828 {strides = array<i32>} : memref<2x4x4x8x128xf32, #tpu.memory_space<vmem>>, vector<16xf32>,
        %parallel_loop3A_838 = arith.constant 25 : i32
        %parallel_loop3A_839 = vector.broadcast %parallel_loop3A_838 : i32 to vector<16xi32>
        %parallel_loop3A_840 = arith.constant 0 : i32
        %parallel_loop3A_841 = arith.constant 0 : i32
        %parallel_loop3A_842 = arith.constant 0 : i32
        %parallel_loop3A_843 = tpu.memref_slice %arg6[%parallel_loop3A_840, %parallel_loop3A_841, %parallel_loop3A_842] : memref<2x512x32xf32, #tpu.memory_space<vmem>> -> memref<1x512x32xf32, #tpu.memory_space<vmem>>
        %parallel_loop3A_844 = tpu.memref_squeeze %parallel_loop3A_843 : memref<1x512x32xf32, #tpu.memory_space<vmem>> -> memref<512x32xf32, #tpu.memory_space<vmem>>
        %parallel_loop3A_845 = tpu.vector_load_idx %parallel_loop3A_844[%parallel_loop3A_412, %parallel_loop3A_839] : memref<512x32xf32, #tpu.memory_space<vmem>>[vector<16xi32>, vector<16xi32>], vector<16xf32>,
        %parallel_loop3A_846 = arith.constant 0 : i32
        %parallel_loop3A_847 = arith.constant 3 : i32
        %parallel_loop3A_848 = arith.constant 1 : i32
        %parallel_loop3A_849 = arith.index_cast %parallel_loop3A_846 : i32 to index
        %parallel_loop3A_850 = arith.index_cast %parallel_loop3A_847 : i32 to index
        %parallel_loop3A_851 = arith.index_cast %parallel_loop3A_390 : i32 to index
        %parallel_loop3A_852 = arith.index_cast %parallel_loop3A_848 : i32 to index
        %parallel_loop3A_853 = arith.index_cast %parallel_loop3A_408 : i32 to index
        %parallel_loop3A_854 = tpu.vector_load %arg7[%parallel_loop3A_849, %parallel_loop3A_850, %parallel_loop3A_851, %parallel_loop3A_852, %parallel_loop3A_853] {strides = array<i32>} : memref<2x4x4x8x128xf32, #tpu.memory_space<vmem>>, vector<16xf32>,
        tpu.vector_store %arg7[%parallel_loop3A_849, %parallel_loop3A_850, %parallel_loop3A_851, %parallel_loop3A_852, %parallel_loop3A_853], %parallel_loop3A_845 {strides = array<i32>} : memref<2x4x4x8x128xf32, #tpu.memory_space<vmem>>, vector<16xf32>,
        %parallel_loop3A_855 = arith.constant 26 : i32
        %parallel_loop3A_856 = vector.broadcast %parallel_loop3A_855 : i32 to vector<16xi32>
        %parallel_loop3A_857 = arith.constant 0 : i32
        %parallel_loop3A_858 = arith.constant 0 : i32
        %parallel_loop3A_859 = arith.constant 0 : i32
        %parallel_loop3A_860 = tpu.memref_slice %arg6[%parallel_loop3A_857, %parallel_loop3A_858, %parallel_loop3A_859] : memref<2x512x32xf32, #tpu.memory_space<vmem>> -> memref<1x512x32xf32, #tpu.memory_space<vmem>>
        %parallel_loop3A_861 = tpu.memref_squeeze %parallel_loop3A_860 : memref<1x512x32xf32, #tpu.memory_space<vmem>> -> memref<512x32xf32, #tpu.memory_space<vmem>>
        %parallel_loop3A_862 = tpu.vector_load_idx %parallel_loop3A_861[%parallel_loop3A_412, %parallel_loop3A_856] : memref<512x32xf32, #tpu.memory_space<vmem>>[vector<16xi32>, vector<16xi32>], vector<16xf32>,
        %parallel_loop3A_863 = arith.constant 0 : i32
        %parallel_loop3A_864 = arith.constant 3 : i32
        %parallel_loop3A_865 = arith.constant 2 : i32
        %parallel_loop3A_866 = arith.index_cast %parallel_loop3A_863 : i32 to index
        %parallel_loop3A_867 = arith.index_cast %parallel_loop3A_864 : i32 to index
        %parallel_loop3A_868 = arith.index_cast %parallel_loop3A_390 : i32 to index
        %parallel_loop3A_869 = arith.index_cast %parallel_loop3A_865 : i32 to index
        %parallel_loop3A_870 = arith.index_cast %parallel_loop3A_408 : i32 to index
        %parallel_loop3A_871 = tpu.vector_load %arg7[%parallel_loop3A_866, %parallel_loop3A_867, %parallel_loop3A_868, %parallel_loop3A_869, %parallel_loop3A_870] {strides = array<i32>} : memref<2x4x4x8x128xf32, #tpu.memory_space<vmem>>, vector<16xf32>,
        tpu.vector_store %arg7[%parallel_loop3A_866, %parallel_loop3A_867, %parallel_loop3A_868, %parallel_loop3A_869, %parallel_loop3A_870], %parallel_loop3A_862 {strides = array<i32>} : memref<2x4x4x8x128xf32, #tpu.memory_space<vmem>>, vector<16xf32>,
        %parallel_loop3A_872 = arith.constant 27 : i32
        %parallel_loop3A_873 = vector.broadcast %parallel_loop3A_872 : i32 to vector<16xi32>
        %parallel_loop3A_874 = arith.constant 0 : i32
        %parallel_loop3A_875 = arith.constant 0 : i32
        %parallel_loop3A_876 = arith.constant 0 : i32
        %parallel_loop3A_877 = tpu.memref_slice %arg6[%parallel_loop3A_874, %parallel_loop3A_875, %parallel_loop3A_876] : memref<2x512x32xf32, #tpu.memory_space<vmem>> -> memref<1x512x32xf32, #tpu.memory_space<vmem>>
        %parallel_loop3A_878 = tpu.memref_squeeze %parallel_loop3A_877 : memref<1x512x32xf32, #tpu.memory_space<vmem>> -> memref<512x32xf32, #tpu.memory_space<vmem>>
        %parallel_loop3A_879 = tpu.vector_load_idx %parallel_loop3A_878[%parallel_loop3A_412, %parallel_loop3A_873] : memref<512x32xf32, #tpu.memory_space<vmem>>[vector<16xi32>, vector<16xi32>], vector<16xf32>,
        %parallel_loop3A_880 = arith.constant 0 : i32
        %parallel_loop3A_881 = arith.constant 3 : i32
        %parallel_loop3A_882 = arith.constant 3 : i32
        %parallel_loop3A_883 = arith.index_cast %parallel_loop3A_880 : i32 to index
        %parallel_loop3A_884 = arith.index_cast %parallel_loop3A_881 : i32 to index
        %parallel_loop3A_885 = arith.index_cast %parallel_loop3A_390 : i32 to index
        %parallel_loop3A_886 = arith.index_cast %parallel_loop3A_882 : i32 to index
        %parallel_loop3A_887 = arith.index_cast %parallel_loop3A_408 : i32 to index
        %parallel_loop3A_888 = tpu.vector_load %arg7[%parallel_loop3A_883, %parallel_loop3A_884, %parallel_loop3A_885, %parallel_loop3A_886, %parallel_loop3A_887] {strides = array<i32>} : memref<2x4x4x8x128xf32, #tpu.memory_space<vmem>>, vector<16xf32>,
        tpu.vector_store %arg7[%parallel_loop3A_883, %parallel_loop3A_884, %parallel_loop3A_885, %parallel_loop3A_886, %parallel_loop3A_887], %parallel_loop3A_879 {strides = array<i32>} : memref<2x4x4x8x128xf32, #tpu.memory_space<vmem>>, vector<16xf32>,
        %parallel_loop3A_889 = arith.constant 28 : i32
        %parallel_loop3A_890 = vector.broadcast %parallel_loop3A_889 : i32 to vector<16xi32>
        %parallel_loop3A_891 = arith.constant 0 : i32
        %parallel_loop3A_892 = arith.constant 0 : i32
        %parallel_loop3A_893 = arith.constant 0 : i32
        %parallel_loop3A_894 = tpu.memref_slice %arg6[%parallel_loop3A_891, %parallel_loop3A_892, %parallel_loop3A_893] : memref<2x512x32xf32, #tpu.memory_space<vmem>> -> memref<1x512x32xf32, #tpu.memory_space<vmem>>
        %parallel_loop3A_895 = tpu.memref_squeeze %parallel_loop3A_894 : memref<1x512x32xf32, #tpu.memory_space<vmem>> -> memref<512x32xf32, #tpu.memory_space<vmem>>
        %parallel_loop3A_896 = tpu.vector_load_idx %parallel_loop3A_895[%parallel_loop3A_412, %parallel_loop3A_890] : memref<512x32xf32, #tpu.memory_space<vmem>>[vector<16xi32>, vector<16xi32>], vector<16xf32>,
        %parallel_loop3A_897 = arith.constant 0 : i32
        %parallel_loop3A_898 = arith.constant 3 : i32
        %parallel_loop3A_899 = arith.constant 4 : i32
        %parallel_loop3A_900 = arith.index_cast %parallel_loop3A_897 : i32 to index
        %parallel_loop3A_901 = arith.index_cast %parallel_loop3A_898 : i32 to index
        %parallel_loop3A_902 = arith.index_cast %parallel_loop3A_390 : i32 to index
        %parallel_loop3A_903 = arith.index_cast %parallel_loop3A_899 : i32 to index
        %parallel_loop3A_904 = arith.index_cast %parallel_loop3A_408 : i32 to index
        %parallel_loop3A_905 = tpu.vector_load %arg7[%parallel_loop3A_900, %parallel_loop3A_901, %parallel_loop3A_902, %parallel_loop3A_903, %parallel_loop3A_904] {strides = array<i32>} : memref<2x4x4x8x128xf32, #tpu.memory_space<vmem>>, vector<16xf32>,
        tpu.vector_store %arg7[%parallel_loop3A_900, %parallel_loop3A_901, %parallel_loop3A_902, %parallel_loop3A_903, %parallel_loop3A_904], %parallel_loop3A_896 {strides = array<i32>} : memref<2x4x4x8x128xf32, #tpu.memory_space<vmem>>, vector<16xf32>,
        %parallel_loop3A_906 = arith.constant 29 : i32
        %parallel_loop3A_907 = vector.broadcast %parallel_loop3A_906 : i32 to vector<16xi32>
        %parallel_loop3A_908 = arith.constant 0 : i32
        %parallel_loop3A_909 = arith.constant 0 : i32
        %parallel_loop3A_910 = arith.constant 0 : i32
        %parallel_loop3A_911 = tpu.memref_slice %arg6[%parallel_loop3A_908, %parallel_loop3A_909, %parallel_loop3A_910] : memref<2x512x32xf32, #tpu.memory_space<vmem>> -> memref<1x512x32xf32, #tpu.memory_space<vmem>>
        %parallel_loop3A_912 = tpu.memref_squeeze %parallel_loop3A_911 : memref<1x512x32xf32, #tpu.memory_space<vmem>> -> memref<512x32xf32, #tpu.memory_space<vmem>>
        %parallel_loop3A_913 = tpu.vector_load_idx %parallel_loop3A_912[%parallel_loop3A_412, %parallel_loop3A_907] : memref<512x32xf32, #tpu.memory_space<vmem>>[vector<16xi32>, vector<16xi32>], vector<16xf32>,
        %parallel_loop3A_914 = arith.constant 0 : i32
        %parallel_loop3A_915 = arith.constant 3 : i32
        %parallel_loop3A_916 = arith.constant 5 : i32
        %parallel_loop3A_917 = arith.index_cast %parallel_loop3A_914 : i32 to index
        %parallel_loop3A_918 = arith.index_cast %parallel_loop3A_915 : i32 to index
        %parallel_loop3A_919 = arith.index_cast %parallel_loop3A_390 : i32 to index
        %parallel_loop3A_920 = arith.index_cast %parallel_loop3A_916 : i32 to index
        %parallel_loop3A_921 = arith.index_cast %parallel_loop3A_408 : i32 to index
        %parallel_loop3A_922 = tpu.vector_load %arg7[%parallel_loop3A_917, %parallel_loop3A_918, %parallel_loop3A_919, %parallel_loop3A_920, %parallel_loop3A_921] {strides = array<i32>} : memref<2x4x4x8x128xf32, #tpu.memory_space<vmem>>, vector<16xf32>,
        tpu.vector_store %arg7[%parallel_loop3A_917, %parallel_loop3A_918, %parallel_loop3A_919, %parallel_loop3A_920, %parallel_loop3A_921], %parallel_loop3A_913 {strides = array<i32>} : memref<2x4x4x8x128xf32, #tpu.memory_space<vmem>>, vector<16xf32>,
        %parallel_loop3A_923 = arith.constant 30 : i32
        %parallel_loop3A_924 = vector.broadcast %parallel_loop3A_923 : i32 to vector<16xi32>
        %parallel_loop3A_925 = arith.constant 0 : i32
        %parallel_loop3A_926 = arith.constant 0 : i32
        %parallel_loop3A_927 = arith.constant 0 : i32
        %parallel_loop3A_928 = tpu.memref_slice %arg6[%parallel_loop3A_925, %parallel_loop3A_926, %parallel_loop3A_927] : memref<2x512x32xf32, #tpu.memory_space<vmem>> -> memref<1x512x32xf32, #tpu.memory_space<vmem>>
        %parallel_loop3A_929 = tpu.memref_squeeze %parallel_loop3A_928 : memref<1x512x32xf32, #tpu.memory_space<vmem>> -> memref<512x32xf32, #tpu.memory_space<vmem>>
        %parallel_loop3A_930 = tpu.vector_load_idx %parallel_loop3A_929[%parallel_loop3A_412, %parallel_loop3A_924] : memref<512x32xf32, #tpu.memory_space<vmem>>[vector<16xi32>, vector<16xi32>], vector<16xf32>,
        %parallel_loop3A_931 = arith.constant 0 : i32
        %parallel_loop3A_932 = arith.constant 3 : i32
        %parallel_loop3A_933 = arith.constant 6 : i32
        %parallel_loop3A_934 = arith.index_cast %parallel_loop3A_931 : i32 to index
        %parallel_loop3A_935 = arith.index_cast %parallel_loop3A_932 : i32 to index
        %parallel_loop3A_936 = arith.index_cast %parallel_loop3A_390 : i32 to index
        %parallel_loop3A_937 = arith.index_cast %parallel_loop3A_933 : i32 to index
        %parallel_loop3A_938 = arith.index_cast %parallel_loop3A_408 : i32 to index
        %parallel_loop3A_939 = tpu.vector_load %arg7[%parallel_loop3A_934, %parallel_loop3A_935, %parallel_loop3A_936, %parallel_loop3A_937, %parallel_loop3A_938] {strides = array<i32>} : memref<2x4x4x8x128xf32, #tpu.memory_space<vmem>>, vector<16xf32>,
        tpu.vector_store %arg7[%parallel_loop3A_934, %parallel_loop3A_935, %parallel_loop3A_936, %parallel_loop3A_937, %parallel_loop3A_938], %parallel_loop3A_930 {strides = array<i32>} : memref<2x4x4x8x128xf32, #tpu.memory_space<vmem>>, vector<16xf32>,
        %parallel_loop3A_940 = arith.constant 31 : i32
        %parallel_loop3A_941 = vector.broadcast %parallel_loop3A_940 : i32 to vector<16xi32>
        %parallel_loop3A_942 = arith.constant 0 : i32
        %parallel_loop3A_943 = arith.constant 0 : i32
        %parallel_loop3A_944 = arith.constant 0 : i32
        %parallel_loop3A_945 = tpu.memref_slice %arg6[%parallel_loop3A_942, %parallel_loop3A_943, %parallel_loop3A_944] : memref<2x512x32xf32, #tpu.memory_space<vmem>> -> memref<1x512x32xf32, #tpu.memory_space<vmem>>
        %parallel_loop3A_946 = tpu.memref_squeeze %parallel_loop3A_945 : memref<1x512x32xf32, #tpu.memory_space<vmem>> -> memref<512x32xf32, #tpu.memory_space<vmem>>
        %parallel_loop3A_947 = tpu.vector_load_idx %parallel_loop3A_946[%parallel_loop3A_412, %parallel_loop3A_941] : memref<512x32xf32, #tpu.memory_space<vmem>>[vector<16xi32>, vector<16xi32>], vector<16xf32>,
        %parallel_loop3A_948 = arith.constant 0 : i32
        %parallel_loop3A_949 = arith.constant 3 : i32
        %parallel_loop3A_950 = arith.constant 7 : i32
        %parallel_loop3A_951 = arith.index_cast %parallel_loop3A_948 : i32 to index
        %parallel_loop3A_952 = arith.index_cast %parallel_loop3A_949 : i32 to index
        %parallel_loop3A_953 = arith.index_cast %parallel_loop3A_390 : i32 to index
        %parallel_loop3A_954 = arith.index_cast %parallel_loop3A_950 : i32 to index
        %parallel_loop3A_955 = arith.index_cast %parallel_loop3A_408 : i32 to index
        %parallel_loop3A_956 = tpu.vector_load %arg7[%parallel_loop3A_951, %parallel_loop3A_952, %parallel_loop3A_953, %parallel_loop3A_954, %parallel_loop3A_955] {strides = array<i32>} : memref<2x4x4x8x128xf32, #tpu.memory_space<vmem>>, vector<16xf32>,
        tpu.vector_store %arg7[%parallel_loop3A_951, %parallel_loop3A_952, %parallel_loop3A_953, %parallel_loop3A_954, %parallel_loop3A_955], %parallel_loop3A_947 {strides = array<i32>} : memref<2x4x4x8x128xf32, #tpu.memory_space<vmem>>, vector<16xf32>,
      } {sc.loop_unroll_factor = 1 : i64, sc.parallel_access}
      %jit3A_197 = arith.constant 32 : i32
      %div3A_198 = arith.divsi %add3A_166, %jit3A_197 : i32
      %sign3A_199 = arith.constant 0 : i32
      %sign3A_200 = arith.cmpi sgt, %add3A_166, %sign3A_199 : i32
      %sign3A_201 = arith.extui %sign3A_200 : i1 to i32
      %sign3A_202 = arith.constant 0 : i32
      %sign3A_203 = arith.cmpi slt, %add3A_166, %sign3A_202 : i32
      %sign3A_204 = arith.extui %sign3A_203 : i1 to i32
      %sign3A_205 = arith.subi %sign3A_201, %sign3A_204 : i32
      %sign3A_206 = arith.constant 0 : i32
      %sign3A_207 = arith.cmpi sgt, %jit3A_197, %sign3A_206 : i32
      %sign3A_208 = arith.extui %sign3A_207 : i1 to i32
      %sign3A_209 = arith.constant 0 : i32
      %sign3A_210 = arith.cmpi slt, %jit3A_197, %sign3A_209 : i32
      %sign3A_211 = arith.extui %sign3A_210 : i1 to i32
      %sign3A_212 = arith.subi %sign3A_208, %sign3A_211 : i32
      %ne3A_213 = arith.cmpi ne, %sign3A_205, %sign3A_212 : i32
      %rem3A_214 = arith.remsi %add3A_166, %jit3A_197 : i32
      %ne3A_215 = arith.constant 0 : i32
      %ne3A_216 = arith.cmpi ne, %rem3A_214, %ne3A_215 : i32
      %and3A_217 = arith.andi %ne3A_213, %ne3A_216 : i1
      %sub3A_218 = arith.constant 1 : i32
      %sub3A_219 = arith.subi %div3A_198, %sub3A_218 : i32
      %select_n3A_220 = arith.select %and3A_217, %sub3A_219, %div3A_198 : i32
      %jit3A_221 = arith.constant 32 : i32
      %eq3A_222 = arith.constant 0 : i32
      %eq3A_223 = arith.cmpi eq, %jit3A_221, %eq3A_222 : i32
      %jit3A_224 = arith.constant 1 : i32
      %select_n3A_225 = arith.select %eq3A_223, %jit3A_224, %jit3A_221 : i32
      %rem3A_226 = arith.remsi %add3A_166, %select_n3A_225 : i32
      %ne3A_227 = arith.constant 0 : i32
      %ne3A_228 = arith.cmpi ne, %rem3A_226, %ne3A_227 : i32
      %lt3A_229 = arith.constant 0 : i32
      %lt3A_230 = arith.cmpi slt, %rem3A_226, %lt3A_229 : i32
      %lt3A_231 = arith.constant 0 : i32
      %lt3A_232 = arith.cmpi slt, %select_n3A_225, %lt3A_231 : i32
      %ne3A_233 = arith.xori %lt3A_230, %lt3A_232 : i1
      %and3A_234 = arith.andi %ne3A_233, %ne3A_228 : i1
      %add3A_235 = arith.addi %rem3A_226, %select_n3A_225 : i32
      %select_n3A_236 = arith.select %and3A_234, %add3A_235, %rem3A_226 : i32
      %mul3A_237 = arith.constant 4 : i32
      %mul3A_238 = arith.muli %select_n3A_236, %mul3A_237 : i32
      %dma_start3A_239 = arith.constant 0 : i32
      %dma_start3A_240 = arith.constant 0 : i32
      %dma_start3A_241 = arith.constant 0 : i32
      %dma_start3A_242 = arith.constant 0 : i32
      %dma_start3A_243 = arith.constant 0 : i32
      %dma_start3A_244 = tpu.memref_slice %arg7[%dma_start3A_239, %dma_start3A_240, %dma_start3A_241, %dma_start3A_242, %dma_start3A_243] : memref<2x4x4x8x128xf32, #tpu.memory_space<vmem>> -> memref<1x4x4x8x128xf32, #tpu.memory_space<vmem>>
      %dma_start3A_245 = tpu.memref_squeeze %dma_start3A_244 : memref<1x4x4x8x128xf32, #tpu.memory_space<vmem>> -> memref<4x4x8x128xf32, #tpu.memory_space<vmem>>
      %dma_start3A_246 = arith.constant 0 : i32
      %dma_start3A_247 = arith.constant 0 : i32
      %dma_start3A_248 = arith.constant 0 : i32
      %dma_start3A_249 = tpu.memref_slice %arg4[%select_n3A_220, %dma_start3A_246, %mul3A_238, %dma_start3A_247, %dma_start3A_248] : memref<50x4x128x8x128xf32, #tpu.memory_space<hbm>> -> memref<1x4x4x8x128xf32, #tpu.memory_space<hbm>>
      %dma_start3A_250 = tpu.memref_squeeze %dma_start3A_249 : memref<1x4x4x8x128xf32, #tpu.memory_space<hbm>> -> memref<4x4x8x128xf32, #tpu.memory_space<hbm>>
      %dma_start3A_251 = arith.constant 0 : i32
      %dma_start3A_252 = arith.constant 0 : i32
      %dma_start3A_253 = arith.constant 0 : i32
      %dma_start3A_254 = tpu.memref_slice %arg4[%select_n3A_220, %dma_start3A_251, %mul3A_238, %dma_start3A_252, %dma_start3A_253] : memref<50x4x128x8x128xf32, #tpu.memory_space<hbm>> -> memref<1x4x4x8x128xf32, #tpu.memory_space<hbm>>
      %dma_start3A_255 = tpu.memref_squeeze %dma_start3A_254 : memref<1x4x4x8x128xf32, #tpu.memory_space<hbm>> -> memref<4x4x8x128xf32, #tpu.memory_space<hbm>>
      %dma_start3A_256 = arith.constant 0 : i32
      %dma_start3A_257 = arith.constant 0 : i32
      %dma_start3A_258 = arith.constant 0 : i32
      %dma_start3A_259 = arith.constant 0 : i32
      %dma_start3A_260 = tpu.memref_slice %arg7[%dma_start3A_239, %dma_start3A_256, %dma_start3A_257, %dma_start3A_258, %dma_start3A_259] : memref<2x4x4x8x128xf32, #tpu.memory_space<vmem>> -> memref<1x4x4x8x128xf32, #tpu.memory_space<vmem>>
      %dma_start3A_261 = tpu.memref_squeeze %dma_start3A_260 : memref<1x4x4x8x128xf32, #tpu.memory_space<vmem>> -> memref<4x4x8x128xf32, #tpu.memory_space<vmem>>
      tpu.enqueue_dma source(%dma_start3A_261 : memref<4x4x8x128xf32, #tpu.memory_space<vmem>>) target(%dma_start3A_255 : memref<4x4x8x128xf32, #tpu.memory_space<hbm>>) target_semaphore(%arg12 : memref<!tpu.dma_semaphore, #tpu.memory_space<semaphore_mem>>)
      %mul3A_262 = arith.constant 2 : i32
      %mul3A_263 = arith.muli %scan3A_161, %mul3A_262 : i32
      %add3A_264 = arith.constant 1 : i32
      %add3A_265 = arith.addi %mul3A_263, %add3A_264 : i32
      %add3A_266 = arith.addi %mul3A_2, %add3A_265 : i32
      %dma_wait3A_267 = arith.constant 1 : i32
      %dma_wait3A_268 = arith.constant 1 : i32
      %dma_wait3A_269 = arith.constant 0 : i32
      %dma_wait3A_270 = arith.constant 0 : i32
      %dma_wait3A_271 = tpu.memref_slice %arg6[%dma_wait3A_268, %dma_wait3A_269, %dma_wait3A_270] : memref<2x512x32xf32, #tpu.memory_space<vmem>> -> memref<1x512x32xf32, #tpu.memory_space<vmem>>
      %dma_wait3A_272 = tpu.memref_squeeze %dma_wait3A_271 : memref<1x512x32xf32, #tpu.memory_space<vmem>> -> memref<512x32xf32, #tpu.memory_space<vmem>>
      %dma_wait3A_273 = arith.constant 0 : i32
      %dma_wait3A_274 = tpu.memref_slice %arg5[%dma_wait3A_267, %dma_wait3A_273] : memref<2x512xi32, #tpu.memory_space<vmem>> -> memref<1x512xi32, #tpu.memory_space<vmem>>
      %dma_wait3A_275 = tpu.memref_squeeze %dma_wait3A_274 : memref<1x512xi32, #tpu.memory_space<vmem>> -> memref<512xi32, #tpu.memory_space<vmem>>
      %dma_wait3A_276 = arith.constant 0 : i32
      %dma_wait3A_277 = arith.constant 0 : i32
      %dma_wait3A_278 = tpu.memref_slice %arg3[%dma_wait3A_276, %dma_wait3A_277] : memref<1000000x32xf32, #tpu.memory_space<hbm>> -> memref<1000000x32xf32, #tpu.memory_space<hbm>>
      tpu.wait_indirect_dma semaphore(%arg9 : memref<!tpu.dma_semaphore, #tpu.memory_space<semaphore_mem>>) src(%dma_wait3A_278 : memref<1000000x32xf32, #tpu.memory_space<hbm>>) dst(%dma_wait3A_272 : memref<512x32xf32, #tpu.memory_space<vmem>>)
      %add3A_279 = arith.constant 2 : i32
      %add3A_280 = arith.addi %add3A_265, %add3A_279 : i32
      %lt3A_281 = arith.constant 50 : i32
      %lt3A_282 = arith.cmpi slt, %add3A_280, %lt3A_281 : i32
      %convert_element_type3A_283 = arith.extui %lt3A_282 : i1 to i32
      %cond3A_284 = arith.constant 0 : i32
      %cond3A_285 = arith.cmpi ne, %convert_element_type3A_283, %cond3A_284 : i32
      scf.if %cond3A_285 {
        %add3A_366 = arith.constant 2 : i32
        %add3A_367 = arith.addi %add3A_266, %add3A_366 : i32
        %mul3A_368 = arith.constant 512 : i32
        %mul3A_369 = arith.muli %add3A_367, %mul3A_368 : i32
        %dma_start3A_370 = arith.constant 1 : i32
        %dma_start3A_371 = arith.constant 0 : i32
        %dma_start3A_372 = tpu.memref_slice %arg5[%dma_start3A_370, %dma_start3A_371] : memref<2x512xi32, #tpu.memory_space<vmem>> -> memref<1x512xi32, #tpu.memory_space<vmem>>
        %dma_start3A_373 = tpu.memref_squeeze %dma_start3A_372 : memref<1x512xi32, #tpu.memory_space<vmem>> -> memref<512xi32, #tpu.memory_space<vmem>>
        %dma_start3A_374 = tpu.memref_slice %arg2[%mul3A_369] : memref<819200xi32, #tpu.memory_space<hbm>> -> memref<512xi32, #tpu.memory_space<hbm>>
        %dma_start3A_375 = arith.constant 0 : i32
        %dma_start3A_376 = tpu.memref_slice %arg5[%dma_start3A_370, %dma_start3A_375] : memref<2x512xi32, #tpu.memory_space<vmem>> -> memref<1x512xi32, #tpu.memory_space<vmem>>
        %dma_start3A_377 = tpu.memref_squeeze %dma_start3A_376 : memref<1x512xi32, #tpu.memory_space<vmem>> -> memref<512xi32, #tpu.memory_space<vmem>>
        %dma_start3A_378 = tpu.memref_slice %arg2[%mul3A_369] : memref<819200xi32, #tpu.memory_space<hbm>> -> memref<512xi32, #tpu.memory_space<hbm>>
        tpu.enqueue_dma source(%dma_start3A_378 : memref<512xi32, #tpu.memory_space<hbm>>) target(%dma_start3A_377 : memref<512xi32, #tpu.memory_space<vmem>>) target_semaphore(%arg11 : memref<!tpu.dma_semaphore, #tpu.memory_space<semaphore_mem>>)
      } else {
      }
      %add3A_286 = arith.constant 1 : i32
      %add3A_287 = arith.addi %add3A_265, %add3A_286 : i32
      %lt3A_288 = arith.constant 50 : i32
      %lt3A_289 = arith.cmpi slt, %add3A_287, %lt3A_288 : i32
      %convert_element_type3A_290 = arith.extui %lt3A_289 : i1 to i32
      %cond3A_291 = arith.constant 0 : i32
      %cond3A_292 = arith.cmpi ne, %convert_element_type3A_290, %cond3A_291 : i32
      scf.if %cond3A_292 {
        %add3A_366 = arith.constant 1 : i32
        %add3A_367 = arith.addi %add3A_266, %add3A_366 : i32
        %mul3A_368 = arith.constant 512 : i32
        %mul3A_369 = arith.muli %add3A_367, %mul3A_368 : i32
        %dma_wait3A_370 = arith.constant 0 : i32
        %dma_wait3A_371 = arith.constant 0 : i32
        %dma_wait3A_372 = tpu.memref_slice %arg5[%dma_wait3A_370, %dma_wait3A_371] : memref<2x512xi32, #tpu.memory_space<vmem>> -> memref<1x512xi32, #tpu.memory_space<vmem>>
        %dma_wait3A_373 = tpu.memref_squeeze %dma_wait3A_372 : memref<1x512xi32, #tpu.memory_space<vmem>> -> memref<512xi32, #tpu.memory_space<vmem>>
        %dma_wait3A_374 = tpu.memref_slice %arg2[%mul3A_369] : memref<819200xi32, #tpu.memory_space<hbm>> -> memref<512xi32, #tpu.memory_space<hbm>>
        %dma_wait3A_375 = arith.constant 0 : i32
        %dma_wait3A_376 = tpu.memref_slice %arg5[%dma_wait3A_370, %dma_wait3A_375] : memref<2x512xi32, #tpu.memory_space<vmem>> -> memref<1x512xi32, #tpu.memory_space<vmem>>
        %dma_wait3A_377 = tpu.memref_squeeze %dma_wait3A_376 : memref<1x512xi32, #tpu.memory_space<vmem>> -> memref<512xi32, #tpu.memory_space<vmem>>
        %dma_wait3A_378 = tpu.memref_slice %arg2[%mul3A_369] : memref<819200xi32, #tpu.memory_space<hbm>> -> memref<512xi32, #tpu.memory_space<hbm>>
        tpu.wait_dma2 semaphore(%arg10 : memref<!tpu.dma_semaphore, #tpu.memory_space<semaphore_mem>>) src(%dma_wait3A_378 : memref<512xi32, #tpu.memory_space<hbm>>) dst(%dma_wait3A_377 : memref<512xi32, #tpu.memory_space<vmem>>)
        %add3A_379 = arith.constant 1 : i32
        %add3A_380 = arith.addi %add3A_266, %add3A_379 : i32
        %dma_start3A_381 = arith.constant 0 : i32
        %dma_start3A_382 = arith.constant 0 : i32
        %dma_start3A_383 = arith.constant 0 : i32
        %dma_start3A_384 = arith.constant 0 : i32
        %dma_start3A_385 = tpu.memref_slice %arg6[%dma_start3A_382, %dma_start3A_383, %dma_start3A_384] : memref<2x512x32xf32, #tpu.memory_space<vmem>> -> memref<1x512x32xf32, #tpu.memory_space<vmem>>
        %dma_start3A_386 = tpu.memref_squeeze %dma_start3A_385 : memref<1x512x32xf32, #tpu.memory_space<vmem>> -> memref<512x32xf32, #tpu.memory_space<vmem>>
        %dma_start3A_387 = arith.constant 0 : i32
        %dma_start3A_388 = tpu.memref_slice %arg5[%dma_start3A_381, %dma_start3A_387] : memref<2x512xi32, #tpu.memory_space<vmem>> -> memref<1x512xi32, #tpu.memory_space<vmem>>
        %dma_start3A_389 = tpu.memref_squeeze %dma_start3A_388 : memref<1x512xi32, #tpu.memory_space<vmem>> -> memref<512xi32, #tpu.memory_space<vmem>>
        %dma_start3A_390 = arith.constant 0 : i32
        %dma_start3A_391 = arith.constant 0 : i32
        %dma_start3A_392 = tpu.memref_slice %arg3[%dma_start3A_390, %dma_start3A_391] : memref<1000000x32xf32, #tpu.memory_space<hbm>> -> memref<1000000x32xf32, #tpu.memory_space<hbm>>
        tpu.enqueue_indirect_dma source(%dma_start3A_392 : memref<1000000x32xf32, #tpu.memory_space<hbm>>) target(%dma_start3A_386 : memref<512x32xf32, #tpu.memory_space<vmem>>) offsets(%dma_start3A_389 : memref<512xi32, #tpu.memory_space<vmem>>) semaphore(%arg8 : memref<!tpu.dma_semaphore, #tpu.memory_space<semaphore_mem>>)
      } else {
      }
      %ge3A_293 = arith.constant 2 : i32
      %ge3A_294 = arith.cmpi sge, %add3A_265, %ge3A_293 : i32
      %convert_element_type3A_295 = arith.extui %ge3A_294 : i1 to i32
      %cond3A_296 = arith.constant 0 : i32
      %cond3A_297 = arith.cmpi ne, %convert_element_type3A_295, %cond3A_296 : i32
      scf.if %cond3A_297 {
        %sub3A_366 = arith.constant 2 : i32
        %sub3A_367 = arith.subi %add3A_266, %sub3A_366 : i32
        %jit3A_368 = arith.constant 32 : i32
        %div3A_369 = arith.divsi %sub3A_367, %jit3A_368 : i32
        %sign3A_370 = arith.constant 0 : i32
        %sign3A_371 = arith.cmpi sgt, %sub3A_367, %sign3A_370 : i32
        %sign3A_372 = arith.extui %sign3A_371 : i1 to i32
        %sign3A_373 = arith.constant 0 : i32
        %sign3A_374 = arith.cmpi slt, %sub3A_367, %sign3A_373 : i32
        %sign3A_375 = arith.extui %sign3A_374 : i1 to i32
        %sign3A_376 = arith.subi %sign3A_372, %sign3A_375 : i32
        %sign3A_377 = arith.constant 0 : i32
        %sign3A_378 = arith.cmpi sgt, %jit3A_368, %sign3A_377 : i32
        %sign3A_379 = arith.extui %sign3A_378 : i1 to i32
        %sign3A_380 = arith.constant 0 : i32
        %sign3A_381 = arith.cmpi slt, %jit3A_368, %sign3A_380 : i32
        %sign3A_382 = arith.extui %sign3A_381 : i1 to i32
        %sign3A_383 = arith.subi %sign3A_379, %sign3A_382 : i32
        %ne3A_384 = arith.cmpi ne, %sign3A_376, %sign3A_383 : i32
        %rem3A_385 = arith.remsi %sub3A_367, %jit3A_368 : i32
        %ne3A_386 = arith.constant 0 : i32
        %ne3A_387 = arith.cmpi ne, %rem3A_385, %ne3A_386 : i32
        %and3A_388 = arith.andi %ne3A_384, %ne3A_387 : i1
        %sub3A_389 = arith.constant 1 : i32
        %sub3A_390 = arith.subi %div3A_369, %sub3A_389 : i32
        %select_n3A_391 = arith.select %and3A_388, %sub3A_390, %div3A_369 : i32
        %jit3A_392 = arith.constant 32 : i32
        %eq3A_393 = arith.constant 0 : i32
        %eq3A_394 = arith.cmpi eq, %jit3A_392, %eq3A_393 : i32
        %jit3A_395 = arith.constant 1 : i32
        %select_n3A_396 = arith.select %eq3A_394, %jit3A_395, %jit3A_392 : i32
        %rem3A_397 = arith.remsi %sub3A_367, %select_n3A_396 : i32
        %ne3A_398 = arith.constant 0 : i32
        %ne3A_399 = arith.cmpi ne, %rem3A_397, %ne3A_398 : i32
        %lt3A_400 = arith.constant 0 : i32
        %lt3A_401 = arith.cmpi slt, %rem3A_397, %lt3A_400 : i32
        %lt3A_402 = arith.constant 0 : i32
        %lt3A_403 = arith.cmpi slt, %select_n3A_396, %lt3A_402 : i32
        %ne3A_404 = arith.xori %lt3A_401, %lt3A_403 : i1
        %and3A_405 = arith.andi %ne3A_404, %ne3A_399 : i1
        %add3A_406 = arith.addi %rem3A_397, %select_n3A_396 : i32
        %select_n3A_407 = arith.select %and3A_405, %add3A_406, %rem3A_397 : i32
        %mul3A_408 = arith.constant 4 : i32
        %mul3A_409 = arith.muli %select_n3A_407, %mul3A_408 : i32
        %dma_wait3A_410 = arith.constant 1 : i32
        %dma_wait3A_411 = arith.constant 0 : i32
        %dma_wait3A_412 = arith.constant 0 : i32
        %dma_wait3A_413 = arith.constant 0 : i32
        %dma_wait3A_414 = arith.constant 0 : i32
        %dma_wait3A_415 = tpu.memref_slice %arg7[%dma_wait3A_410, %dma_wait3A_411, %dma_wait3A_412, %dma_wait3A_413, %dma_wait3A_414] : memref<2x4x4x8x128xf32, #tpu.memory_space<vmem>> -> memref<1x4x4x8x128xf32, #tpu.memory_space<vmem>>
        %dma_wait3A_416 = tpu.memref_squeeze %dma_wait3A_415 : memref<1x4x4x8x128xf32, #tpu.memory_space<vmem>> -> memref<4x4x8x128xf32, #tpu.memory_space<vmem>>
        %dma_wait3A_417 = arith.constant 0 : i32
        %dma_wait3A_418 = arith.constant 0 : i32
        %dma_wait3A_419 = arith.constant 0 : i32
        %dma_wait3A_420 = tpu.memref_slice %arg4[%select_n3A_391, %dma_wait3A_417, %mul3A_409, %dma_wait3A_418, %dma_wait3A_419] : memref<50x4x128x8x128xf32, #tpu.memory_space<hbm>> -> memref<1x4x4x8x128xf32, #tpu.memory_space<hbm>>
        %dma_wait3A_421 = tpu.memref_squeeze %dma_wait3A_420 : memref<1x4x4x8x128xf32, #tpu.memory_space<hbm>> -> memref<4x4x8x128xf32, #tpu.memory_space<hbm>>
        %dma_wait3A_422 = arith.constant 0 : i32
        %dma_wait3A_423 = arith.constant 0 : i32
        %dma_wait3A_424 = arith.constant 0 : i32
        %dma_wait3A_425 = tpu.memref_slice %arg4[%select_n3A_391, %dma_wait3A_422, %mul3A_409, %dma_wait3A_423, %dma_wait3A_424] : memref<50x4x128x8x128xf32, #tpu.memory_space<hbm>> -> memref<1x4x4x8x128xf32, #tpu.memory_space<hbm>>
        %dma_wait3A_426 = tpu.memref_squeeze %dma_wait3A_425 : memref<1x4x4x8x128xf32, #tpu.memory_space<hbm>> -> memref<4x4x8x128xf32, #tpu.memory_space<hbm>>
        %dma_wait3A_427 = arith.constant 0 : i32
        %dma_wait3A_428 = arith.constant 0 : i32
        %dma_wait3A_429 = arith.constant 0 : i32
        %dma_wait3A_430 = arith.constant 0 : i32
        %dma_wait3A_431 = tpu.memref_slice %arg7[%dma_wait3A_410, %dma_wait3A_427, %dma_wait3A_428, %dma_wait3A_429, %dma_wait3A_430] : memref<2x4x4x8x128xf32, #tpu.memory_space<vmem>> -> memref<1x4x4x8x128xf32, #tpu.memory_space<vmem>>
        %dma_wait3A_432 = tpu.memref_squeeze %dma_wait3A_431 : memref<1x4x4x8x128xf32, #tpu.memory_space<vmem>> -> memref<4x4x8x128xf32, #tpu.memory_space<vmem>>
        tpu.wait_dma2 semaphore(%arg13 : memref<!tpu.dma_semaphore, #tpu.memory_space<semaphore_mem>>) src(%dma_wait3A_432 : memref<4x4x8x128xf32, #tpu.memory_space<vmem>>) dst(%dma_wait3A_426 : memref<4x4x8x128xf32, #tpu.memory_space<hbm>>)
      } else {
      }
      %parallel_loop3A_298 = arith.constant 0 : i32
      %parallel_loop3A_299 = arith.constant 32 : i32
      %parallel_loop3A_300 = arith.constant 1 : i32
      scf.for %parallel_loop3A_366 = %parallel_loop3A_298 to %parallel_loop3A_299 step %parallel_loop3A_300  : i32 {
        %parallel_loop3A_367 = arith.constant 8 : i32
        %parallel_loop3A_368 = arith.divsi %parallel_loop3A_366, %parallel_loop3A_367 : i32
        %parallel_loop3A_369 = arith.constant 0 : i32
        %parallel_loop3A_370 = arith.cmpi sgt, %parallel_loop3A_366, %parallel_loop3A_369 : i32
        %parallel_loop3A_371 = arith.extui %parallel_loop3A_370 : i1 to i32
        %parallel_loop3A_372 = arith.constant 0 : i32
        %parallel_loop3A_373 = arith.cmpi slt, %parallel_loop3A_366, %parallel_loop3A_372 : i32
        %parallel_loop3A_374 = arith.extui %parallel_loop3A_373 : i1 to i32
        %parallel_loop3A_375 = arith.subi %parallel_loop3A_371, %parallel_loop3A_374 : i32
        %parallel_loop3A_376 = arith.constant 0 : i32
        %parallel_loop3A_377 = arith.cmpi sgt, %parallel_loop3A_367, %parallel_loop3A_376 : i32
        %parallel_loop3A_378 = arith.extui %parallel_loop3A_377 : i1 to i32
        %parallel_loop3A_379 = arith.constant 0 : i32
        %parallel_loop3A_380 = arith.cmpi slt, %parallel_loop3A_367, %parallel_loop3A_379 : i32
        %parallel_loop3A_381 = arith.extui %parallel_loop3A_380 : i1 to i32
        %parallel_loop3A_382 = arith.subi %parallel_loop3A_378, %parallel_loop3A_381 : i32
        %parallel_loop3A_383 = arith.cmpi ne, %parallel_loop3A_375, %parallel_loop3A_382 : i32
        %parallel_loop3A_384 = arith.remsi %parallel_loop3A_366, %parallel_loop3A_367 : i32
        %parallel_loop3A_385 = arith.constant 0 : i32
        %parallel_loop3A_386 = arith.cmpi ne, %parallel_loop3A_384, %parallel_loop3A_385 : i32
        %parallel_loop3A_387 = arith.andi %parallel_loop3A_383, %parallel_loop3A_386 : i1
        %parallel_loop3A_388 = arith.constant 1 : i32
        %parallel_loop3A_389 = arith.subi %parallel_loop3A_368, %parallel_loop3A_388 : i32
        %parallel_loop3A_390 = arith.select %parallel_loop3A_387, %parallel_loop3A_389, %parallel_loop3A_368 : i32
        %parallel_loop3A_391 = arith.constant 8 : i32
        %parallel_loop3A_392 = arith.constant 0 : i32
        %parallel_loop3A_393 = arith.cmpi eq, %parallel_loop3A_391, %parallel_loop3A_392 : i32
        %parallel_loop3A_394 = arith.constant 1 : i32
        %parallel_loop3A_395 = arith.select %parallel_loop3A_393, %parallel_loop3A_394, %parallel_loop3A_391 : i32
        %parallel_loop3A_396 = arith.remsi %parallel_loop3A_366, %parallel_loop3A_395 : i32
        %parallel_loop3A_397 = arith.constant 0 : i32
        %parallel_loop3A_398 = arith.cmpi ne, %parallel_loop3A_396, %parallel_loop3A_397 : i32
        %parallel_loop3A_399 = arith.constant 0 : i32
        %parallel_loop3A_400 = arith.cmpi slt, %parallel_loop3A_396, %parallel_loop3A_399 : i32
        %parallel_loop3A_401 = arith.constant 0 : i32
        %parallel_loop3A_402 = arith.cmpi slt, %parallel_loop3A_395, %parallel_loop3A_401 : i32
        %parallel_loop3A_403 = arith.xori %parallel_loop3A_400, %parallel_loop3A_402 : i1
        %parallel_loop3A_404 = arith.andi %parallel_loop3A_403, %parallel_loop3A_398 : i1
        %parallel_loop3A_405 = arith.addi %parallel_loop3A_396, %parallel_loop3A_395 : i32
        %parallel_loop3A_406 = arith.select %parallel_loop3A_404, %parallel_loop3A_405, %parallel_loop3A_396 : i32
        %parallel_loop3A_407 = arith.constant 16 : i32
        %parallel_loop3A_408 = arith.muli %parallel_loop3A_406, %parallel_loop3A_407 : i32
        %parallel_loop3A_409 = arith.constant 16 : i32
        %parallel_loop3A_410 = arith.muli %parallel_loop3A_366, %parallel_loop3A_409 : i32
        %parallel_loop3A_411 = vector.broadcast %parallel_loop3A_410 : i32 to vector<16xi32>
        %parallel_loop3A_412 = arith.addi %parallel_loop3A_411, %iota3A : vector<16xi32>
        %parallel_loop3A_413 = arith.constant 0 : i32
        %parallel_loop3A_414 = vector.broadcast %parallel_loop3A_413 : i32 to vector<16xi32>
        %parallel_loop3A_415 = arith.constant 1 : i32
        %parallel_loop3A_416 = arith.constant 0 : i32
        %parallel_loop3A_417 = arith.constant 0 : i32
        %parallel_loop3A_418 = tpu.memref_slice %arg6[%parallel_loop3A_415, %parallel_loop3A_416, %parallel_loop3A_417] : memref<2x512x32xf32, #tpu.memory_space<vmem>> -> memref<1x512x32xf32, #tpu.memory_space<vmem>>
        %parallel_loop3A_419 = tpu.memref_squeeze %parallel_loop3A_418 : memref<1x512x32xf32, #tpu.memory_space<vmem>> -> memref<512x32xf32, #tpu.memory_space<vmem>>
        %parallel_loop3A_420 = tpu.vector_load_idx %parallel_loop3A_419[%parallel_loop3A_412, %parallel_loop3A_414] : memref<512x32xf32, #tpu.memory_space<vmem>>[vector<16xi32>, vector<16xi32>], vector<16xf32>,
        %parallel_loop3A_421 = arith.constant 1 : i32
        %parallel_loop3A_422 = arith.constant 0 : i32
        %parallel_loop3A_423 = arith.constant 0 : i32
        %parallel_loop3A_424 = arith.index_cast %parallel_loop3A_421 : i32 to index
        %parallel_loop3A_425 = arith.index_cast %parallel_loop3A_422 : i32 to index
        %parallel_loop3A_426 = arith.index_cast %parallel_loop3A_390 : i32 to index
        %parallel_loop3A_427 = arith.index_cast %parallel_loop3A_423 : i32 to index
        %parallel_loop3A_428 = arith.index_cast %parallel_loop3A_408 : i32 to index
        %parallel_loop3A_429 = tpu.vector_load %arg7[%parallel_loop3A_424, %parallel_loop3A_425, %parallel_loop3A_426, %parallel_loop3A_427, %parallel_loop3A_428] {strides = array<i32>} : memref<2x4x4x8x128xf32, #tpu.memory_space<vmem>>, vector<16xf32>,
        tpu.vector_store %arg7[%parallel_loop3A_424, %parallel_loop3A_425, %parallel_loop3A_426, %parallel_loop3A_427, %parallel_loop3A_428], %parallel_loop3A_420 {strides = array<i32>} : memref<2x4x4x8x128xf32, #tpu.memory_space<vmem>>, vector<16xf32>,
        %parallel_loop3A_430 = arith.constant 1 : i32
        %parallel_loop3A_431 = vector.broadcast %parallel_loop3A_430 : i32 to vector<16xi32>
        %parallel_loop3A_432 = arith.constant 1 : i32
        %parallel_loop3A_433 = arith.constant 0 : i32
        %parallel_loop3A_434 = arith.constant 0 : i32
        %parallel_loop3A_435 = tpu.memref_slice %arg6[%parallel_loop3A_432, %parallel_loop3A_433, %parallel_loop3A_434] : memref<2x512x32xf32, #tpu.memory_space<vmem>> -> memref<1x512x32xf32, #tpu.memory_space<vmem>>
        %parallel_loop3A_436 = tpu.memref_squeeze %parallel_loop3A_435 : memref<1x512x32xf32, #tpu.memory_space<vmem>> -> memref<512x32xf32, #tpu.memory_space<vmem>>
        %parallel_loop3A_437 = tpu.vector_load_idx %parallel_loop3A_436[%parallel_loop3A_412, %parallel_loop3A_431] : memref<512x32xf32, #tpu.memory_space<vmem>>[vector<16xi32>, vector<16xi32>], vector<16xf32>,
        %parallel_loop3A_438 = arith.constant 1 : i32
        %parallel_loop3A_439 = arith.constant 0 : i32
        %parallel_loop3A_440 = arith.constant 1 : i32
        %parallel_loop3A_441 = arith.index_cast %parallel_loop3A_438 : i32 to index
        %parallel_loop3A_442 = arith.index_cast %parallel_loop3A_439 : i32 to index
        %parallel_loop3A_443 = arith.index_cast %parallel_loop3A_390 : i32 to index
        %parallel_loop3A_444 = arith.index_cast %parallel_loop3A_440 : i32 to index
        %parallel_loop3A_445 = arith.index_cast %parallel_loop3A_408 : i32 to index
        %parallel_loop3A_446 = tpu.vector_load %arg7[%parallel_loop3A_441, %parallel_loop3A_442, %parallel_loop3A_443, %parallel_loop3A_444, %parallel_loop3A_445] {strides = array<i32>} : memref<2x4x4x8x128xf32, #tpu.memory_space<vmem>>, vector<16xf32>,
        tpu.vector_store %arg7[%parallel_loop3A_441, %parallel_loop3A_442, %parallel_loop3A_443, %parallel_loop3A_444, %parallel_loop3A_445], %parallel_loop3A_437 {strides = array<i32>} : memref<2x4x4x8x128xf32, #tpu.memory_space<vmem>>, vector<16xf32>,
        %parallel_loop3A_447 = arith.constant 2 : i32
        %parallel_loop3A_448 = vector.broadcast %parallel_loop3A_447 : i32 to vector<16xi32>
        %parallel_loop3A_449 = arith.constant 1 : i32
        %parallel_loop3A_450 = arith.constant 0 : i32
        %parallel_loop3A_451 = arith.constant 0 : i32
        %parallel_loop3A_452 = tpu.memref_slice %arg6[%parallel_loop3A_449, %parallel_loop3A_450, %parallel_loop3A_451] : memref<2x512x32xf32, #tpu.memory_space<vmem>> -> memref<1x512x32xf32, #tpu.memory_space<vmem>>
        %parallel_loop3A_453 = tpu.memref_squeeze %parallel_loop3A_452 : memref<1x512x32xf32, #tpu.memory_space<vmem>> -> memref<512x32xf32, #tpu.memory_space<vmem>>
        %parallel_loop3A_454 = tpu.vector_load_idx %parallel_loop3A_453[%parallel_loop3A_412, %parallel_loop3A_448] : memref<512x32xf32, #tpu.memory_space<vmem>>[vector<16xi32>, vector<16xi32>], vector<16xf32>,
        %parallel_loop3A_455 = arith.constant 1 : i32
        %parallel_loop3A_456 = arith.constant 0 : i32
        %parallel_loop3A_457 = arith.constant 2 : i32
        %parallel_loop3A_458 = arith.index_cast %parallel_loop3A_455 : i32 to index
        %parallel_loop3A_459 = arith.index_cast %parallel_loop3A_456 : i32 to index
        %parallel_loop3A_460 = arith.index_cast %parallel_loop3A_390 : i32 to index
        %parallel_loop3A_461 = arith.index_cast %parallel_loop3A_457 : i32 to index
        %parallel_loop3A_462 = arith.index_cast %parallel_loop3A_408 : i32 to index
        %parallel_loop3A_463 = tpu.vector_load %arg7[%parallel_loop3A_458, %parallel_loop3A_459, %parallel_loop3A_460, %parallel_loop3A_461, %parallel_loop3A_462] {strides = array<i32>} : memref<2x4x4x8x128xf32, #tpu.memory_space<vmem>>, vector<16xf32>,
        tpu.vector_store %arg7[%parallel_loop3A_458, %parallel_loop3A_459, %parallel_loop3A_460, %parallel_loop3A_461, %parallel_loop3A_462], %parallel_loop3A_454 {strides = array<i32>} : memref<2x4x4x8x128xf32, #tpu.memory_space<vmem>>, vector<16xf32>,
        %parallel_loop3A_464 = arith.constant 3 : i32
        %parallel_loop3A_465 = vector.broadcast %parallel_loop3A_464 : i32 to vector<16xi32>
        %parallel_loop3A_466 = arith.constant 1 : i32
        %parallel_loop3A_467 = arith.constant 0 : i32
        %parallel_loop3A_468 = arith.constant 0 : i32
        %parallel_loop3A_469 = tpu.memref_slice %arg6[%parallel_loop3A_466, %parallel_loop3A_467, %parallel_loop3A_468] : memref<2x512x32xf32, #tpu.memory_space<vmem>> -> memref<1x512x32xf32, #tpu.memory_space<vmem>>
        %parallel_loop3A_470 = tpu.memref_squeeze %parallel_loop3A_469 : memref<1x512x32xf32, #tpu.memory_space<vmem>> -> memref<512x32xf32, #tpu.memory_space<vmem>>
        %parallel_loop3A_471 = tpu.vector_load_idx %parallel_loop3A_470[%parallel_loop3A_412, %parallel_loop3A_465] : memref<512x32xf32, #tpu.memory_space<vmem>>[vector<16xi32>, vector<16xi32>], vector<16xf32>,
        %parallel_loop3A_472 = arith.constant 1 : i32
        %parallel_loop3A_473 = arith.constant 0 : i32
        %parallel_loop3A_474 = arith.constant 3 : i32
        %parallel_loop3A_475 = arith.index_cast %parallel_loop3A_472 : i32 to index
        %parallel_loop3A_476 = arith.index_cast %parallel_loop3A_473 : i32 to index
        %parallel_loop3A_477 = arith.index_cast %parallel_loop3A_390 : i32 to index
        %parallel_loop3A_478 = arith.index_cast %parallel_loop3A_474 : i32 to index
        %parallel_loop3A_479 = arith.index_cast %parallel_loop3A_408 : i32 to index
        %parallel_loop3A_480 = tpu.vector_load %arg7[%parallel_loop3A_475, %parallel_loop3A_476, %parallel_loop3A_477, %parallel_loop3A_478, %parallel_loop3A_479] {strides = array<i32>} : memref<2x4x4x8x128xf32, #tpu.memory_space<vmem>>, vector<16xf32>,
        tpu.vector_store %arg7[%parallel_loop3A_475, %parallel_loop3A_476, %parallel_loop3A_477, %parallel_loop3A_478, %parallel_loop3A_479], %parallel_loop3A_471 {strides = array<i32>} : memref<2x4x4x8x128xf32, #tpu.memory_space<vmem>>, vector<16xf32>,
        %parallel_loop3A_481 = arith.constant 4 : i32
        %parallel_loop3A_482 = vector.broadcast %parallel_loop3A_481 : i32 to vector<16xi32>
        %parallel_loop3A_483 = arith.constant 1 : i32
        %parallel_loop3A_484 = arith.constant 0 : i32
        %parallel_loop3A_485 = arith.constant 0 : i32
        %parallel_loop3A_486 = tpu.memref_slice %arg6[%parallel_loop3A_483, %parallel_loop3A_484, %parallel_loop3A_485] : memref<2x512x32xf32, #tpu.memory_space<vmem>> -> memref<1x512x32xf32, #tpu.memory_space<vmem>>
        %parallel_loop3A_487 = tpu.memref_squeeze %parallel_loop3A_486 : memref<1x512x32xf32, #tpu.memory_space<vmem>> -> memref<512x32xf32, #tpu.memory_space<vmem>>
        %parallel_loop3A_488 = tpu.vector_load_idx %parallel_loop3A_487[%parallel_loop3A_412, %parallel_loop3A_482] : memref<512x32xf32, #tpu.memory_space<vmem>>[vector<16xi32>, vector<16xi32>], vector<16xf32>,
        %parallel_loop3A_489 = arith.constant 1 : i32
        %parallel_loop3A_490 = arith.constant 0 : i32
        %parallel_loop3A_491 = arith.constant 4 : i32
        %parallel_loop3A_492 = arith.index_cast %parallel_loop3A_489 : i32 to index
        %parallel_loop3A_493 = arith.index_cast %parallel_loop3A_490 : i32 to index
        %parallel_loop3A_494 = arith.index_cast %parallel_loop3A_390 : i32 to index
        %parallel_loop3A_495 = arith.index_cast %parallel_loop3A_491 : i32 to index
        %parallel_loop3A_496 = arith.index_cast %parallel_loop3A_408 : i32 to index
        %parallel_loop3A_497 = tpu.vector_load %arg7[%parallel_loop3A_492, %parallel_loop3A_493, %parallel_loop3A_494, %parallel_loop3A_495, %parallel_loop3A_496] {strides = array<i32>} : memref<2x4x4x8x128xf32, #tpu.memory_space<vmem>>, vector<16xf32>,
        tpu.vector_store %arg7[%parallel_loop3A_492, %parallel_loop3A_493, %parallel_loop3A_494, %parallel_loop3A_495, %parallel_loop3A_496], %parallel_loop3A_488 {strides = array<i32>} : memref<2x4x4x8x128xf32, #tpu.memory_space<vmem>>, vector<16xf32>,
        %parallel_loop3A_498 = arith.constant 5 : i32
        %parallel_loop3A_499 = vector.broadcast %parallel_loop3A_498 : i32 to vector<16xi32>
        %parallel_loop3A_500 = arith.constant 1 : i32
        %parallel_loop3A_501 = arith.constant 0 : i32
        %parallel_loop3A_502 = arith.constant 0 : i32
        %parallel_loop3A_503 = tpu.memref_slice %arg6[%parallel_loop3A_500, %parallel_loop3A_501, %parallel_loop3A_502] : memref<2x512x32xf32, #tpu.memory_space<vmem>> -> memref<1x512x32xf32, #tpu.memory_space<vmem>>
        %parallel_loop3A_504 = tpu.memref_squeeze %parallel_loop3A_503 : memref<1x512x32xf32, #tpu.memory_space<vmem>> -> memref<512x32xf32, #tpu.memory_space<vmem>>
        %parallel_loop3A_505 = tpu.vector_load_idx %parallel_loop3A_504[%parallel_loop3A_412, %parallel_loop3A_499] : memref<512x32xf32, #tpu.memory_space<vmem>>[vector<16xi32>, vector<16xi32>], vector<16xf32>,
        %parallel_loop3A_506 = arith.constant 1 : i32
        %parallel_loop3A_507 = arith.constant 0 : i32
        %parallel_loop3A_508 = arith.constant 5 : i32
        %parallel_loop3A_509 = arith.index_cast %parallel_loop3A_506 : i32 to index
        %parallel_loop3A_510 = arith.index_cast %parallel_loop3A_507 : i32 to index
        %parallel_loop3A_511 = arith.index_cast %parallel_loop3A_390 : i32 to index
        %parallel_loop3A_512 = arith.index_cast %parallel_loop3A_508 : i32 to index
        %parallel_loop3A_513 = arith.index_cast %parallel_loop3A_408 : i32 to index
        %parallel_loop3A_514 = tpu.vector_load %arg7[%parallel_loop3A_509, %parallel_loop3A_510, %parallel_loop3A_511, %parallel_loop3A_512, %parallel_loop3A_513] {strides = array<i32>} : memref<2x4x4x8x128xf32, #tpu.memory_space<vmem>>, vector<16xf32>,
        tpu.vector_store %arg7[%parallel_loop3A_509, %parallel_loop3A_510, %parallel_loop3A_511, %parallel_loop3A_512, %parallel_loop3A_513], %parallel_loop3A_505 {strides = array<i32>} : memref<2x4x4x8x128xf32, #tpu.memory_space<vmem>>, vector<16xf32>,
        %parallel_loop3A_515 = arith.constant 6 : i32
        %parallel_loop3A_516 = vector.broadcast %parallel_loop3A_515 : i32 to vector<16xi32>
        %parallel_loop3A_517 = arith.constant 1 : i32
        %parallel_loop3A_518 = arith.constant 0 : i32
        %parallel_loop3A_519 = arith.constant 0 : i32
        %parallel_loop3A_520 = tpu.memref_slice %arg6[%parallel_loop3A_517, %parallel_loop3A_518, %parallel_loop3A_519] : memref<2x512x32xf32, #tpu.memory_space<vmem>> -> memref<1x512x32xf32, #tpu.memory_space<vmem>>
        %parallel_loop3A_521 = tpu.memref_squeeze %parallel_loop3A_520 : memref<1x512x32xf32, #tpu.memory_space<vmem>> -> memref<512x32xf32, #tpu.memory_space<vmem>>
        %parallel_loop3A_522 = tpu.vector_load_idx %parallel_loop3A_521[%parallel_loop3A_412, %parallel_loop3A_516] : memref<512x32xf32, #tpu.memory_space<vmem>>[vector<16xi32>, vector<16xi32>], vector<16xf32>,
        %parallel_loop3A_523 = arith.constant 1 : i32
        %parallel_loop3A_524 = arith.constant 0 : i32
        %parallel_loop3A_525 = arith.constant 6 : i32
        %parallel_loop3A_526 = arith.index_cast %parallel_loop3A_523 : i32 to index
        %parallel_loop3A_527 = arith.index_cast %parallel_loop3A_524 : i32 to index
        %parallel_loop3A_528 = arith.index_cast %parallel_loop3A_390 : i32 to index
        %parallel_loop3A_529 = arith.index_cast %parallel_loop3A_525 : i32 to index
        %parallel_loop3A_530 = arith.index_cast %parallel_loop3A_408 : i32 to index
        %parallel_loop3A_531 = tpu.vector_load %arg7[%parallel_loop3A_526, %parallel_loop3A_527, %parallel_loop3A_528, %parallel_loop3A_529, %parallel_loop3A_530] {strides = array<i32>} : memref<2x4x4x8x128xf32, #tpu.memory_space<vmem>>, vector<16xf32>,
        tpu.vector_store %arg7[%parallel_loop3A_526, %parallel_loop3A_527, %parallel_loop3A_528, %parallel_loop3A_529, %parallel_loop3A_530], %parallel_loop3A_522 {strides = array<i32>} : memref<2x4x4x8x128xf32, #tpu.memory_space<vmem>>, vector<16xf32>,
        %parallel_loop3A_532 = arith.constant 7 : i32
        %parallel_loop3A_533 = vector.broadcast %parallel_loop3A_532 : i32 to vector<16xi32>
        %parallel_loop3A_534 = arith.constant 1 : i32
        %parallel_loop3A_535 = arith.constant 0 : i32
        %parallel_loop3A_536 = arith.constant 0 : i32
        %parallel_loop3A_537 = tpu.memref_slice %arg6[%parallel_loop3A_534, %parallel_loop3A_535, %parallel_loop3A_536] : memref<2x512x32xf32, #tpu.memory_space<vmem>> -> memref<1x512x32xf32, #tpu.memory_space<vmem>>
        %parallel_loop3A_538 = tpu.memref_squeeze %parallel_loop3A_537 : memref<1x512x32xf32, #tpu.memory_space<vmem>> -> memref<512x32xf32, #tpu.memory_space<vmem>>
        %parallel_loop3A_539 = tpu.vector_load_idx %parallel_loop3A_538[%parallel_loop3A_412, %parallel_loop3A_533] : memref<512x32xf32, #tpu.memory_space<vmem>>[vector<16xi32>, vector<16xi32>], vector<16xf32>,
        %parallel_loop3A_540 = arith.constant 1 : i32
        %parallel_loop3A_541 = arith.constant 0 : i32
        %parallel_loop3A_542 = arith.constant 7 : i32
        %parallel_loop3A_543 = arith.index_cast %parallel_loop3A_540 : i32 to index
        %parallel_loop3A_544 = arith.index_cast %parallel_loop3A_541 : i32 to index
        %parallel_loop3A_545 = arith.index_cast %parallel_loop3A_390 : i32 to index
        %parallel_loop3A_546 = arith.index_cast %parallel_loop3A_542 : i32 to index
        %parallel_loop3A_547 = arith.index_cast %parallel_loop3A_408 : i32 to index
        %parallel_loop3A_548 = tpu.vector_load %arg7[%parallel_loop3A_543, %parallel_loop3A_544, %parallel_loop3A_545, %parallel_loop3A_546, %parallel_loop3A_547] {strides = array<i32>} : memref<2x4x4x8x128xf32, #tpu.memory_space<vmem>>, vector<16xf32>,
        tpu.vector_store %arg7[%parallel_loop3A_543, %parallel_loop3A_544, %parallel_loop3A_545, %parallel_loop3A_546, %parallel_loop3A_547], %parallel_loop3A_539 {strides = array<i32>} : memref<2x4x4x8x128xf32, #tpu.memory_space<vmem>>, vector<16xf32>,
        %parallel_loop3A_549 = arith.constant 8 : i32
        %parallel_loop3A_550 = vector.broadcast %parallel_loop3A_549 : i32 to vector<16xi32>
        %parallel_loop3A_551 = arith.constant 1 : i32
        %parallel_loop3A_552 = arith.constant 0 : i32
        %parallel_loop3A_553 = arith.constant 0 : i32
        %parallel_loop3A_554 = tpu.memref_slice %arg6[%parallel_loop3A_551, %parallel_loop3A_552, %parallel_loop3A_553] : memref<2x512x32xf32, #tpu.memory_space<vmem>> -> memref<1x512x32xf32, #tpu.memory_space<vmem>>
        %parallel_loop3A_555 = tpu.memref_squeeze %parallel_loop3A_554 : memref<1x512x32xf32, #tpu.memory_space<vmem>> -> memref<512x32xf32, #tpu.memory_space<vmem>>
        %parallel_loop3A_556 = tpu.vector_load_idx %parallel_loop3A_555[%parallel_loop3A_412, %parallel_loop3A_550] : memref<512x32xf32, #tpu.memory_space<vmem>>[vector<16xi32>, vector<16xi32>], vector<16xf32>,
        %parallel_loop3A_557 = arith.constant 1 : i32
        %parallel_loop3A_558 = arith.constant 1 : i32
        %parallel_loop3A_559 = arith.constant 0 : i32
        %parallel_loop3A_560 = arith.index_cast %parallel_loop3A_557 : i32 to index
        %parallel_loop3A_561 = arith.index_cast %parallel_loop3A_558 : i32 to index
        %parallel_loop3A_562 = arith.index_cast %parallel_loop3A_390 : i32 to index
        %parallel_loop3A_563 = arith.index_cast %parallel_loop3A_559 : i32 to index
        %parallel_loop3A_564 = arith.index_cast %parallel_loop3A_408 : i32 to index
        %parallel_loop3A_565 = tpu.vector_load %arg7[%parallel_loop3A_560, %parallel_loop3A_561, %parallel_loop3A_562, %parallel_loop3A_563, %parallel_loop3A_564] {strides = array<i32>} : memref<2x4x4x8x128xf32, #tpu.memory_space<vmem>>, vector<16xf32>,
        tpu.vector_store %arg7[%parallel_loop3A_560, %parallel_loop3A_561, %parallel_loop3A_562, %parallel_loop3A_563, %parallel_loop3A_564], %parallel_loop3A_556 {strides = array<i32>} : memref<2x4x4x8x128xf32, #tpu.memory_space<vmem>>, vector<16xf32>,
        %parallel_loop3A_566 = arith.constant 9 : i32
        %parallel_loop3A_567 = vector.broadcast %parallel_loop3A_566 : i32 to vector<16xi32>
        %parallel_loop3A_568 = arith.constant 1 : i32
        %parallel_loop3A_569 = arith.constant 0 : i32
        %parallel_loop3A_570 = arith.constant 0 : i32
        %parallel_loop3A_571 = tpu.memref_slice %arg6[%parallel_loop3A_568, %parallel_loop3A_569, %parallel_loop3A_570] : memref<2x512x32xf32, #tpu.memory_space<vmem>> -> memref<1x512x32xf32, #tpu.memory_space<vmem>>
        %parallel_loop3A_572 = tpu.memref_squeeze %parallel_loop3A_571 : memref<1x512x32xf32, #tpu.memory_space<vmem>> -> memref<512x32xf32, #tpu.memory_space<vmem>>
        %parallel_loop3A_573 = tpu.vector_load_idx %parallel_loop3A_572[%parallel_loop3A_412, %parallel_loop3A_567] : memref<512x32xf32, #tpu.memory_space<vmem>>[vector<16xi32>, vector<16xi32>], vector<16xf32>,
        %parallel_loop3A_574 = arith.constant 1 : i32
        %parallel_loop3A_575 = arith.constant 1 : i32
        %parallel_loop3A_576 = arith.constant 1 : i32
        %parallel_loop3A_577 = arith.index_cast %parallel_loop3A_574 : i32 to index
        %parallel_loop3A_578 = arith.index_cast %parallel_loop3A_575 : i32 to index
        %parallel_loop3A_579 = arith.index_cast %parallel_loop3A_390 : i32 to index
        %parallel_loop3A_580 = arith.index_cast %parallel_loop3A_576 : i32 to index
        %parallel_loop3A_581 = arith.index_cast %parallel_loop3A_408 : i32 to index
        %parallel_loop3A_582 = tpu.vector_load %arg7[%parallel_loop3A_577, %parallel_loop3A_578, %parallel_loop3A_579, %parallel_loop3A_580, %parallel_loop3A_581] {strides = array<i32>} : memref<2x4x4x8x128xf32, #tpu.memory_space<vmem>>, vector<16xf32>,
        tpu.vector_store %arg7[%parallel_loop3A_577, %parallel_loop3A_578, %parallel_loop3A_579, %parallel_loop3A_580, %parallel_loop3A_581], %parallel_loop3A_573 {strides = array<i32>} : memref<2x4x4x8x128xf32, #tpu.memory_space<vmem>>, vector<16xf32>,
        %parallel_loop3A_583 = arith.constant 10 : i32
        %parallel_loop3A_584 = vector.broadcast %parallel_loop3A_583 : i32 to vector<16xi32>
        %parallel_loop3A_585 = arith.constant 1 : i32
        %parallel_loop3A_586 = arith.constant 0 : i32
        %parallel_loop3A_587 = arith.constant 0 : i32
        %parallel_loop3A_588 = tpu.memref_slice %arg6[%parallel_loop3A_585, %parallel_loop3A_586, %parallel_loop3A_587] : memref<2x512x32xf32, #tpu.memory_space<vmem>> -> memref<1x512x32xf32, #tpu.memory_space<vmem>>
        %parallel_loop3A_589 = tpu.memref_squeeze %parallel_loop3A_588 : memref<1x512x32xf32, #tpu.memory_space<vmem>> -> memref<512x32xf32, #tpu.memory_space<vmem>>
        %parallel_loop3A_590 = tpu.vector_load_idx %parallel_loop3A_589[%parallel_loop3A_412, %parallel_loop3A_584] : memref<512x32xf32, #tpu.memory_space<vmem>>[vector<16xi32>, vector<16xi32>], vector<16xf32>,
        %parallel_loop3A_591 = arith.constant 1 : i32
        %parallel_loop3A_592 = arith.constant 1 : i32
        %parallel_loop3A_593 = arith.constant 2 : i32
        %parallel_loop3A_594 = arith.index_cast %parallel_loop3A_591 : i32 to index
        %parallel_loop3A_595 = arith.index_cast %parallel_loop3A_592 : i32 to index
        %parallel_loop3A_596 = arith.index_cast %parallel_loop3A_390 : i32 to index
        %parallel_loop3A_597 = arith.index_cast %parallel_loop3A_593 : i32 to index
        %parallel_loop3A_598 = arith.index_cast %parallel_loop3A_408 : i32 to index
        %parallel_loop3A_599 = tpu.vector_load %arg7[%parallel_loop3A_594, %parallel_loop3A_595, %parallel_loop3A_596, %parallel_loop3A_597, %parallel_loop3A_598] {strides = array<i32>} : memref<2x4x4x8x128xf32, #tpu.memory_space<vmem>>, vector<16xf32>,
        tpu.vector_store %arg7[%parallel_loop3A_594, %parallel_loop3A_595, %parallel_loop3A_596, %parallel_loop3A_597, %parallel_loop3A_598], %parallel_loop3A_590 {strides = array<i32>} : memref<2x4x4x8x128xf32, #tpu.memory_space<vmem>>, vector<16xf32>,
        %parallel_loop3A_600 = arith.constant 11 : i32
        %parallel_loop3A_601 = vector.broadcast %parallel_loop3A_600 : i32 to vector<16xi32>
        %parallel_loop3A_602 = arith.constant 1 : i32
        %parallel_loop3A_603 = arith.constant 0 : i32
        %parallel_loop3A_604 = arith.constant 0 : i32
        %parallel_loop3A_605 = tpu.memref_slice %arg6[%parallel_loop3A_602, %parallel_loop3A_603, %parallel_loop3A_604] : memref<2x512x32xf32, #tpu.memory_space<vmem>> -> memref<1x512x32xf32, #tpu.memory_space<vmem>>
        %parallel_loop3A_606 = tpu.memref_squeeze %parallel_loop3A_605 : memref<1x512x32xf32, #tpu.memory_space<vmem>> -> memref<512x32xf32, #tpu.memory_space<vmem>>
        %parallel_loop3A_607 = tpu.vector_load_idx %parallel_loop3A_606[%parallel_loop3A_412, %parallel_loop3A_601] : memref<512x32xf32, #tpu.memory_space<vmem>>[vector<16xi32>, vector<16xi32>], vector<16xf32>,
        %parallel_loop3A_608 = arith.constant 1 : i32
        %parallel_loop3A_609 = arith.constant 1 : i32
        %parallel_loop3A_610 = arith.constant 3 : i32
        %parallel_loop3A_611 = arith.index_cast %parallel_loop3A_608 : i32 to index
        %parallel_loop3A_612 = arith.index_cast %parallel_loop3A_609 : i32 to index
        %parallel_loop3A_613 = arith.index_cast %parallel_loop3A_390 : i32 to index
        %parallel_loop3A_614 = arith.index_cast %parallel_loop3A_610 : i32 to index
        %parallel_loop3A_615 = arith.index_cast %parallel_loop3A_408 : i32 to index
        %parallel_loop3A_616 = tpu.vector_load %arg7[%parallel_loop3A_611, %parallel_loop3A_612, %parallel_loop3A_613, %parallel_loop3A_614, %parallel_loop3A_615] {strides = array<i32>} : memref<2x4x4x8x128xf32, #tpu.memory_space<vmem>>, vector<16xf32>,
        tpu.vector_store %arg7[%parallel_loop3A_611, %parallel_loop3A_612, %parallel_loop3A_613, %parallel_loop3A_614, %parallel_loop3A_615], %parallel_loop3A_607 {strides = array<i32>} : memref<2x4x4x8x128xf32, #tpu.memory_space<vmem>>, vector<16xf32>,
        %parallel_loop3A_617 = arith.constant 12 : i32
        %parallel_loop3A_618 = vector.broadcast %parallel_loop3A_617 : i32 to vector<16xi32>
        %parallel_loop3A_619 = arith.constant 1 : i32
        %parallel_loop3A_620 = arith.constant 0 : i32
        %parallel_loop3A_621 = arith.constant 0 : i32
        %parallel_loop3A_622 = tpu.memref_slice %arg6[%parallel_loop3A_619, %parallel_loop3A_620, %parallel_loop3A_621] : memref<2x512x32xf32, #tpu.memory_space<vmem>> -> memref<1x512x32xf32, #tpu.memory_space<vmem>>
        %parallel_loop3A_623 = tpu.memref_squeeze %parallel_loop3A_622 : memref<1x512x32xf32, #tpu.memory_space<vmem>> -> memref<512x32xf32, #tpu.memory_space<vmem>>
        %parallel_loop3A_624 = tpu.vector_load_idx %parallel_loop3A_623[%parallel_loop3A_412, %parallel_loop3A_618] : memref<512x32xf32, #tpu.memory_space<vmem>>[vector<16xi32>, vector<16xi32>], vector<16xf32>,
        %parallel_loop3A_625 = arith.constant 1 : i32
        %parallel_loop3A_626 = arith.constant 1 : i32
        %parallel_loop3A_627 = arith.constant 4 : i32
        %parallel_loop3A_628 = arith.index_cast %parallel_loop3A_625 : i32 to index
        %parallel_loop3A_629 = arith.index_cast %parallel_loop3A_626 : i32 to index
        %parallel_loop3A_630 = arith.index_cast %parallel_loop3A_390 : i32 to index
        %parallel_loop3A_631 = arith.index_cast %parallel_loop3A_627 : i32 to index
        %parallel_loop3A_632 = arith.index_cast %parallel_loop3A_408 : i32 to index
        %parallel_loop3A_633 = tpu.vector_load %arg7[%parallel_loop3A_628, %parallel_loop3A_629, %parallel_loop3A_630, %parallel_loop3A_631, %parallel_loop3A_632] {strides = array<i32>} : memref<2x4x4x8x128xf32, #tpu.memory_space<vmem>>, vector<16xf32>,
        tpu.vector_store %arg7[%parallel_loop3A_628, %parallel_loop3A_629, %parallel_loop3A_630, %parallel_loop3A_631, %parallel_loop3A_632], %parallel_loop3A_624 {strides = array<i32>} : memref<2x4x4x8x128xf32, #tpu.memory_space<vmem>>, vector<16xf32>,
        %parallel_loop3A_634 = arith.constant 13 : i32
        %parallel_loop3A_635 = vector.broadcast %parallel_loop3A_634 : i32 to vector<16xi32>
        %parallel_loop3A_636 = arith.constant 1 : i32
        %parallel_loop3A_637 = arith.constant 0 : i32
        %parallel_loop3A_638 = arith.constant 0 : i32
        %parallel_loop3A_639 = tpu.memref_slice %arg6[%parallel_loop3A_636, %parallel_loop3A_637, %parallel_loop3A_638] : memref<2x512x32xf32, #tpu.memory_space<vmem>> -> memref<1x512x32xf32, #tpu.memory_space<vmem>>
        %parallel_loop3A_640 = tpu.memref_squeeze %parallel_loop3A_639 : memref<1x512x32xf32, #tpu.memory_space<vmem>> -> memref<512x32xf32, #tpu.memory_space<vmem>>
        %parallel_loop3A_641 = tpu.vector_load_idx %parallel_loop3A_640[%parallel_loop3A_412, %parallel_loop3A_635] : memref<512x32xf32, #tpu.memory_space<vmem>>[vector<16xi32>, vector<16xi32>], vector<16xf32>,
        %parallel_loop3A_642 = arith.constant 1 : i32
        %parallel_loop3A_643 = arith.constant 1 : i32
        %parallel_loop3A_644 = arith.constant 5 : i32
        %parallel_loop3A_645 = arith.index_cast %parallel_loop3A_642 : i32 to index
        %parallel_loop3A_646 = arith.index_cast %parallel_loop3A_643 : i32 to index
        %parallel_loop3A_647 = arith.index_cast %parallel_loop3A_390 : i32 to index
        %parallel_loop3A_648 = arith.index_cast %parallel_loop3A_644 : i32 to index
        %parallel_loop3A_649 = arith.index_cast %parallel_loop3A_408 : i32 to index
        %parallel_loop3A_650 = tpu.vector_load %arg7[%parallel_loop3A_645, %parallel_loop3A_646, %parallel_loop3A_647, %parallel_loop3A_648, %parallel_loop3A_649] {strides = array<i32>} : memref<2x4x4x8x128xf32, #tpu.memory_space<vmem>>, vector<16xf32>,
        tpu.vector_store %arg7[%parallel_loop3A_645, %parallel_loop3A_646, %parallel_loop3A_647, %parallel_loop3A_648, %parallel_loop3A_649], %parallel_loop3A_641 {strides = array<i32>} : memref<2x4x4x8x128xf32, #tpu.memory_space<vmem>>, vector<16xf32>,
        %parallel_loop3A_651 = arith.constant 14 : i32
        %parallel_loop3A_652 = vector.broadcast %parallel_loop3A_651 : i32 to vector<16xi32>
        %parallel_loop3A_653 = arith.constant 1 : i32
        %parallel_loop3A_654 = arith.constant 0 : i32
        %parallel_loop3A_655 = arith.constant 0 : i32
        %parallel_loop3A_656 = tpu.memref_slice %arg6[%parallel_loop3A_653, %parallel_loop3A_654, %parallel_loop3A_655] : memref<2x512x32xf32, #tpu.memory_space<vmem>> -> memref<1x512x32xf32, #tpu.memory_space<vmem>>
        %parallel_loop3A_657 = tpu.memref_squeeze %parallel_loop3A_656 : memref<1x512x32xf32, #tpu.memory_space<vmem>> -> memref<512x32xf32, #tpu.memory_space<vmem>>
        %parallel_loop3A_658 = tpu.vector_load_idx %parallel_loop3A_657[%parallel_loop3A_412, %parallel_loop3A_652] : memref<512x32xf32, #tpu.memory_space<vmem>>[vector<16xi32>, vector<16xi32>], vector<16xf32>,
        %parallel_loop3A_659 = arith.constant 1 : i32
        %parallel_loop3A_660 = arith.constant 1 : i32
        %parallel_loop3A_661 = arith.constant 6 : i32
        %parallel_loop3A_662 = arith.index_cast %parallel_loop3A_659 : i32 to index
        %parallel_loop3A_663 = arith.index_cast %parallel_loop3A_660 : i32 to index
        %parallel_loop3A_664 = arith.index_cast %parallel_loop3A_390 : i32 to index
        %parallel_loop3A_665 = arith.index_cast %parallel_loop3A_661 : i32 to index
        %parallel_loop3A_666 = arith.index_cast %parallel_loop3A_408 : i32 to index
        %parallel_loop3A_667 = tpu.vector_load %arg7[%parallel_loop3A_662, %parallel_loop3A_663, %parallel_loop3A_664, %parallel_loop3A_665, %parallel_loop3A_666] {strides = array<i32>} : memref<2x4x4x8x128xf32, #tpu.memory_space<vmem>>, vector<16xf32>,
        tpu.vector_store %arg7[%parallel_loop3A_662, %parallel_loop3A_663, %parallel_loop3A_664, %parallel_loop3A_665, %parallel_loop3A_666], %parallel_loop3A_658 {strides = array<i32>} : memref<2x4x4x8x128xf32, #tpu.memory_space<vmem>>, vector<16xf32>,
        %parallel_loop3A_668 = arith.constant 15 : i32
        %parallel_loop3A_669 = vector.broadcast %parallel_loop3A_668 : i32 to vector<16xi32>
        %parallel_loop3A_670 = arith.constant 1 : i32
        %parallel_loop3A_671 = arith.constant 0 : i32
        %parallel_loop3A_672 = arith.constant 0 : i32
        %parallel_loop3A_673 = tpu.memref_slice %arg6[%parallel_loop3A_670, %parallel_loop3A_671, %parallel_loop3A_672] : memref<2x512x32xf32, #tpu.memory_space<vmem>> -> memref<1x512x32xf32, #tpu.memory_space<vmem>>
        %parallel_loop3A_674 = tpu.memref_squeeze %parallel_loop3A_673 : memref<1x512x32xf32, #tpu.memory_space<vmem>> -> memref<512x32xf32, #tpu.memory_space<vmem>>
        %parallel_loop3A_675 = tpu.vector_load_idx %parallel_loop3A_674[%parallel_loop3A_412, %parallel_loop3A_669] : memref<512x32xf32, #tpu.memory_space<vmem>>[vector<16xi32>, vector<16xi32>], vector<16xf32>,
        %parallel_loop3A_676 = arith.constant 1 : i32
        %parallel_loop3A_677 = arith.constant 1 : i32
        %parallel_loop3A_678 = arith.constant 7 : i32
        %parallel_loop3A_679 = arith.index_cast %parallel_loop3A_676 : i32 to index
        %parallel_loop3A_680 = arith.index_cast %parallel_loop3A_677 : i32 to index
        %parallel_loop3A_681 = arith.index_cast %parallel_loop3A_390 : i32 to index
        %parallel_loop3A_682 = arith.index_cast %parallel_loop3A_678 : i32 to index
        %parallel_loop3A_683 = arith.index_cast %parallel_loop3A_408 : i32 to index
        %parallel_loop3A_684 = tpu.vector_load %arg7[%parallel_loop3A_679, %parallel_loop3A_680, %parallel_loop3A_681, %parallel_loop3A_682, %parallel_loop3A_683] {strides = array<i32>} : memref<2x4x4x8x128xf32, #tpu.memory_space<vmem>>, vector<16xf32>,
        tpu.vector_store %arg7[%parallel_loop3A_679, %parallel_loop3A_680, %parallel_loop3A_681, %parallel_loop3A_682, %parallel_loop3A_683], %parallel_loop3A_675 {strides = array<i32>} : memref<2x4x4x8x128xf32, #tpu.memory_space<vmem>>, vector<16xf32>,
        %parallel_loop3A_685 = arith.constant 16 : i32
        %parallel_loop3A_686 = vector.broadcast %parallel_loop3A_685 : i32 to vector<16xi32>
        %parallel_loop3A_687 = arith.constant 1 : i32
        %parallel_loop3A_688 = arith.constant 0 : i32
        %parallel_loop3A_689 = arith.constant 0 : i32
        %parallel_loop3A_690 = tpu.memref_slice %arg6[%parallel_loop3A_687, %parallel_loop3A_688, %parallel_loop3A_689] : memref<2x512x32xf32, #tpu.memory_space<vmem>> -> memref<1x512x32xf32, #tpu.memory_space<vmem>>
        %parallel_loop3A_691 = tpu.memref_squeeze %parallel_loop3A_690 : memref<1x512x32xf32, #tpu.memory_space<vmem>> -> memref<512x32xf32, #tpu.memory_space<vmem>>
        %parallel_loop3A_692 = tpu.vector_load_idx %parallel_loop3A_691[%parallel_loop3A_412, %parallel_loop3A_686] : memref<512x32xf32, #tpu.memory_space<vmem>>[vector<16xi32>, vector<16xi32>], vector<16xf32>,
        %parallel_loop3A_693 = arith.constant 1 : i32
        %parallel_loop3A_694 = arith.constant 2 : i32
        %parallel_loop3A_695 = arith.constant 0 : i32
        %parallel_loop3A_696 = arith.index_cast %parallel_loop3A_693 : i32 to index
        %parallel_loop3A_697 = arith.index_cast %parallel_loop3A_694 : i32 to index
        %parallel_loop3A_698 = arith.index_cast %parallel_loop3A_390 : i32 to index
        %parallel_loop3A_699 = arith.index_cast %parallel_loop3A_695 : i32 to index
        %parallel_loop3A_700 = arith.index_cast %parallel_loop3A_408 : i32 to index
        %parallel_loop3A_701 = tpu.vector_load %arg7[%parallel_loop3A_696, %parallel_loop3A_697, %parallel_loop3A_698, %parallel_loop3A_699, %parallel_loop3A_700] {strides = array<i32>} : memref<2x4x4x8x128xf32, #tpu.memory_space<vmem>>, vector<16xf32>,
        tpu.vector_store %arg7[%parallel_loop3A_696, %parallel_loop3A_697, %parallel_loop3A_698, %parallel_loop3A_699, %parallel_loop3A_700], %parallel_loop3A_692 {strides = array<i32>} : memref<2x4x4x8x128xf32, #tpu.memory_space<vmem>>, vector<16xf32>,
        %parallel_loop3A_702 = arith.constant 17 : i32
        %parallel_loop3A_703 = vector.broadcast %parallel_loop3A_702 : i32 to vector<16xi32>
        %parallel_loop3A_704 = arith.constant 1 : i32
        %parallel_loop3A_705 = arith.constant 0 : i32
        %parallel_loop3A_706 = arith.constant 0 : i32
        %parallel_loop3A_707 = tpu.memref_slice %arg6[%parallel_loop3A_704, %parallel_loop3A_705, %parallel_loop3A_706] : memref<2x512x32xf32, #tpu.memory_space<vmem>> -> memref<1x512x32xf32, #tpu.memory_space<vmem>>
        %parallel_loop3A_708 = tpu.memref_squeeze %parallel_loop3A_707 : memref<1x512x32xf32, #tpu.memory_space<vmem>> -> memref<512x32xf32, #tpu.memory_space<vmem>>
        %parallel_loop3A_709 = tpu.vector_load_idx %parallel_loop3A_708[%parallel_loop3A_412, %parallel_loop3A_703] : memref<512x32xf32, #tpu.memory_space<vmem>>[vector<16xi32>, vector<16xi32>], vector<16xf32>,
        %parallel_loop3A_710 = arith.constant 1 : i32
        %parallel_loop3A_711 = arith.constant 2 : i32
        %parallel_loop3A_712 = arith.constant 1 : i32
        %parallel_loop3A_713 = arith.index_cast %parallel_loop3A_710 : i32 to index
        %parallel_loop3A_714 = arith.index_cast %parallel_loop3A_711 : i32 to index
        %parallel_loop3A_715 = arith.index_cast %parallel_loop3A_390 : i32 to index
        %parallel_loop3A_716 = arith.index_cast %parallel_loop3A_712 : i32 to index
        %parallel_loop3A_717 = arith.index_cast %parallel_loop3A_408 : i32 to index
        %parallel_loop3A_718 = tpu.vector_load %arg7[%parallel_loop3A_713, %parallel_loop3A_714, %parallel_loop3A_715, %parallel_loop3A_716, %parallel_loop3A_717] {strides = array<i32>} : memref<2x4x4x8x128xf32, #tpu.memory_space<vmem>>, vector<16xf32>,
        tpu.vector_store %arg7[%parallel_loop3A_713, %parallel_loop3A_714, %parallel_loop3A_715, %parallel_loop3A_716, %parallel_loop3A_717], %parallel_loop3A_709 {strides = array<i32>} : memref<2x4x4x8x128xf32, #tpu.memory_space<vmem>>, vector<16xf32>,
        %parallel_loop3A_719 = arith.constant 18 : i32
        %parallel_loop3A_720 = vector.broadcast %parallel_loop3A_719 : i32 to vector<16xi32>
        %parallel_loop3A_721 = arith.constant 1 : i32
        %parallel_loop3A_722 = arith.constant 0 : i32
        %parallel_loop3A_723 = arith.constant 0 : i32
        %parallel_loop3A_724 = tpu.memref_slice %arg6[%parallel_loop3A_721, %parallel_loop3A_722, %parallel_loop3A_723] : memref<2x512x32xf32, #tpu.memory_space<vmem>> -> memref<1x512x32xf32, #tpu.memory_space<vmem>>
        %parallel_loop3A_725 = tpu.memref_squeeze %parallel_loop3A_724 : memref<1x512x32xf32, #tpu.memory_space<vmem>> -> memref<512x32xf32, #tpu.memory_space<vmem>>
        %parallel_loop3A_726 = tpu.vector_load_idx %parallel_loop3A_725[%parallel_loop3A_412, %parallel_loop3A_720] : memref<512x32xf32, #tpu.memory_space<vmem>>[vector<16xi32>, vector<16xi32>], vector<16xf32>,
        %parallel_loop3A_727 = arith.constant 1 : i32
        %parallel_loop3A_728 = arith.constant 2 : i32
        %parallel_loop3A_729 = arith.constant 2 : i32
        %parallel_loop3A_730 = arith.index_cast %parallel_loop3A_727 : i32 to index
        %parallel_loop3A_731 = arith.index_cast %parallel_loop3A_728 : i32 to index
        %parallel_loop3A_732 = arith.index_cast %parallel_loop3A_390 : i32 to index
        %parallel_loop3A_733 = arith.index_cast %parallel_loop3A_729 : i32 to index
        %parallel_loop3A_734 = arith.index_cast %parallel_loop3A_408 : i32 to index
        %parallel_loop3A_735 = tpu.vector_load %arg7[%parallel_loop3A_730, %parallel_loop3A_731, %parallel_loop3A_732, %parallel_loop3A_733, %parallel_loop3A_734] {strides = array<i32>} : memref<2x4x4x8x128xf32, #tpu.memory_space<vmem>>, vector<16xf32>,
        tpu.vector_store %arg7[%parallel_loop3A_730, %parallel_loop3A_731, %parallel_loop3A_732, %parallel_loop3A_733, %parallel_loop3A_734], %parallel_loop3A_726 {strides = array<i32>} : memref<2x4x4x8x128xf32, #tpu.memory_space<vmem>>, vector<16xf32>,
        %parallel_loop3A_736 = arith.constant 19 : i32
        %parallel_loop3A_737 = vector.broadcast %parallel_loop3A_736 : i32 to vector<16xi32>
        %parallel_loop3A_738 = arith.constant 1 : i32
        %parallel_loop3A_739 = arith.constant 0 : i32
        %parallel_loop3A_740 = arith.constant 0 : i32
        %parallel_loop3A_741 = tpu.memref_slice %arg6[%parallel_loop3A_738, %parallel_loop3A_739, %parallel_loop3A_740] : memref<2x512x32xf32, #tpu.memory_space<vmem>> -> memref<1x512x32xf32, #tpu.memory_space<vmem>>
        %parallel_loop3A_742 = tpu.memref_squeeze %parallel_loop3A_741 : memref<1x512x32xf32, #tpu.memory_space<vmem>> -> memref<512x32xf32, #tpu.memory_space<vmem>>
        %parallel_loop3A_743 = tpu.vector_load_idx %parallel_loop3A_742[%parallel_loop3A_412, %parallel_loop3A_737] : memref<512x32xf32, #tpu.memory_space<vmem>>[vector<16xi32>, vector<16xi32>], vector<16xf32>,
        %parallel_loop3A_744 = arith.constant 1 : i32
        %parallel_loop3A_745 = arith.constant 2 : i32
        %parallel_loop3A_746 = arith.constant 3 : i32
        %parallel_loop3A_747 = arith.index_cast %parallel_loop3A_744 : i32 to index
        %parallel_loop3A_748 = arith.index_cast %parallel_loop3A_745 : i32 to index
        %parallel_loop3A_749 = arith.index_cast %parallel_loop3A_390 : i32 to index
        %parallel_loop3A_750 = arith.index_cast %parallel_loop3A_746 : i32 to index
        %parallel_loop3A_751 = arith.index_cast %parallel_loop3A_408 : i32 to index
        %parallel_loop3A_752 = tpu.vector_load %arg7[%parallel_loop3A_747, %parallel_loop3A_748, %parallel_loop3A_749, %parallel_loop3A_750, %parallel_loop3A_751] {strides = array<i32>} : memref<2x4x4x8x128xf32, #tpu.memory_space<vmem>>, vector<16xf32>,
        tpu.vector_store %arg7[%parallel_loop3A_747, %parallel_loop3A_748, %parallel_loop3A_749, %parallel_loop3A_750, %parallel_loop3A_751], %parallel_loop3A_743 {strides = array<i32>} : memref<2x4x4x8x128xf32, #tpu.memory_space<vmem>>, vector<16xf32>,
        %parallel_loop3A_753 = arith.constant 20 : i32
        %parallel_loop3A_754 = vector.broadcast %parallel_loop3A_753 : i32 to vector<16xi32>
        %parallel_loop3A_755 = arith.constant 1 : i32
        %parallel_loop3A_756 = arith.constant 0 : i32
        %parallel_loop3A_757 = arith.constant 0 : i32
        %parallel_loop3A_758 = tpu.memref_slice %arg6[%parallel_loop3A_755, %parallel_loop3A_756, %parallel_loop3A_757] : memref<2x512x32xf32, #tpu.memory_space<vmem>> -> memref<1x512x32xf32, #tpu.memory_space<vmem>>
        %parallel_loop3A_759 = tpu.memref_squeeze %parallel_loop3A_758 : memref<1x512x32xf32, #tpu.memory_space<vmem>> -> memref<512x32xf32, #tpu.memory_space<vmem>>
        %parallel_loop3A_760 = tpu.vector_load_idx %parallel_loop3A_759[%parallel_loop3A_412, %parallel_loop3A_754] : memref<512x32xf32, #tpu.memory_space<vmem>>[vector<16xi32>, vector<16xi32>], vector<16xf32>,
        %parallel_loop3A_761 = arith.constant 1 : i32
        %parallel_loop3A_762 = arith.constant 2 : i32
        %parallel_loop3A_763 = arith.constant 4 : i32
        %parallel_loop3A_764 = arith.index_cast %parallel_loop3A_761 : i32 to index
        %parallel_loop3A_765 = arith.index_cast %parallel_loop3A_762 : i32 to index
        %parallel_loop3A_766 = arith.index_cast %parallel_loop3A_390 : i32 to index
        %parallel_loop3A_767 = arith.index_cast %parallel_loop3A_763 : i32 to index
        %parallel_loop3A_768 = arith.index_cast %parallel_loop3A_408 : i32 to index
        %parallel_loop3A_769 = tpu.vector_load %arg7[%parallel_loop3A_764, %parallel_loop3A_765, %parallel_loop3A_766, %parallel_loop3A_767, %parallel_loop3A_768] {strides = array<i32>} : memref<2x4x4x8x128xf32, #tpu.memory_space<vmem>>, vector<16xf32>,
        tpu.vector_store %arg7[%parallel_loop3A_764, %parallel_loop3A_765, %parallel_loop3A_766, %parallel_loop3A_767, %parallel_loop3A_768], %parallel_loop3A_760 {strides = array<i32>} : memref<2x4x4x8x128xf32, #tpu.memory_space<vmem>>, vector<16xf32>,
        %parallel_loop3A_770 = arith.constant 21 : i32
        %parallel_loop3A_771 = vector.broadcast %parallel_loop3A_770 : i32 to vector<16xi32>
        %parallel_loop3A_772 = arith.constant 1 : i32
        %parallel_loop3A_773 = arith.constant 0 : i32
        %parallel_loop3A_774 = arith.constant 0 : i32
        %parallel_loop3A_775 = tpu.memref_slice %arg6[%parallel_loop3A_772, %parallel_loop3A_773, %parallel_loop3A_774] : memref<2x512x32xf32, #tpu.memory_space<vmem>> -> memref<1x512x32xf32, #tpu.memory_space<vmem>>
        %parallel_loop3A_776 = tpu.memref_squeeze %parallel_loop3A_775 : memref<1x512x32xf32, #tpu.memory_space<vmem>> -> memref<512x32xf32, #tpu.memory_space<vmem>>
        %parallel_loop3A_777 = tpu.vector_load_idx %parallel_loop3A_776[%parallel_loop3A_412, %parallel_loop3A_771] : memref<512x32xf32, #tpu.memory_space<vmem>>[vector<16xi32>, vector<16xi32>], vector<16xf32>,
        %parallel_loop3A_778 = arith.constant 1 : i32
        %parallel_loop3A_779 = arith.constant 2 : i32
        %parallel_loop3A_780 = arith.constant 5 : i32
        %parallel_loop3A_781 = arith.index_cast %parallel_loop3A_778 : i32 to index
        %parallel_loop3A_782 = arith.index_cast %parallel_loop3A_779 : i32 to index
        %parallel_loop3A_783 = arith.index_cast %parallel_loop3A_390 : i32 to index
        %parallel_loop3A_784 = arith.index_cast %parallel_loop3A_780 : i32 to index
        %parallel_loop3A_785 = arith.index_cast %parallel_loop3A_408 : i32 to index
        %parallel_loop3A_786 = tpu.vector_load %arg7[%parallel_loop3A_781, %parallel_loop3A_782, %parallel_loop3A_783, %parallel_loop3A_784, %parallel_loop3A_785] {strides = array<i32>} : memref<2x4x4x8x128xf32, #tpu.memory_space<vmem>>, vector<16xf32>,
        tpu.vector_store %arg7[%parallel_loop3A_781, %parallel_loop3A_782, %parallel_loop3A_783, %parallel_loop3A_784, %parallel_loop3A_785], %parallel_loop3A_777 {strides = array<i32>} : memref<2x4x4x8x128xf32, #tpu.memory_space<vmem>>, vector<16xf32>,
        %parallel_loop3A_787 = arith.constant 22 : i32
        %parallel_loop3A_788 = vector.broadcast %parallel_loop3A_787 : i32 to vector<16xi32>
        %parallel_loop3A_789 = arith.constant 1 : i32
        %parallel_loop3A_790 = arith.constant 0 : i32
        %parallel_loop3A_791 = arith.constant 0 : i32
        %parallel_loop3A_792 = tpu.memref_slice %arg6[%parallel_loop3A_789, %parallel_loop3A_790, %parallel_loop3A_791] : memref<2x512x32xf32, #tpu.memory_space<vmem>> -> memref<1x512x32xf32, #tpu.memory_space<vmem>>
        %parallel_loop3A_793 = tpu.memref_squeeze %parallel_loop3A_792 : memref<1x512x32xf32, #tpu.memory_space<vmem>> -> memref<512x32xf32, #tpu.memory_space<vmem>>
        %parallel_loop3A_794 = tpu.vector_load_idx %parallel_loop3A_793[%parallel_loop3A_412, %parallel_loop3A_788] : memref<512x32xf32, #tpu.memory_space<vmem>>[vector<16xi32>, vector<16xi32>], vector<16xf32>,
        %parallel_loop3A_795 = arith.constant 1 : i32
        %parallel_loop3A_796 = arith.constant 2 : i32
        %parallel_loop3A_797 = arith.constant 6 : i32
        %parallel_loop3A_798 = arith.index_cast %parallel_loop3A_795 : i32 to index
        %parallel_loop3A_799 = arith.index_cast %parallel_loop3A_796 : i32 to index
        %parallel_loop3A_800 = arith.index_cast %parallel_loop3A_390 : i32 to index
        %parallel_loop3A_801 = arith.index_cast %parallel_loop3A_797 : i32 to index
        %parallel_loop3A_802 = arith.index_cast %parallel_loop3A_408 : i32 to index
        %parallel_loop3A_803 = tpu.vector_load %arg7[%parallel_loop3A_798, %parallel_loop3A_799, %parallel_loop3A_800, %parallel_loop3A_801, %parallel_loop3A_802] {strides = array<i32>} : memref<2x4x4x8x128xf32, #tpu.memory_space<vmem>>, vector<16xf32>,
        tpu.vector_store %arg7[%parallel_loop3A_798, %parallel_loop3A_799, %parallel_loop3A_800, %parallel_loop3A_801, %parallel_loop3A_802], %parallel_loop3A_794 {strides = array<i32>} : memref<2x4x4x8x128xf32, #tpu.memory_space<vmem>>, vector<16xf32>,
        %parallel_loop3A_804 = arith.constant 23 : i32
        %parallel_loop3A_805 = vector.broadcast %parallel_loop3A_804 : i32 to vector<16xi32>
        %parallel_loop3A_806 = arith.constant 1 : i32
        %parallel_loop3A_807 = arith.constant 0 : i32
        %parallel_loop3A_808 = arith.constant 0 : i32
        %parallel_loop3A_809 = tpu.memref_slice %arg6[%parallel_loop3A_806, %parallel_loop3A_807, %parallel_loop3A_808] : memref<2x512x32xf32, #tpu.memory_space<vmem>> -> memref<1x512x32xf32, #tpu.memory_space<vmem>>
        %parallel_loop3A_810 = tpu.memref_squeeze %parallel_loop3A_809 : memref<1x512x32xf32, #tpu.memory_space<vmem>> -> memref<512x32xf32, #tpu.memory_space<vmem>>
        %parallel_loop3A_811 = tpu.vector_load_idx %parallel_loop3A_810[%parallel_loop3A_412, %parallel_loop3A_805] : memref<512x32xf32, #tpu.memory_space<vmem>>[vector<16xi32>, vector<16xi32>], vector<16xf32>,
        %parallel_loop3A_812 = arith.constant 1 : i32
        %parallel_loop3A_813 = arith.constant 2 : i32
        %parallel_loop3A_814 = arith.constant 7 : i32
        %parallel_loop3A_815 = arith.index_cast %parallel_loop3A_812 : i32 to index
        %parallel_loop3A_816 = arith.index_cast %parallel_loop3A_813 : i32 to index
        %parallel_loop3A_817 = arith.index_cast %parallel_loop3A_390 : i32 to index
        %parallel_loop3A_818 = arith.index_cast %parallel_loop3A_814 : i32 to index
        %parallel_loop3A_819 = arith.index_cast %parallel_loop3A_408 : i32 to index
        %parallel_loop3A_820 = tpu.vector_load %arg7[%parallel_loop3A_815, %parallel_loop3A_816, %parallel_loop3A_817, %parallel_loop3A_818, %parallel_loop3A_819] {strides = array<i32>} : memref<2x4x4x8x128xf32, #tpu.memory_space<vmem>>, vector<16xf32>,
        tpu.vector_store %arg7[%parallel_loop3A_815, %parallel_loop3A_816, %parallel_loop3A_817, %parallel_loop3A_818, %parallel_loop3A_819], %parallel_loop3A_811 {strides = array<i32>} : memref<2x4x4x8x128xf32, #tpu.memory_space<vmem>>, vector<16xf32>,
        %parallel_loop3A_821 = arith.constant 24 : i32
        %parallel_loop3A_822 = vector.broadcast %parallel_loop3A_821 : i32 to vector<16xi32>
        %parallel_loop3A_823 = arith.constant 1 : i32
        %parallel_loop3A_824 = arith.constant 0 : i32
        %parallel_loop3A_825 = arith.constant 0 : i32
        %parallel_loop3A_826 = tpu.memref_slice %arg6[%parallel_loop3A_823, %parallel_loop3A_824, %parallel_loop3A_825] : memref<2x512x32xf32, #tpu.memory_space<vmem>> -> memref<1x512x32xf32, #tpu.memory_space<vmem>>
        %parallel_loop3A_827 = tpu.memref_squeeze %parallel_loop3A_826 : memref<1x512x32xf32, #tpu.memory_space<vmem>> -> memref<512x32xf32, #tpu.memory_space<vmem>>
        %parallel_loop3A_828 = tpu.vector_load_idx %parallel_loop3A_827[%parallel_loop3A_412, %parallel_loop3A_822] : memref<512x32xf32, #tpu.memory_space<vmem>>[vector<16xi32>, vector<16xi32>], vector<16xf32>,
        %parallel_loop3A_829 = arith.constant 1 : i32
        %parallel_loop3A_830 = arith.constant 3 : i32
        %parallel_loop3A_831 = arith.constant 0 : i32
        %parallel_loop3A_832 = arith.index_cast %parallel_loop3A_829 : i32 to index
        %parallel_loop3A_833 = arith.index_cast %parallel_loop3A_830 : i32 to index
        %parallel_loop3A_834 = arith.index_cast %parallel_loop3A_390 : i32 to index
        %parallel_loop3A_835 = arith.index_cast %parallel_loop3A_831 : i32 to index
        %parallel_loop3A_836 = arith.index_cast %parallel_loop3A_408 : i32 to index
        %parallel_loop3A_837 = tpu.vector_load %arg7[%parallel_loop3A_832, %parallel_loop3A_833, %parallel_loop3A_834, %parallel_loop3A_835, %parallel_loop3A_836] {strides = array<i32>} : memref<2x4x4x8x128xf32, #tpu.memory_space<vmem>>, vector<16xf32>,
        tpu.vector_store %arg7[%parallel_loop3A_832, %parallel_loop3A_833, %parallel_loop3A_834, %parallel_loop3A_835, %parallel_loop3A_836], %parallel_loop3A_828 {strides = array<i32>} : memref<2x4x4x8x128xf32, #tpu.memory_space<vmem>>, vector<16xf32>,
        %parallel_loop3A_838 = arith.constant 25 : i32
        %parallel_loop3A_839 = vector.broadcast %parallel_loop3A_838 : i32 to vector<16xi32>
        %parallel_loop3A_840 = arith.constant 1 : i32
        %parallel_loop3A_841 = arith.constant 0 : i32
        %parallel_loop3A_842 = arith.constant 0 : i32
        %parallel_loop3A_843 = tpu.memref_slice %arg6[%parallel_loop3A_840, %parallel_loop3A_841, %parallel_loop3A_842] : memref<2x512x32xf32, #tpu.memory_space<vmem>> -> memref<1x512x32xf32, #tpu.memory_space<vmem>>
        %parallel_loop3A_844 = tpu.memref_squeeze %parallel_loop3A_843 : memref<1x512x32xf32, #tpu.memory_space<vmem>> -> memref<512x32xf32, #tpu.memory_space<vmem>>
        %parallel_loop3A_845 = tpu.vector_load_idx %parallel_loop3A_844[%parallel_loop3A_412, %parallel_loop3A_839] : memref<512x32xf32, #tpu.memory_space<vmem>>[vector<16xi32>, vector<16xi32>], vector<16xf32>,
        %parallel_loop3A_846 = arith.constant 1 : i32
        %parallel_loop3A_847 = arith.constant 3 : i32
        %parallel_loop3A_848 = arith.constant 1 : i32
        %parallel_loop3A_849 = arith.index_cast %parallel_loop3A_846 : i32 to index
        %parallel_loop3A_850 = arith.index_cast %parallel_loop3A_847 : i32 to index
        %parallel_loop3A_851 = arith.index_cast %parallel_loop3A_390 : i32 to index
        %parallel_loop3A_852 = arith.index_cast %parallel_loop3A_848 : i32 to index
        %parallel_loop3A_853 = arith.index_cast %parallel_loop3A_408 : i32 to index
        %parallel_loop3A_854 = tpu.vector_load %arg7[%parallel_loop3A_849, %parallel_loop3A_850, %parallel_loop3A_851, %parallel_loop3A_852, %parallel_loop3A_853] {strides = array<i32>} : memref<2x4x4x8x128xf32, #tpu.memory_space<vmem>>, vector<16xf32>,
        tpu.vector_store %arg7[%parallel_loop3A_849, %parallel_loop3A_850, %parallel_loop3A_851, %parallel_loop3A_852, %parallel_loop3A_853], %parallel_loop3A_845 {strides = array<i32>} : memref<2x4x4x8x128xf32, #tpu.memory_space<vmem>>, vector<16xf32>,
        %parallel_loop3A_855 = arith.constant 26 : i32
        %parallel_loop3A_856 = vector.broadcast %parallel_loop3A_855 : i32 to vector<16xi32>
        %parallel_loop3A_857 = arith.constant 1 : i32
        %parallel_loop3A_858 = arith.constant 0 : i32
        %parallel_loop3A_859 = arith.constant 0 : i32
        %parallel_loop3A_860 = tpu.memref_slice %arg6[%parallel_loop3A_857, %parallel_loop3A_858, %parallel_loop3A_859] : memref<2x512x32xf32, #tpu.memory_space<vmem>> -> memref<1x512x32xf32, #tpu.memory_space<vmem>>
        %parallel_loop3A_861 = tpu.memref_squeeze %parallel_loop3A_860 : memref<1x512x32xf32, #tpu.memory_space<vmem>> -> memref<512x32xf32, #tpu.memory_space<vmem>>
        %parallel_loop3A_862 = tpu.vector_load_idx %parallel_loop3A_861[%parallel_loop3A_412, %parallel_loop3A_856] : memref<512x32xf32, #tpu.memory_space<vmem>>[vector<16xi32>, vector<16xi32>], vector<16xf32>,
        %parallel_loop3A_863 = arith.constant 1 : i32
        %parallel_loop3A_864 = arith.constant 3 : i32
        %parallel_loop3A_865 = arith.constant 2 : i32
        %parallel_loop3A_866 = arith.index_cast %parallel_loop3A_863 : i32 to index
        %parallel_loop3A_867 = arith.index_cast %parallel_loop3A_864 : i32 to index
        %parallel_loop3A_868 = arith.index_cast %parallel_loop3A_390 : i32 to index
        %parallel_loop3A_869 = arith.index_cast %parallel_loop3A_865 : i32 to index
        %parallel_loop3A_870 = arith.index_cast %parallel_loop3A_408 : i32 to index
        %parallel_loop3A_871 = tpu.vector_load %arg7[%parallel_loop3A_866, %parallel_loop3A_867, %parallel_loop3A_868, %parallel_loop3A_869, %parallel_loop3A_870] {strides = array<i32>} : memref<2x4x4x8x128xf32, #tpu.memory_space<vmem>>, vector<16xf32>,
        tpu.vector_store %arg7[%parallel_loop3A_866, %parallel_loop3A_867, %parallel_loop3A_868, %parallel_loop3A_869, %parallel_loop3A_870], %parallel_loop3A_862 {strides = array<i32>} : memref<2x4x4x8x128xf32, #tpu.memory_space<vmem>>, vector<16xf32>,
        %parallel_loop3A_872 = arith.constant 27 : i32
        %parallel_loop3A_873 = vector.broadcast %parallel_loop3A_872 : i32 to vector<16xi32>
        %parallel_loop3A_874 = arith.constant 1 : i32
        %parallel_loop3A_875 = arith.constant 0 : i32
        %parallel_loop3A_876 = arith.constant 0 : i32
        %parallel_loop3A_877 = tpu.memref_slice %arg6[%parallel_loop3A_874, %parallel_loop3A_875, %parallel_loop3A_876] : memref<2x512x32xf32, #tpu.memory_space<vmem>> -> memref<1x512x32xf32, #tpu.memory_space<vmem>>
        %parallel_loop3A_878 = tpu.memref_squeeze %parallel_loop3A_877 : memref<1x512x32xf32, #tpu.memory_space<vmem>> -> memref<512x32xf32, #tpu.memory_space<vmem>>
        %parallel_loop3A_879 = tpu.vector_load_idx %parallel_loop3A_878[%parallel_loop3A_412, %parallel_loop3A_873] : memref<512x32xf32, #tpu.memory_space<vmem>>[vector<16xi32>, vector<16xi32>], vector<16xf32>,
        %parallel_loop3A_880 = arith.constant 1 : i32
        %parallel_loop3A_881 = arith.constant 3 : i32
        %parallel_loop3A_882 = arith.constant 3 : i32
        %parallel_loop3A_883 = arith.index_cast %parallel_loop3A_880 : i32 to index
        %parallel_loop3A_884 = arith.index_cast %parallel_loop3A_881 : i32 to index
        %parallel_loop3A_885 = arith.index_cast %parallel_loop3A_390 : i32 to index
        %parallel_loop3A_886 = arith.index_cast %parallel_loop3A_882 : i32 to index
        %parallel_loop3A_887 = arith.index_cast %parallel_loop3A_408 : i32 to index
        %parallel_loop3A_888 = tpu.vector_load %arg7[%parallel_loop3A_883, %parallel_loop3A_884, %parallel_loop3A_885, %parallel_loop3A_886, %parallel_loop3A_887] {strides = array<i32>} : memref<2x4x4x8x128xf32, #tpu.memory_space<vmem>>, vector<16xf32>,
        tpu.vector_store %arg7[%parallel_loop3A_883, %parallel_loop3A_884, %parallel_loop3A_885, %parallel_loop3A_886, %parallel_loop3A_887], %parallel_loop3A_879 {strides = array<i32>} : memref<2x4x4x8x128xf32, #tpu.memory_space<vmem>>, vector<16xf32>,
        %parallel_loop3A_889 = arith.constant 28 : i32
        %parallel_loop3A_890 = vector.broadcast %parallel_loop3A_889 : i32 to vector<16xi32>
        %parallel_loop3A_891 = arith.constant 1 : i32
        %parallel_loop3A_892 = arith.constant 0 : i32
        %parallel_loop3A_893 = arith.constant 0 : i32
        %parallel_loop3A_894 = tpu.memref_slice %arg6[%parallel_loop3A_891, %parallel_loop3A_892, %parallel_loop3A_893] : memref<2x512x32xf32, #tpu.memory_space<vmem>> -> memref<1x512x32xf32, #tpu.memory_space<vmem>>
        %parallel_loop3A_895 = tpu.memref_squeeze %parallel_loop3A_894 : memref<1x512x32xf32, #tpu.memory_space<vmem>> -> memref<512x32xf32, #tpu.memory_space<vmem>>
        %parallel_loop3A_896 = tpu.vector_load_idx %parallel_loop3A_895[%parallel_loop3A_412, %parallel_loop3A_890] : memref<512x32xf32, #tpu.memory_space<vmem>>[vector<16xi32>, vector<16xi32>], vector<16xf32>,
        %parallel_loop3A_897 = arith.constant 1 : i32
        %parallel_loop3A_898 = arith.constant 3 : i32
        %parallel_loop3A_899 = arith.constant 4 : i32
        %parallel_loop3A_900 = arith.index_cast %parallel_loop3A_897 : i32 to index
        %parallel_loop3A_901 = arith.index_cast %parallel_loop3A_898 : i32 to index
        %parallel_loop3A_902 = arith.index_cast %parallel_loop3A_390 : i32 to index
        %parallel_loop3A_903 = arith.index_cast %parallel_loop3A_899 : i32 to index
        %parallel_loop3A_904 = arith.index_cast %parallel_loop3A_408 : i32 to index
        %parallel_loop3A_905 = tpu.vector_load %arg7[%parallel_loop3A_900, %parallel_loop3A_901, %parallel_loop3A_902, %parallel_loop3A_903, %parallel_loop3A_904] {strides = array<i32>} : memref<2x4x4x8x128xf32, #tpu.memory_space<vmem>>, vector<16xf32>,
        tpu.vector_store %arg7[%parallel_loop3A_900, %parallel_loop3A_901, %parallel_loop3A_902, %parallel_loop3A_903, %parallel_loop3A_904], %parallel_loop3A_896 {strides = array<i32>} : memref<2x4x4x8x128xf32, #tpu.memory_space<vmem>>, vector<16xf32>,
        %parallel_loop3A_906 = arith.constant 29 : i32
        %parallel_loop3A_907 = vector.broadcast %parallel_loop3A_906 : i32 to vector<16xi32>
        %parallel_loop3A_908 = arith.constant 1 : i32
        %parallel_loop3A_909 = arith.constant 0 : i32
        %parallel_loop3A_910 = arith.constant 0 : i32
        %parallel_loop3A_911 = tpu.memref_slice %arg6[%parallel_loop3A_908, %parallel_loop3A_909, %parallel_loop3A_910] : memref<2x512x32xf32, #tpu.memory_space<vmem>> -> memref<1x512x32xf32, #tpu.memory_space<vmem>>
        %parallel_loop3A_912 = tpu.memref_squeeze %parallel_loop3A_911 : memref<1x512x32xf32, #tpu.memory_space<vmem>> -> memref<512x32xf32, #tpu.memory_space<vmem>>
        %parallel_loop3A_913 = tpu.vector_load_idx %parallel_loop3A_912[%parallel_loop3A_412, %parallel_loop3A_907] : memref<512x32xf32, #tpu.memory_space<vmem>>[vector<16xi32>, vector<16xi32>], vector<16xf32>,
        %parallel_loop3A_914 = arith.constant 1 : i32
        %parallel_loop3A_915 = arith.constant 3 : i32
        %parallel_loop3A_916 = arith.constant 5 : i32
        %parallel_loop3A_917 = arith.index_cast %parallel_loop3A_914 : i32 to index
        %parallel_loop3A_918 = arith.index_cast %parallel_loop3A_915 : i32 to index
        %parallel_loop3A_919 = arith.index_cast %parallel_loop3A_390 : i32 to index
        %parallel_loop3A_920 = arith.index_cast %parallel_loop3A_916 : i32 to index
        %parallel_loop3A_921 = arith.index_cast %parallel_loop3A_408 : i32 to index
        %parallel_loop3A_922 = tpu.vector_load %arg7[%parallel_loop3A_917, %parallel_loop3A_918, %parallel_loop3A_919, %parallel_loop3A_920, %parallel_loop3A_921] {strides = array<i32>} : memref<2x4x4x8x128xf32, #tpu.memory_space<vmem>>, vector<16xf32>,
        tpu.vector_store %arg7[%parallel_loop3A_917, %parallel_loop3A_918, %parallel_loop3A_919, %parallel_loop3A_920, %parallel_loop3A_921], %parallel_loop3A_913 {strides = array<i32>} : memref<2x4x4x8x128xf32, #tpu.memory_space<vmem>>, vector<16xf32>,
        %parallel_loop3A_923 = arith.constant 30 : i32
        %parallel_loop3A_924 = vector.broadcast %parallel_loop3A_923 : i32 to vector<16xi32>
        %parallel_loop3A_925 = arith.constant 1 : i32
        %parallel_loop3A_926 = arith.constant 0 : i32
        %parallel_loop3A_927 = arith.constant 0 : i32
        %parallel_loop3A_928 = tpu.memref_slice %arg6[%parallel_loop3A_925, %parallel_loop3A_926, %parallel_loop3A_927] : memref<2x512x32xf32, #tpu.memory_space<vmem>> -> memref<1x512x32xf32, #tpu.memory_space<vmem>>
        %parallel_loop3A_929 = tpu.memref_squeeze %parallel_loop3A_928 : memref<1x512x32xf32, #tpu.memory_space<vmem>> -> memref<512x32xf32, #tpu.memory_space<vmem>>
        %parallel_loop3A_930 = tpu.vector_load_idx %parallel_loop3A_929[%parallel_loop3A_412, %parallel_loop3A_924] : memref<512x32xf32, #tpu.memory_space<vmem>>[vector<16xi32>, vector<16xi32>], vector<16xf32>,
        %parallel_loop3A_931 = arith.constant 1 : i32
        %parallel_loop3A_932 = arith.constant 3 : i32
        %parallel_loop3A_933 = arith.constant 6 : i32
        %parallel_loop3A_934 = arith.index_cast %parallel_loop3A_931 : i32 to index
        %parallel_loop3A_935 = arith.index_cast %parallel_loop3A_932 : i32 to index
        %parallel_loop3A_936 = arith.index_cast %parallel_loop3A_390 : i32 to index
        %parallel_loop3A_937 = arith.index_cast %parallel_loop3A_933 : i32 to index
        %parallel_loop3A_938 = arith.index_cast %parallel_loop3A_408 : i32 to index
        %parallel_loop3A_939 = tpu.vector_load %arg7[%parallel_loop3A_934, %parallel_loop3A_935, %parallel_loop3A_936, %parallel_loop3A_937, %parallel_loop3A_938] {strides = array<i32>} : memref<2x4x4x8x128xf32, #tpu.memory_space<vmem>>, vector<16xf32>,
        tpu.vector_store %arg7[%parallel_loop3A_934, %parallel_loop3A_935, %parallel_loop3A_936, %parallel_loop3A_937, %parallel_loop3A_938], %parallel_loop3A_930 {strides = array<i32>} : memref<2x4x4x8x128xf32, #tpu.memory_space<vmem>>, vector<16xf32>,
        %parallel_loop3A_940 = arith.constant 31 : i32
        %parallel_loop3A_941 = vector.broadcast %parallel_loop3A_940 : i32 to vector<16xi32>
        %parallel_loop3A_942 = arith.constant 1 : i32
        %parallel_loop3A_943 = arith.constant 0 : i32
        %parallel_loop3A_944 = arith.constant 0 : i32
        %parallel_loop3A_945 = tpu.memref_slice %arg6[%parallel_loop3A_942, %parallel_loop3A_943, %parallel_loop3A_944] : memref<2x512x32xf32, #tpu.memory_space<vmem>> -> memref<1x512x32xf32, #tpu.memory_space<vmem>>
        %parallel_loop3A_946 = tpu.memref_squeeze %parallel_loop3A_945 : memref<1x512x32xf32, #tpu.memory_space<vmem>> -> memref<512x32xf32, #tpu.memory_space<vmem>>
        %parallel_loop3A_947 = tpu.vector_load_idx %parallel_loop3A_946[%parallel_loop3A_412, %parallel_loop3A_941] : memref<512x32xf32, #tpu.memory_space<vmem>>[vector<16xi32>, vector<16xi32>], vector<16xf32>,
        %parallel_loop3A_948 = arith.constant 1 : i32
        %parallel_loop3A_949 = arith.constant 3 : i32
        %parallel_loop3A_950 = arith.constant 7 : i32
        %parallel_loop3A_951 = arith.index_cast %parallel_loop3A_948 : i32 to index
        %parallel_loop3A_952 = arith.index_cast %parallel_loop3A_949 : i32 to index
        %parallel_loop3A_953 = arith.index_cast %parallel_loop3A_390 : i32 to index
        %parallel_loop3A_954 = arith.index_cast %parallel_loop3A_950 : i32 to index
        %parallel_loop3A_955 = arith.index_cast %parallel_loop3A_408 : i32 to index
        %parallel_loop3A_956 = tpu.vector_load %arg7[%parallel_loop3A_951, %parallel_loop3A_952, %parallel_loop3A_953, %parallel_loop3A_954, %parallel_loop3A_955] {strides = array<i32>} : memref<2x4x4x8x128xf32, #tpu.memory_space<vmem>>, vector<16xf32>,
        tpu.vector_store %arg7[%parallel_loop3A_951, %parallel_loop3A_952, %parallel_loop3A_953, %parallel_loop3A_954, %parallel_loop3A_955], %parallel_loop3A_947 {strides = array<i32>} : memref<2x4x4x8x128xf32, #tpu.memory_space<vmem>>, vector<16xf32>,
      } {sc.loop_unroll_factor = 1 : i64, sc.parallel_access}
      %jit3A_301 = arith.constant 32 : i32
      %div3A_302 = arith.divsi %add3A_266, %jit3A_301 : i32
      %sign3A_303 = arith.constant 0 : i32
      %sign3A_304 = arith.cmpi sgt, %add3A_266, %sign3A_303 : i32
      %sign3A_305 = arith.extui %sign3A_304 : i1 to i32
      %sign3A_306 = arith.constant 0 : i32
      %sign3A_307 = arith.cmpi slt, %add3A_266, %sign3A_306 : i32
      %sign3A_308 = arith.extui %sign3A_307 : i1 to i32
      %sign3A_309 = arith.subi %sign3A_305, %sign3A_308 : i32
      %sign3A_310 = arith.constant 0 : i32
      %sign3A_311 = arith.cmpi sgt, %jit3A_301, %sign3A_310 : i32
      %sign3A_312 = arith.extui %sign3A_311 : i1 to i32
      %sign3A_313 = arith.constant 0 : i32
      %sign3A_314 = arith.cmpi slt, %jit3A_301, %sign3A_313 : i32
      %sign3A_315 = arith.extui %sign3A_314 : i1 to i32
      %sign3A_316 = arith.subi %sign3A_312, %sign3A_315 : i32
      %ne3A_317 = arith.cmpi ne, %sign3A_309, %sign3A_316 : i32
      %rem3A_318 = arith.remsi %add3A_266, %jit3A_301 : i32
      %ne3A_319 = arith.constant 0 : i32
      %ne3A_320 = arith.cmpi ne, %rem3A_318, %ne3A_319 : i32
      %and3A_321 = arith.andi %ne3A_317, %ne3A_320 : i1
      %sub3A_322 = arith.constant 1 : i32
      %sub3A_323 = arith.subi %div3A_302, %sub3A_322 : i32
      %select_n3A_324 = arith.select %and3A_321, %sub3A_323, %div3A_302 : i32
      %jit3A_325 = arith.constant 32 : i32
      %eq3A_326 = arith.constant 0 : i32
      %eq3A_327 = arith.cmpi eq, %jit3A_325, %eq3A_326 : i32
      %jit3A_328 = arith.constant 1 : i32
      %select_n3A_329 = arith.select %eq3A_327, %jit3A_328, %jit3A_325 : i32
      %rem3A_330 = arith.remsi %add3A_266, %select_n3A_329 : i32
      %ne3A_331 = arith.constant 0 : i32
      %ne3A_332 = arith.cmpi ne, %rem3A_330, %ne3A_331 : i32
      %lt3A_333 = arith.constant 0 : i32
      %lt3A_334 = arith.cmpi slt, %rem3A_330, %lt3A_333 : i32
      %lt3A_335 = arith.constant 0 : i32
      %lt3A_336 = arith.cmpi slt, %select_n3A_329, %lt3A_335 : i32
      %ne3A_337 = arith.xori %lt3A_334, %lt3A_336 : i1
      %and3A_338 = arith.andi %ne3A_337, %ne3A_332 : i1
      %add3A_339 = arith.addi %rem3A_330, %select_n3A_329 : i32
      %select_n3A_340 = arith.select %and3A_338, %add3A_339, %rem3A_330 : i32
      %mul3A_341 = arith.constant 4 : i32
      %mul3A_342 = arith.muli %select_n3A_340, %mul3A_341 : i32
      %dma_start3A_343 = arith.constant 1 : i32
      %dma_start3A_344 = arith.constant 0 : i32
      %dma_start3A_345 = arith.constant 0 : i32
      %dma_start3A_346 = arith.constant 0 : i32
      %dma_start3A_347 = arith.constant 0 : i32
      %dma_start3A_348 = tpu.memref_slice %arg7[%dma_start3A_343, %dma_start3A_344, %dma_start3A_345, %dma_start3A_346, %dma_start3A_347] : memref<2x4x4x8x128xf32, #tpu.memory_space<vmem>> -> memref<1x4x4x8x128xf32, #tpu.memory_space<vmem>>
      %dma_start3A_349 = tpu.memref_squeeze %dma_start3A_348 : memref<1x4x4x8x128xf32, #tpu.memory_space<vmem>> -> memref<4x4x8x128xf32, #tpu.memory_space<vmem>>
      %dma_start3A_350 = arith.constant 0 : i32
      %dma_start3A_351 = arith.constant 0 : i32
      %dma_start3A_352 = arith.constant 0 : i32
      %dma_start3A_353 = tpu.memref_slice %arg4[%select_n3A_324, %dma_start3A_350, %mul3A_342, %dma_start3A_351, %dma_start3A_352] : memref<50x4x128x8x128xf32, #tpu.memory_space<hbm>> -> memref<1x4x4x8x128xf32, #tpu.memory_space<hbm>>
      %dma_start3A_354 = tpu.memref_squeeze %dma_start3A_353 : memref<1x4x4x8x128xf32, #tpu.memory_space<hbm>> -> memref<4x4x8x128xf32, #tpu.memory_space<hbm>>
      %dma_start3A_355 = arith.constant 0 : i32
      %dma_start3A_356 = arith.constant 0 : i32
      %dma_start3A_357 = arith.constant 0 : i32
      %dma_start3A_358 = tpu.memref_slice %arg4[%select_n3A_324, %dma_start3A_355, %mul3A_342, %dma_start3A_356, %dma_start3A_357] : memref<50x4x128x8x128xf32, #tpu.memory_space<hbm>> -> memref<1x4x4x8x128xf32, #tpu.memory_space<hbm>>
      %dma_start3A_359 = tpu.memref_squeeze %dma_start3A_358 : memref<1x4x4x8x128xf32, #tpu.memory_space<hbm>> -> memref<4x4x8x128xf32, #tpu.memory_space<hbm>>
      %dma_start3A_360 = arith.constant 0 : i32
      %dma_start3A_361 = arith.constant 0 : i32
      %dma_start3A_362 = arith.constant 0 : i32
      %dma_start3A_363 = arith.constant 0 : i32
      %dma_start3A_364 = tpu.memref_slice %arg7[%dma_start3A_343, %dma_start3A_360, %dma_start3A_361, %dma_start3A_362, %dma_start3A_363] : memref<2x4x4x8x128xf32, #tpu.memory_space<vmem>> -> memref<1x4x4x8x128xf32, #tpu.memory_space<vmem>>
      %dma_start3A_365 = tpu.memref_squeeze %dma_start3A_364 : memref<1x4x4x8x128xf32, #tpu.memory_space<vmem>> -> memref<4x4x8x128xf32, #tpu.memory_space<vmem>>
      tpu.enqueue_dma source(%dma_start3A_365 : memref<4x4x8x128xf32, #tpu.memory_space<vmem>>) target(%dma_start3A_359 : memref<4x4x8x128xf32, #tpu.memory_space<hbm>>) target_semaphore(%arg13 : memref<!tpu.dma_semaphore, #tpu.memory_space<semaphore_mem>>)
    }
    %scan3A_33 = arith.constant 25 : i32
    %add3A_34 = arith.constant 50 : i32
    %add3A_35 = arith.addi %mul3A_2, %add3A_34 : i32
    %sub3A = arith.constant 2 : i32
    %sub3A_36 = arith.subi %add3A_35, %sub3A : i32
    %jit3A = arith.constant 32 : i32
    %div3A = arith.divsi %sub3A_36, %jit3A : i32
    %sign3A = arith.constant 0 : i32
    %sign3A_37 = arith.cmpi sgt, %sub3A_36, %sign3A : i32
    %sign3A_38 = arith.extui %sign3A_37 : i1 to i32
    %sign3A_39 = arith.constant 0 : i32
    %sign3A_40 = arith.cmpi slt, %sub3A_36, %sign3A_39 : i32
    %sign3A_41 = arith.extui %sign3A_40 : i1 to i32
    %sign3A_42 = arith.subi %sign3A_38, %sign3A_41 : i32
    %sign3A_43 = arith.constant 0 : i32
    %sign3A_44 = arith.cmpi sgt, %jit3A, %sign3A_43 : i32
    %sign3A_45 = arith.extui %sign3A_44 : i1 to i32
    %sign3A_46 = arith.constant 0 : i32
    %sign3A_47 = arith.cmpi slt, %jit3A, %sign3A_46 : i32
    %sign3A_48 = arith.extui %sign3A_47 : i1 to i32
    %sign3A_49 = arith.subi %sign3A_45, %sign3A_48 : i32
    %ne3A = arith.cmpi ne, %sign3A_42, %sign3A_49 : i32
    %rem3A = arith.remsi %sub3A_36, %jit3A : i32
    %ne3A_50 = arith.constant 0 : i32
    %ne3A_51 = arith.cmpi ne, %rem3A, %ne3A_50 : i32
    %and3A = arith.andi %ne3A, %ne3A_51 : i1
    %sub3A_52 = arith.constant 1 : i32
    %sub3A_53 = arith.subi %div3A, %sub3A_52 : i32
    %select_n3A = arith.select %and3A, %sub3A_53, %div3A : i32
    %jit3A_54 = arith.constant 32 : i32
    %eq3A = arith.constant 0 : i32
    %eq3A_55 = arith.cmpi eq, %jit3A_54, %eq3A : i32
    %jit3A_56 = arith.constant 1 : i32
    %select_n3A_57 = arith.select %eq3A_55, %jit3A_56, %jit3A_54 : i32
    %rem3A_58 = arith.remsi %sub3A_36, %select_n3A_57 : i32
    %ne3A_59 = arith.constant 0 : i32
    %ne3A_60 = arith.cmpi ne, %rem3A_58, %ne3A_59 : i32
    %lt3A = arith.constant 0 : i32
    %lt3A_61 = arith.cmpi slt, %rem3A_58, %lt3A : i32
    %lt3A_62 = arith.constant 0 : i32
    %lt3A_63 = arith.cmpi slt, %select_n3A_57, %lt3A_62 : i32
    %ne3A_64 = arith.xori %lt3A_61, %lt3A_63 : i1
    %and3A_65 = arith.andi %ne3A_64, %ne3A_60 : i1
    %add3A_66 = arith.addi %rem3A_58, %select_n3A_57 : i32
    %select_n3A_67 = arith.select %and3A_65, %add3A_66, %rem3A_58 : i32
    %mul3A_68 = arith.constant 4 : i32
    %mul3A_69 = arith.muli %select_n3A_67, %mul3A_68 : i32
    %dma_wait3A = arith.constant 0 : i32
    %dma_wait3A_70 = arith.constant 0 : i32
    %dma_wait3A_71 = arith.constant 0 : i32
    %dma_wait3A_72 = arith.constant 0 : i32
    %dma_wait3A_73 = arith.constant 0 : i32
    %dma_wait3A_74 = tpu.memref_slice %arg7[%dma_wait3A, %dma_wait3A_70, %dma_wait3A_71, %dma_wait3A_72, %dma_wait3A_73] : memref<2x4x4x8x128xf32, #tpu.memory_space<vmem>> -> memref<1x4x4x8x128xf32, #tpu.memory_space<vmem>>
    %dma_wait3A_75 = tpu.memref_squeeze %dma_wait3A_74 : memref<1x4x4x8x128xf32, #tpu.memory_space<vmem>> -> memref<4x4x8x128xf32, #tpu.memory_space<vmem>>
    %dma_wait3A_76 = arith.constant 0 : i32
    %dma_wait3A_77 = arith.constant 0 : i32
    %dma_wait3A_78 = arith.constant 0 : i32
    %dma_wait3A_79 = tpu.memref_slice %arg4[%select_n3A, %dma_wait3A_76, %mul3A_69, %dma_wait3A_77, %dma_wait3A_78] : memref<50x4x128x8x128xf32, #tpu.memory_space<hbm>> -> memref<1x4x4x8x128xf32, #tpu.memory_space<hbm>>
    %dma_wait3A_80 = tpu.memref_squeeze %dma_wait3A_79 : memref<1x4x4x8x128xf32, #tpu.memory_space<hbm>> -> memref<4x4x8x128xf32, #tpu.memory_space<hbm>>
    %dma_wait3A_81 = arith.constant 0 : i32
    %dma_wait3A_82 = arith.constant 0 : i32
    %dma_wait3A_83 = arith.constant 0 : i32
    %dma_wait3A_84 = tpu.memref_slice %arg4[%select_n3A, %dma_wait3A_81, %mul3A_69, %dma_wait3A_82, %dma_wait3A_83] : memref<50x4x128x8x128xf32, #tpu.memory_space<hbm>> -> memref<1x4x4x8x128xf32, #tpu.memory_space<hbm>>
    %dma_wait3A_85 = tpu.memref_squeeze %dma_wait3A_84 : memref<1x4x4x8x128xf32, #tpu.memory_space<hbm>> -> memref<4x4x8x128xf32, #tpu.memory_space<hbm>>
    %dma_wait3A_86 = arith.constant 0 : i32
    %dma_wait3A_87 = arith.constant 0 : i32
    %dma_wait3A_88 = arith.constant 0 : i32
    %dma_wait3A_89 = arith.constant 0 : i32
    %dma_wait3A_90 = tpu.memref_slice %arg7[%dma_wait3A, %dma_wait3A_86, %dma_wait3A_87, %dma_wait3A_88, %dma_wait3A_89] : memref<2x4x4x8x128xf32, #tpu.memory_space<vmem>> -> memref<1x4x4x8x128xf32, #tpu.memory_space<vmem>>
    %dma_wait3A_91 = tpu.memref_squeeze %dma_wait3A_90 : memref<1x4x4x8x128xf32, #tpu.memory_space<vmem>> -> memref<4x4x8x128xf32, #tpu.memory_space<vmem>>
    tpu.wait_dma2 semaphore(%arg12 : memref<!tpu.dma_semaphore, #tpu.memory_space<semaphore_mem>>) src(%dma_wait3A_91 : memref<4x4x8x128xf32, #tpu.memory_space<vmem>>) dst(%dma_wait3A_85 : memref<4x4x8x128xf32, #tpu.memory_space<hbm>>)
    %add3A_92 = arith.constant 50 : i32
    %add3A_93 = arith.addi %mul3A_2, %add3A_92 : i32
    %sub3A_94 = arith.constant 1 : i32
    %sub3A_95 = arith.subi %add3A_93, %sub3A_94 : i32
    %jit3A_96 = arith.constant 32 : i32
    %div3A_97 = arith.divsi %sub3A_95, %jit3A_96 : i32
    %sign3A_98 = arith.constant 0 : i32
    %sign3A_99 = arith.cmpi sgt, %sub3A_95, %sign3A_98 : i32
    %sign3A_100 = arith.extui %sign3A_99 : i1 to i32
    %sign3A_101 = arith.constant 0 : i32
    %sign3A_102 = arith.cmpi slt, %sub3A_95, %sign3A_101 : i32
    %sign3A_103 = arith.extui %sign3A_102 : i1 to i32
    %sign3A_104 = arith.subi %sign3A_100, %sign3A_103 : i32
    %sign3A_105 = arith.constant 0 : i32
    %sign3A_106 = arith.cmpi sgt, %jit3A_96, %sign3A_105 : i32
    %sign3A_107 = arith.extui %sign3A_106 : i1 to i32
    %sign3A_108 = arith.constant 0 : i32
    %sign3A_109 = arith.cmpi slt, %jit3A_96, %sign3A_108 : i32
    %sign3A_110 = arith.extui %sign3A_109 : i1 to i32
    %sign3A_111 = arith.subi %sign3A_107, %sign3A_110 : i32
    %ne3A_112 = arith.cmpi ne, %sign3A_104, %sign3A_111 : i32
    %rem3A_113 = arith.remsi %sub3A_95, %jit3A_96 : i32
    %ne3A_114 = arith.constant 0 : i32
    %ne3A_115 = arith.cmpi ne, %rem3A_113, %ne3A_114 : i32
    %and3A_116 = arith.andi %ne3A_112, %ne3A_115 : i1
    %sub3A_117 = arith.constant 1 : i32
    %sub3A_118 = arith.subi %div3A_97, %sub3A_117 : i32
    %select_n3A_119 = arith.select %and3A_116, %sub3A_118, %div3A_97 : i32
    %jit3A_120 = arith.constant 32 : i32
    %eq3A_121 = arith.constant 0 : i32
    %eq3A_122 = arith.cmpi eq, %jit3A_120, %eq3A_121 : i32
    %jit3A_123 = arith.constant 1 : i32
    %select_n3A_124 = arith.select %eq3A_122, %jit3A_123, %jit3A_120 : i32
    %rem3A_125 = arith.remsi %sub3A_95, %select_n3A_124 : i32
    %ne3A_126 = arith.constant 0 : i32
    %ne3A_127 = arith.cmpi ne, %rem3A_125, %ne3A_126 : i32
    %lt3A_128 = arith.constant 0 : i32
    %lt3A_129 = arith.cmpi slt, %rem3A_125, %lt3A_128 : i32
    %lt3A_130 = arith.constant 0 : i32
    %lt3A_131 = arith.cmpi slt, %select_n3A_124, %lt3A_130 : i32
    %ne3A_132 = arith.xori %lt3A_129, %lt3A_131 : i1
    %and3A_133 = arith.andi %ne3A_132, %ne3A_127 : i1
    %add3A_134 = arith.addi %rem3A_125, %select_n3A_124 : i32
    %select_n3A_135 = arith.select %and3A_133, %add3A_134, %rem3A_125 : i32
    %mul3A_136 = arith.constant 4 : i32
    %mul3A_137 = arith.muli %select_n3A_135, %mul3A_136 : i32
    %dma_wait3A_138 = arith.constant 1 : i32
    %dma_wait3A_139 = arith.constant 0 : i32
    %dma_wait3A_140 = arith.constant 0 : i32
    %dma_wait3A_141 = arith.constant 0 : i32
    %dma_wait3A_142 = arith.constant 0 : i32
    %dma_wait3A_143 = tpu.memref_slice %arg7[%dma_wait3A_138, %dma_wait3A_139, %dma_wait3A_140, %dma_wait3A_141, %dma_wait3A_142] : memref<2x4x4x8x128xf32, #tpu.memory_space<vmem>> -> memref<1x4x4x8x128xf32, #tpu.memory_space<vmem>>
    %dma_wait3A_144 = tpu.memref_squeeze %dma_wait3A_143 : memref<1x4x4x8x128xf32, #tpu.memory_space<vmem>> -> memref<4x4x8x128xf32, #tpu.memory_space<vmem>>
    %dma_wait3A_145 = arith.constant 0 : i32
    %dma_wait3A_146 = arith.constant 0 : i32
    %dma_wait3A_147 = arith.constant 0 : i32
    %dma_wait3A_148 = tpu.memref_slice %arg4[%select_n3A_119, %dma_wait3A_145, %mul3A_137, %dma_wait3A_146, %dma_wait3A_147] : memref<50x4x128x8x128xf32, #tpu.memory_space<hbm>> -> memref<1x4x4x8x128xf32, #tpu.memory_space<hbm>>
    %dma_wait3A_149 = tpu.memref_squeeze %dma_wait3A_148 : memref<1x4x4x8x128xf32, #tpu.memory_space<hbm>> -> memref<4x4x8x128xf32, #tpu.memory_space<hbm>>
    %dma_wait3A_150 = arith.constant 0 : i32
    %dma_wait3A_151 = arith.constant 0 : i32
    %dma_wait3A_152 = arith.constant 0 : i32
    %dma_wait3A_153 = tpu.memref_slice %arg4[%select_n3A_119, %dma_wait3A_150, %mul3A_137, %dma_wait3A_151, %dma_wait3A_152] : memref<50x4x128x8x128xf32, #tpu.memory_space<hbm>> -> memref<1x4x4x8x128xf32, #tpu.memory_space<hbm>>
    %dma_wait3A_154 = tpu.memref_squeeze %dma_wait3A_153 : memref<1x4x4x8x128xf32, #tpu.memory_space<hbm>> -> memref<4x4x8x128xf32, #tpu.memory_space<hbm>>
    %dma_wait3A_155 = arith.constant 0 : i32
    %dma_wait3A_156 = arith.constant 0 : i32
    %dma_wait3A_157 = arith.constant 0 : i32
    %dma_wait3A_158 = arith.constant 0 : i32
    %dma_wait3A_159 = tpu.memref_slice %arg7[%dma_wait3A_138, %dma_wait3A_155, %dma_wait3A_156, %dma_wait3A_157, %dma_wait3A_158] : memref<2x4x4x8x128xf32, #tpu.memory_space<vmem>> -> memref<1x4x4x8x128xf32, #tpu.memory_space<vmem>>
    %dma_wait3A_160 = tpu.memref_squeeze %dma_wait3A_159 : memref<1x4x4x8x128xf32, #tpu.memory_space<vmem>> -> memref<4x4x8x128xf32, #tpu.memory_space<vmem>>
    tpu.wait_dma2 semaphore(%arg13 : memref<!tpu.dma_semaphore, #tpu.memory_space<semaphore_mem>>) src(%dma_wait3A_160 : memref<4x4x8x128xf32, #tpu.memory_space<vmem>>) dst(%dma_wait3A_154 : memref<4x4x8x128xf32, #tpu.memory_space<hbm>>)
    return
  }
}

</mosaic_0001>

<sc_bundles>
// kernel: _gather.3.cloned.1.call-start
scs
__scs_entry_jumppad:
0x0: {  	(pc) =	sbr.rel $0x88, $3  }
0x1: {  	(tag) =	ssettag $0x0;
	lr =	simm.s32 $0x1  }
0x2: {  	[smem:$0x3F9F] =	sst lr;
	_ =	strace $0xD0000000  }
0x3: {  	_ = 	snop  }
0x4: {  	_ = 	snop  }
0x5: {  	_ = 	snop  }
0x6: {  	_ = 	snop  }
0x7: {  	_ = 	snop  }
__scs_overlays_trampoline_lowered:
0x8: {  	[smem:$0x3FAE] =	sst s0  }
0x9: {  	[smem:$0x3FAF] =	sst s1  }
0xa: {  	[smem:$0x3FB0] =	sst s2  }
0xb: {  	[smem:$0x3FB1] =	sst s3  }
0xc: {  	[smem:$0x3FB2] =	sst s4  }
0xd: {  	[smem:$0x3FB3] =	sst s5  }
0xe: {  	[smem:$0x3FB4] =	sst s6  }
0xf: {  	[smem:$0x3FB5] =	sst s7  }
0x10: {  	[smem:$0x3FB6] =	sst s8  }
0x11: {  	[smem:$0x3FB7] =	sst s9;
	s0 =	simm.s32 @!p0 $0x0  }
0x12: {  	s1 =	sld [smem:$0x3F9D];
	s0 =	simm.s32 @p0 $0x1  }
0x13: {  	[smem:$0x3FB8] =	sst s0;
	s0 =	simm.s32 @!p1 $0x0  }
0x14: {  	s2 =	sld [smem:$0x3F9C];
	s0 =	simm.s32 @p1 $0x1  }
0x15: {  	[smem:$0x3FB9] =	sst s0;
	s0 =	simm.s32 @!p2 $0x0  }
0x16: {  	s3 =	sld [smem:$0x3FDB];
	s0 =	simm.s32 @p2 $0x1  }
0x17: {  	s4 =	simm.s32 $0x1BF5;
	[smem:$0x3FBB] =	sst s0  }
0x18: {  	s0 =	sld [smem:$0x3F9E];
	_ =	swait.ge [sflag:s4], $0x0  }
0x19: {  	s7 =	sld [smem:$0x3F9F]  }
0x1a: {  	s8 =	sadd.s32 $0xFFFFE003, lr  }
0x1b: {  	s9 =	sadd.s32 $0xFFFFFEF7, lr;
	s5 =	simm.s32 $0xFFFFFFFF;
	p2 =	slt.u32 s8, $0xFFFFF086  }
0x1c: {  	p1 =	slt.u32 s9, $0xF7A;
	s5 =	simm.s32 @!p2 $0x0  }
0x1d: {  	s5 =	simm.s32 @p1 $0x1;
	p0 =	seq.s32 s7, s2  }
0x1e: {  	s7 =	smul.u32 @!p0 $0xF7A, s2;
	p2 =	seq.s32 @!p0 s5, $0x0  }
0x1f: {  	s9 =	smul.u32 $0xF7A, s1;
	s8 =	simm.s32 @!p0 $0x1BF5;
	p2 =	por !p2, p0  }
0x20: {  	[sflag:s8] =	ssyncset.s32 @!p0 $0xFFFFF086;
	s6 =	sadd.s32 @!p0 s3, s7;
	s7 =	simm.s32 @!p0 $0x108  }
0x21: {  	s3 =	sadd.s32 s3, s9;
	s6 =	sadd.s32 @!p0 $0x88, s6;
	s7 =	simm.s32 @p2 $0x1082  }
0x22: {  	[simem:s7], [sflag:s8] =	dma.local @!p0 [hbm:s6], $0xF7A  }
0x23: {  	s9 =	sor.u32 $0xD0000000, s2;
	s6 =	simm.s32 $0x108;
	_ =	swait.ge @!p0 [sflag:s8], $0x0  }
0x24: {  	s3 =	sadd.s32 $0x88, s3;
	s6 =	simm.s32 @!p1 $0x1082;
	[sflag:s4] =	ssyncset.s32 $0xFFFFF086  }
0x25: {  	[simem:s6], [sflag:s4] =	dma.local [hbm:s3], $0xF7A  }
0x26: {  	[smem:$0x3F9F] =	sst s1;
	(tag) =	ssettag s2;
	_ =	strace s9  }
0x27: {  	s1 =	sld [smem:$0x3FAF]  }
0x28: {  	s2 =	sld [smem:$0x3FB0]  }
0x29: {  	s4 =	sld [smem:$0x3FB2]  }
0x2a: {  	p0 =	seq.s32 s5, $0x0;
	s5 =	sld [smem:$0x3FB3]  }
0x2b: {  	s6 =	sld [smem:$0x3FB4]  }
0x2c: {  	s7 =	sld [smem:$0x3FB5]  }
0x2d: {  	s3 =	simm.s32 $0x108;
	s8 =	sld [smem:$0x3FB6]  }
0x2e: {  	s3 =	simm.s32 @!p0 $0x1082;
	s9 =	sld [smem:$0x3FB7]  }
0x2f: {  	lr =	sadd.s32 s0, s3;
	s0 =	sld [smem:$0x3FAE]  }
0x30: {  	s3 =	sld [smem:$0x3FB1]  }
0x31: {  	[smem:$0x3FBA] =	sst s10  }
0x32: {  	s10 =	sld [smem:$0x3FB8];
	_ =	sdelay $0x3  }
0x33: {  	p0 =	seq.s32 s10, $0x1;
	s10 =	sld [smem:$0x3FBA];
	_ =	sdelay $0x3  }
0x34: {  	[smem:$0x3FBA] =	sst s10  }
0x35: {  	s10 =	sld [smem:$0x3FB9];
	_ =	sdelay $0x3  }
0x36: {  	p1 =	seq.s32 s10, $0x1;
	s10 =	sld [smem:$0x3FBA];
	_ =	sdelay $0x3  }
0x37: {  	[smem:$0x3FBA] =	sst s10  }
0x38: {  	s10 =	sld [smem:$0x3FBB]  }
0x39: {  	_ = 	snop;
	(pc) =	sbr.ind lr, $3  }
0x3a: {  	_ = 	snop  }
0x3b: {  	_ = 	snop  }
0x3c: {  	p2 =	seq.s32 s10, $0x1;
	s10 =	sld [smem:$0x3FBA]  }
0x3d: {  	_ =	shalt  }
0x3e: {  	_ =	shalt  }
0x3f: {  	_ =	shalt  }
0x40: {  	_ =	shalt  }
0x41: {  	_ =	shalt  }
0x42: {  	_ =	shalt  }
0x43: {  	_ =	shalt  }
0x44: {  	_ =	shalt  }
0x45: {  	_ =	shalt  }
0x46: {  	_ =	shalt  }
0x47: {  	_ =	shalt  }
0x48: {  	_ =	shalt  }
0x49: {  	_ =	shalt  }
0x4a: {  	_ =	shalt  }
0x4b: {  	_ =	shalt  }
0x4c: {  	_ =	shalt  }
0x4d: {  	_ =	shalt  }
0x4e: {  	_ =	shalt  }
0x4f: {  	_ =	shalt  }
0x50: {  	_ =	shalt  }
0x51: {  	_ =	shalt  }
0x52: {  	_ =	shalt  }
0x53: {  	_ =	shalt  }
0x54: {  	_ =	shalt  }
0x55: {  	_ =	shalt  }
0x56: {  	_ =	shalt  }
0x57: {  	_ =	shalt  }
0x58: {  	_ =	shalt  }
0x59: {  	_ =	shalt  }
0x5a: {  	_ =	shalt  }
0x5b: {  	_ =	shalt  }
0x5c: {  	_ =	shalt  }
0x5d: {  	_ =	shalt  }
0x5e: {  	_ =	shalt  }
0x5f: {  	_ =	shalt  }
0x60: {  	_ =	shalt  }
0x61: {  	_ =	shalt  }
0x62: {  	_ =	shalt  }
0x63: {  	_ =	shalt  }
0x64: {  	_ =	shalt  }
0x65: {  	_ =	shalt  }
0x66: {  	_ =	shalt  }
0x67: {  	_ =	shalt  }
0x68: {  	_ =	shalt  }
0x69: {  	_ =	shalt  }
0x6a: {  	_ =	shalt  }
0x6b: {  	_ =	shalt  }
0x6c: {  	_ =	shalt  }
0x6d: {  	_ =	shalt  }
0x6e: {  	_ =	shalt  }
0x6f: {  	_ =	shalt  }
0x70: {  	_ =	shalt  }
0x71: {  	_ =	shalt  }
0x72: {  	_ =	shalt  }
0x73: {  	_ =	shalt  }
0x74: {  	_ =	shalt  }
0x75: {  	_ =	shalt  }
0x76: {  	_ =	shalt  }
0x77: {  	_ =	shalt  }
0x78: {  	_ =	shalt  }
0x79: {  	_ =	shalt  }
0x7a: {  	_ =	shalt  }
0x7b: {  	_ =	shalt  }
0x7c: {  	_ =	shalt  }
0x7d: {  	_ =	shalt  }
0x7e: {  	_ =	shalt  }
0x7f: {  	_ =	shalt  }
0x80: {  	_ =	shalt  }
0x81: {  	_ =	shalt  }
0x82: {  	_ =	shalt  }
0x83: {  	_ =	shalt  }
0x84: {  	_ =	shalt  }
0x85: {  	_ =	shalt  }
0x86: {  	_ =	shalt  }
0x87: {  	_ =	shalt  }
.Lfunc_end0:
.L_simem_size_0:
called_computation_lowered:
.L_overlay_start_0:
0x88: {  	s2 =	sld [smem:$0x3FD9]  }
0x89: {  	s3 =	sld [smem:$0x3FFE];
	_ =	sdelay $0x1  }
0x8a: {  	s1 =	srdreg.scid  }
0x8b: {  	s0 =	sand.u32 $0x1, s1  }
0x8c: {  	s17 =	sshll.u32 s0, $0xA;
	s2 =	sadd.s32 s3, s2  }
0x8d: {  	s2 =	sadd.s32 s2, s17  }
0x8e: {  	[smem:$0x3FC6] =	sst s2  }
0x8f: {  	_ = 	snop  }
0x90: {  	s2 =	sld [smem:$0x3FC9]  }
0x91: {  	s18 =	sld [smem:$0x3FD0];
	(tm) =	ssettm $0x1  }
0x92: {  	s4 =	sld [smem:$0x3FFB];
	_ =	sdelay $0x3  }
0x93: {  	_ =	strace s4  }
0x94: {  	s4 =	sld [smem:$0x3FFC];
	_ =	sdelay $0x3  }
0x95: {  	_ =	strace s4  }
0x96: {  	s4 =	sld [smem:$0x3FFD];
	_ =	sdelay $0x3  }
0x97: {  	_ =	strace s4  }
0x98: {  	_ =	strace $0x8FFFFFFF  }
0x99: {  	s19 =	sld [smem:$0x3FDB];
	_ =	sdelay $0x1  }
0x9a: {  	s5 =	simm.s32 $_scs_section_size  }
0x9b: {  	s6 =	simm.s32 $_size__tile_overlayer_lowered;
	s7 =	simm.s32 $_tile_overlayer_lowered  }
0x9c: {  	s22 =	simm.s32 $0x1BFF;
	s21 =	sshll.u32 s7, $0x1;
	s4 =	sadd.s32 s5, s19  }
0x9d: {  	s8 =	simm.s32 $0x0;
	s20 =	sshll.u32 s6, $0x1;
	s6 =	sadd.s32 s21, s4  }
0x9e: {  	[timem:s8], [sflag:s22] =	dma.local [hbm:s6], s20  }
0x9f: {  	_ =	swait.ge [sflag:s22], s20  }
0xa0: {  	s5 =	ssub.s32 $0x0, s20;
	[sflag:s22] =	ssyncset.done $0x0  }
0xa1: {  	[sflag:s22] =	ssyncadd.s32 s5;
	_ =	sdelay $0x1  }
0xa2: {  	s23 =	simm.s32 $0x1B8B  }
0xa3: {  	_ =	swait.ge [sflag:s23], $0x1  }
0xa4: {  	[sflag:s23] =	ssyncset.done $0x0  }
0xa5: {  	s25 =	simm.s32 $0x1B8E;
	s24 =	sld [smem:$0x3FFE];
	[sflag:s23] =	ssyncadd.s32 $0xFFFFFFFF  }
0xa6: {  	s26 =	simm.s32 $execute0_lowered;
	[smem:$0x3FD2] =	sst s25  }
0xa7: {  	s6 =	sshll.u32 s26, $0x1;
	_ =	strace $0x80000046;
	[dreg:$0x1] =	wrdreg $0xFFFFFFFF  }
0xa8: {  	s28 =	simm.s32 $_size_execute0_lowered;
	s4 =	sadd.s32 s4, s6;
	[dreg:$0x0] =	wrdreg $0x0  }
0xa9: {  	s6 =	sshll.u32 s28, $0x1;
	[dreg:$0x2] =	wrdreg s4  }
0xaa: {  	[dreg:$0x3] =	wrdreg s6  }
0xab: {  	[dreg:$0x4] =	wrdreg $0xC0  }
0xac: {  	_ =	task [dreg:s8], $0x5FFFF  }
0xad: {  	[dreg:$0x1] =	wrdreg $0xFFFFFFFF  }
0xae: {  	[dreg:$0x0] =	wrdreg $0x60  }
0xaf: {  	[dreg:$0x2] =	wrdreg s2  }
0xb0: {  	[dreg:$0x3] =	wrdreg s24  }
0xb1: {  	[dreg:$0x4] =	wrdreg s18  }
0xb2: {  	[dreg:$0x5] =	wrdreg $0x9  }
0xb3: {  	_ =	task.clear_ibuf [dreg:s8], $0x6FFFF;
	_ =	strace $0x90000046  }
0xb4: {  	s29 =	simm.s32 $0x9;
	_ =	strace $0x80000048  }
0xb5: {  	_ =	swait.ge [sflag:s29], $0x1  }
0xb6: {  	[sflag:s29] =	ssyncadd.s32 $0xFFFFFFFF  }
0xb7: {  	_ =	strace $0x90000048  }
0xb8: {  	_ =	sfence  }
0xb9: {  	s30 =	sld [smem:$0x0];
	_ =	sdelay $0x2  }
0xba: {  	s31 =	sshll.u32 s1, $0xD;
	s1 =	sshrl.u32 s1, $0x2  }
0xbb: {  	s3 =	sand.u32 $0x4000, s31;
	s1 =	sadd.s32 s1, s30  }
0xbc: {  	s0 =	sor.u32 s3, s0;
	s1 =	sshll.u32 s1, $0x11  }
0xbd: {  	s0 =	sor.u32 s1, s0  }
0xbe: {  	s0 =	sadd.s32 $0x8F2B, s0  }
0xbf: {  	[sflag:s0] =	ssyncadd.remote.s32 $0x1  }
0xc0: {  	_ =	sfence.sel $0xFFFF  }
0xc1: {  	[dreg:$0x0] =	wrdreg $0xFFFFFFFF;
	(pc) =	sbr.abs _section_cstart, $3  }
0xc2: {  	[dreg:$0x1] =	wrdreg $0xFFFFFFFF  }
0xc3: {  	_ =	task.clear_ibuf [dreg:s8], $0x2FFFF;
	_ =	strace $0x9FFFFFFF  }
0xc4: {  	(tm) =	ssettm $0x7FFFFFFF  }
0xc5: {  	_ =	shalt  }
tec
execute0_lowered:
.L_overlay_start_1:
0x0: {  	(tag) =	ssettag $0x1  }
0x1: {  	s0 =	rddreg [dreg:$0x0]  }
0x2: {  	s1 =	rddreg [dreg:$0x1]  }
0x3: {  	s3 =	srdreg.scid;
	s5 =	stileid.u32  }
0x4: {  	s2 =	rddreg [dreg:$0x2];
	s28 =	simm.s32 $0x0;
	s11 =	simm.s32 $0x200  }
0x5: {  	s12 =	simm.s32 $0x400;
	s13 =	simm.s32 $0x1;
	s14 =	simm.s32 $0x4  }
0x6: {  	s15 =	simm.s32 $0x4400;
	s16 =	simm.s32 $0x1000;
	s17 =	simm.s32 $0x20000  }
0x7: {  	s18 =	simm.s32 $0x8400;
	s4 =	sand.u32 $0x1, s3;
	s5 =	sshll.u32 s5, $0x1  }
0x8: {  	s19 =	simm.s32 $0x2;
	s20 =	simm.s32 $0xC400;
	s5 =	sor.u32 s4, s5  }
0x9: {  	s21 =	simm.s32 $0x5;
	s6 =	ssub.s32 $0x2, s4;
	s7 =	smul.u32 $0xC80, s5  }
0xa: {  	s22 =	simm.s32 $0x6;
	s23 =	simm.s32 $0x0;
	s8 =	sshrl.u32 s6, $0x1  }
0xb: {  	[smem:$0x7FF] =	sst s28;
	s29 =	ssub.s32 s6, s8;
	s30 =	sadd.s32 s0, s7  }
0xc: {  	_ =	strace $0x80000047;
	s31 =	smax.u32 s29, $0x1;
	[dreg:$0x4] =	wrdreg s30  }
0xd: {  	v0 =	vlaneseq.u32;
	s4 =	sadd.s32 $0xF42800, s1;
	s3 =	sadd.s32 $0x40, s30;
	[dreg:$0x6] =	wrdreg s31  }
0xe: {  	v0 =	vmul.u32 $0x20, v0;
	s6 =	smul.u32 $0x32, s5;
	s8 =	sadd.s32 $0x80, s0;
	[dreg:$0x5] =	wrdreg s3  }
.LBB2_1:
0xf: {  	s0 =	simm.s32 $0x0;
	s1 =	rddreg [dreg:$0x4];
	s30 =	simm.s32 $0x7  }
0x10: {  	[tilespmem:s0], [sflag:$0x7] =	stream.linear.gather [hbm4b:s1+s0], $0x200, $0x38;
	[tilespmem:$0x10400] =	vst v63  }
0x11: {  	_ =	swait.ge [sflag:s30], $0x200  }
0x12: {  	[sflag:s30] =	ssyncset.done $0x0  }
0x13: {  	s31 =	rddreg [dreg:$0x5];
	[sflag:s30] =	ssyncadd.s32 $0xFFFFFE00  }
0x14: {  	[tilespmem:s11], [sflag:$0x4] =	stream.linear.gather [hbm4b:s31+s0], $0x200, $0x38;
	[tilespmem:$0x10400] =	vst v63  }
0x15: {  	s24 =	simm.s32 $0x0  }
0x16: {  	[tilespmem:s12], [sflag:$0x1] =	stream.indirect.gather [hbm4b:s4+s11], $0x20, s0, s11, $0xb8;
	[tilespmem:$0x10400] =	vst v63  }
.LBB2_2:
0x17: {  	s7 =	sshll.u32 s24, $0x1  }
0x18: {  	_ =	swait.ge [sflag:s13], $0x4000;
	p0 =	seq.s32 s24, $0x18;
	s25 =	sadd.s32 s6, s7  }
0x19: {  	s5 =	simm.s32 $0x0;
	[sflag:s13] =	ssyncset.done $0x0;
	s0 =	sshll.u32 @!p0 s25, $0x6  }
0x1a: {  	s1 =	simm.s32 @!p0 $0x0;
	[sflag:s13] =	ssyncadd.s32 $0xFFFFC000;
	s0 =	sadd.s32 @!p0 s0, s8  }
0x1b: {  	[tilespmem:s1], [sflag:$0x3] =	stream.linear.gather @!p0 [hbm4b:s0+s1], $0x200, $0x38;
	[tilespmem:$0x10400] =	vst v63  }
0x1c: {  	v1 =	vmov s5;
	_ =	swait.ge [sflag:s14], $0x200  }
0x1d: {  	p1 =	seq.s32 s24, $0x0;
	v1 =	vshll.u32 v1, $0x5;
	[sflag:s14] =	ssyncset.done $0x0  }
0x1e: {  	v7 =	vor.u32 v0, v1;
	s1 =	simm.s32 @!p1 $0x5;
	[sflag:s14] =	ssyncadd.s32 $0xFFFFFE00  }
0x1f: {  	[tilespmem:s15], [sflag:$0x2] =	stream.indirect.gather [hbm4b:s4+s11], $0x20, s11, s11, $0xb8;
	[tilespmem:$0x10400] =	vst v63  }
0x20: {  	_ =	swait.ge @!p1 [sflag:s1], $0x4000  }
0x21: {  	[sflag:s1] =	ssyncset.done @!p1 $0x0  }
0x22: {  	[sflag:s1] =	ssyncadd.s32 @!p1 $0xFFFFC000  }
0x23: {  	v1 =	vld.idx.msk [tilespmem:v7+s12+$0x0], $0xffff  }
0x24: {  	v2 =	vor.u32 $0x1, v7;
	_ =	sdelay $0x1  }
0x25: {  	s9 =	sand.u32 $0x70, s5;
	s0 =	sand.u32 $0xC00, s5  }
0x26: {  	s31 =	sor.u32 s9, s0  }
0x27: {  	[tilespmem:s31+$0x8400] =	vst v1  }
0x28: {  	v1 =	vld.idx.msk [tilespmem:v2+s12+$0x0], $0xffff  }
0x29: {  	v2 =	vor.u32 $0x2, v7;
	_ =	sdelay $0x3  }
0x2a: {  	[tilespmem:s31+$0x8480] =	vst v1  }
0x2b: {  	v1 =	vld.idx.msk [tilespmem:v2+s12+$0x0], $0xffff  }
0x2c: {  	v2 =	vor.u32 $0x3, v7;
	_ =	sdelay $0x3  }
0x2d: {  	[tilespmem:s31+$0x8500] =	vst v1  }
0x2e: {  	v1 =	vld.idx.msk [tilespmem:v2+s12+$0x0], $0xffff  }
0x2f: {  	s10 =	simm.s32 $0x10;
	v2 =	vor.u32 $0x4, v7  }
0x30: {  	v3 =	vmov s10  }
0x31: {  	v3 =	vshll.u32 v3, $0x5  }
0x32: {  	v3 =	vor.u32 v0, v3  }
0x33: {  	[tilespmem:s31+$0x8580] =	vst v1  }
0x34: {  	v1 =	vld.idx.msk [tilespmem:v2+s12+$0x0], $0xffff  }
0x35: {  	v2 =	vor.u32 $0x5, v7;
	_ =	sdelay $0x1  }
0x36: {  	v4 =	vld.idx.msk [tilespmem:v3+s12+$0x0], $0xffff  }
0x37: {  	v5 =	vor.u32 $0x1, v3  }
0x38: {  	s26 =	simm.s32 $0x80;
	[tilespmem:s31+$0x8600] =	vst v1  }
0x39: {  	s0 =	sand.u32 $0x70, s10;
	s1 =	sand.u32 $0xC00, s26;
	v1 =	vld.idx.msk [tilespmem:v2+s12+$0x0], $0xffff  }
0x3a: {  	s28 =	sor.u32 s0, s1;
	v2 =	vor.u32 $0x6, v7  }
0x3b: {  	[tilespmem:s28+$0x8400] =	vst v4  }
0x3c: {  	v4 =	vld.idx.msk [tilespmem:v5+s12+$0x0], $0xffff  }
0x3d: {  	v5 =	vor.u32 $0x2, v3  }
0x3e: {  	[tilespmem:s31+$0x8680] =	vst v1  }
0x3f: {  	v1 =	vld.idx.msk [tilespmem:v2+s12+$0x0], $0xffff  }
0x40: {  	v2 =	vor.u32 $0x7, v7  }
0x41: {  	[tilespmem:s28+$0x8480] =	vst v4  }
0x42: {  	v4 =	vld.idx.msk [tilespmem:v5+s12+$0x0], $0xffff  }
0x43: {  	v5 =	vor.u32 $0x3, v3  }
0x44: {  	[tilespmem:s31+$0x8700] =	vst v1  }
0x45: {  	v1 =	vld.idx.msk [tilespmem:v2+s12+$0x0], $0xffff  }
0x46: {  	v2 =	vor.u32 $0x8, v7  }
0x47: {  	[tilespmem:s28+$0x8500] =	vst v4  }
0x48: {  	v4 =	vld.idx.msk [tilespmem:v5+s12+$0x0], $0xffff  }
0x49: {  	v5 =	vor.u32 $0x4, v3  }
0x4a: {  	s3 =	simm.s32 $0x20;
	[tilespmem:s31+$0x8780] =	vst v1  }
0x4b: {  	v1 =	vmov s3;
	v2 =	vld.idx.msk [tilespmem:v2+s12+$0x0], $0xffff  }
0x4c: {  	v6 =	vor.u32 $0x9, v7;
	v1 =	vshll.u32 v1, $0x5  }
0x4d: {  	[tilespmem:s28+$0x8580] =	vst v4;
	v1 =	vor.u32 v0, v1  }
0x4e: {  	v4 =	vld.idx.msk [tilespmem:v5+s12+$0x0], $0xffff  }
0x4f: {  	v5 =	vor.u32 $0x5, v3  }
0x50: {  	[tilespmem:s31+$0x9400] =	vst v2  }
0x51: {  	v2 =	vld.idx.msk [tilespmem:v6+s12+$0x0], $0xffff  }
0x52: {  	v8 =	vor.u32 $0xA, v7;
	v6 =	vld.idx.msk [tilespmem:v1+s12+$0x0], $0xffff  }
0x53: {  	[tilespmem:s28+$0x8600] =	vst v4;
	v9 =	vor.u32 $0x1, v1  }
0x54: {  	s5 =	simm.s32 $0x100;
	v4 =	vld.idx.msk [tilespmem:v5+s12+$0x0], $0xffff  }
0x55: {  	s0 =	sand.u32 $0x70, s3;
	s1 =	sand.u32 $0xC00, s5;
	v5 =	vor.u32 $0x6, v3  }
0x56: {  	s26 =	sor.u32 s0, s1;
	[tilespmem:s31+$0x9480] =	vst v2  }
0x57: {  	[tilespmem:s26+$0x8400] =	vst v6;
	v2 =	vld.idx.msk [tilespmem:v8+s12+$0x0], $0xffff  }
0x58: {  	v6 =	vld.idx.msk [tilespmem:v9+s12+$0x0], $0xffff;
	v8 =	vor.u32 $0xB, v7  }
0x59: {  	[tilespmem:s28+$0x8680] =	vst v4;
	v9 =	vor.u32 $0x2, v1  }
0x5a: {  	v4 =	vld.idx.msk [tilespmem:v5+s12+$0x0], $0xffff  }
0x5b: {  	v5 =	vor.u32 $0x7, v3  }
0x5c: {  	[tilespmem:s31+$0x9500] =	vst v2  }
0x5d: {  	[tilespmem:s26+$0x8480] =	vst v6;
	v2 =	vld.idx.msk [tilespmem:v8+s12+$0x0], $0xffff  }
0x5e: {  	v6 =	vld.idx.msk [tilespmem:v9+s12+$0x0], $0xffff;
	v8 =	vor.u32 $0xC, v7  }
0x5f: {  	[tilespmem:s28+$0x8700] =	vst v4;
	v9 =	vor.u32 $0x3, v1  }
0x60: {  	v4 =	vld.idx.msk [tilespmem:v5+s12+$0x0], $0xffff  }
0x61: {  	v5 =	vor.u32 $0x8, v3  }
0x62: {  	[tilespmem:s31+$0x9580] =	vst v2  }
0x63: {  	[tilespmem:s26+$0x8500] =	vst v6;
	v2 =	vld.idx.msk [tilespmem:v8+s12+$0x0], $0xffff  }
0x64: {  	v6 =	vld.idx.msk [tilespmem:v9+s12+$0x0], $0xffff;
	v8 =	vor.u32 $0xD, v7  }
0x65: {  	s9 =	simm.s32 $0x30;
	[tilespmem:s28+$0x8780] =	vst v4;
	v9 =	vor.u32 $0x4, v1  }
0x66: {  	v4 =	vld.idx.msk [tilespmem:v5+s12+$0x0], $0xffff;
	v5 =	vmov s9  }
0x67: {  	v10 =	vor.u32 $0x9, v3;
	v5 =	vshll.u32 v5, $0x5  }
0x68: {  	[tilespmem:s31+$0x9600] =	vst v2;
	v2 =	vor.u32 v0, v5  }
0x69: {  	[tilespmem:s26+$0x8580] =	vst v6;
	v5 =	vld.idx.msk [tilespmem:v8+s12+$0x0], $0xffff  }
0x6a: {  	v6 =	vld.idx.msk [tilespmem:v9+s12+$0x0], $0xffff;
	v8 =	vor.u32 $0xE, v7  }
0x6b: {  	[tilespmem:s28+$0x9400] =	vst v4;
	v9 =	vor.u32 $0x5, v1  }
0x6c: {  	v4 =	vld.idx.msk [tilespmem:v10+s12+$0x0], $0xffff  }
0x6d: {  	v11 =	vor.u32 $0xA, v3;
	v10 =	vld.idx.msk [tilespmem:v2+s12+$0x0], $0xffff  }
0x6e: {  	[tilespmem:s31+$0x9680] =	vst v5;
	v5 =	vor.u32 $0x1, v2  }
0x6f: {  	s10 =	simm.s32 $0x180;
	[tilespmem:s26+$0x8600] =	vst v6;
	v6 =	vld.idx.msk [tilespmem:v8+s12+$0x0], $0xffff  }
0x70: {  	s0 =	sand.u32 $0x70, s9;
	s1 =	sand.u32 $0xC00, s10;
	v8 =	vld.idx.msk [tilespmem:v9+s12+$0x0], $0xffff;
	v9 =	vor.u32 $0xF, v7  }
0x71: {  	s29 =	sor.u32 s0, s1;
	v12 =	vor.u32 $0x6, v1;
	[tilespmem:s28+$0x9480] =	vst v4  }
0x72: {  	v4 =	vld.idx.msk [tilespmem:v11+s12+$0x0], $0xffff;
	[tilespmem:s29+$0x8400] =	vst v10  }
0x73: {  	v10 =	vor.u32 $0xB, v3;
	v5 =	vld.idx.msk [tilespmem:v5+s12+$0x0], $0xffff  }
0x74: {  	[tilespmem:s31+$0x9700] =	vst v6;
	v6 =	vor.u32 $0x2, v2  }
0x75: {  	[tilespmem:s26+$0x8680] =	vst v8;
	v8 =	vld.idx.msk [tilespmem:v9+s12+$0x0], $0xffff  }
0x76: {  	v11 =	vor.u32 $0x10, v7;
	v9 =	vld.idx.msk [tilespmem:v12+s12+$0x0], $0xffff  }
0x77: {  	[tilespmem:s28+$0x9500] =	vst v4;
	v12 =	vor.u32 $0x7, v1  }
0x78: {  	v4 =	vld.idx.msk [tilespmem:v10+s12+$0x0], $0xffff;
	[tilespmem:s29+$0x8480] =	vst v5  }
0x79: {  	v5 =	vld.idx.msk [tilespmem:v6+s12+$0x0], $0xffff;
	v6 =	vor.u32 $0xC, v3  }
0x7a: {  	[tilespmem:s31+$0x9780] =	vst v8;
	v8 =	vor.u32 $0x3, v2  }
0x7b: {  	[tilespmem:s26+$0x8700] =	vst v9;
	v9 =	vld.idx.msk [tilespmem:v11+s12+$0x0], $0xffff  }
0x7c: {  	v10 =	vld.idx.msk [tilespmem:v12+s12+$0x0], $0xffff;
	v11 =	vor.u32 $0x11, v7  }
0x7d: {  	v12 =	vor.u32 $0x8, v1;
	[tilespmem:s28+$0x9580] =	vst v4  }
0x7e: {  	[tilespmem:s29+$0x8500] =	vst v5;
	v4 =	vld.idx.msk [tilespmem:v6+s12+$0x0], $0xffff  }
0x7f: {  	v6 =	vor.u32 $0xD, v3;
	v5 =	vld.idx.msk [tilespmem:v8+s12+$0x0], $0xffff  }
0x80: {  	v8 =	vor.u32 $0x4, v2;
	[tilespmem:s31+$0xA400] =	vst v9  }
0x81: {  	s1 =	simm.s32 $0x40;
	[tilespmem:s26+$0x8780] =	vst v10;
	v9 =	vld.idx.msk [tilespmem:v11+s12+$0x0], $0xffff  }
0x82: {  	v10 =	vld.idx.msk [tilespmem:v12+s12+$0x0], $0xffff;
	v11 =	vmov s1;
	v12 =	vor.u32 $0x12, v7  }
0x83: {  	v13 =	vor.u32 $0x9, v1;
	v11 =	vshll.u32 v11, $0x5;
	[tilespmem:s28+$0x9600] =	vst v4  }
0x84: {  	v4 =	vor.u32 v0, v11;
	[tilespmem:s29+$0x8580] =	vst v5;
	v5 =	vld.idx.msk [tilespmem:v6+s12+$0x0], $0xffff  }
0x85: {  	v6 =	vld.idx.msk [tilespmem:v8+s12+$0x0], $0xffff;
	v8 =	vor.u32 $0xE, v3  }
0x86: {  	[tilespmem:s31+$0xA480] =	vst v9;
	v9 =	vor.u32 $0x5, v2  }
0x87: {  	[tilespmem:s26+$0x9400] =	vst v10;
	v10 =	vld.idx.msk [tilespmem:v12+s12+$0x0], $0xffff  }
0x88: {  	v11 =	vld.idx.msk [tilespmem:v13+s12+$0x0], $0xffff;
	v12 =	vor.u32 $0x13, v7  }
0x89: {  	v14 =	vor.u32 $0xA, v1;
	v13 =	vld.idx.msk [tilespmem:v4+s12+$0x0], $0xffff;
	[tilespmem:s28+$0x9680] =	vst v5  }
0x8a: {  	v5 =	vor.u32 $0x1, v4;
	[tilespmem:s29+$0x8600] =	vst v6;
	v6 =	vld.idx.msk [tilespmem:v8+s12+$0x0], $0xffff  }
0x8b: {  	s3 =	simm.s32 $0x200;
	v8 =	vld.idx.msk [tilespmem:v9+s12+$0x0], $0xffff;
	v9 =	vor.u32 $0xF, v3  }
0x8c: {  	s0 =	sand.u32 $0x70, s1;
	s1 =	sand.u32 $0xC00, s3;
	[tilespmem:s31+$0xA500] =	vst v10;
	v10 =	vor.u32 $0x6, v2  }
0x8d: {  	s30 =	sor.u32 s0, s1;
	[tilespmem:s26+$0x9480] =	vst v11;
	v11 =	vld.idx.msk [tilespmem:v12+s12+$0x0], $0xffff  }
0x8e: {  	[tilespmem:s30+$0x8400] =	vst v13;
	v12 =	vld.idx.msk [tilespmem:v14+s12+$0x0], $0xffff;
	v13 =	vor.u32 $0x14, v7  }
0x8f: {  	v14 =	vor.u32 $0xB, v1;
	v5 =	vld.idx.msk [tilespmem:v5+s12+$0x0], $0xffff;
	[tilespmem:s28+$0x9700] =	vst v6  }
0x90: {  	v6 =	vor.u32 $0x2, v4;
	[tilespmem:s29+$0x8680] =	vst v8;
	v8 =	vld.idx.msk [tilespmem:v9+s12+$0x0], $0xffff  }
0x91: {  	v9 =	vld.idx.msk [tilespmem:v10+s12+$0x0], $0xffff;
	v10 =	vor.u32 $0x10, v3  }
0x92: {  	[tilespmem:s31+$0xA580] =	vst v11;
	v11 =	vor.u32 $0x7, v2  }
0x93: {  	[tilespmem:s26+$0x9500] =	vst v12;
	v12 =	vld.idx.msk [tilespmem:v13+s12+$0x0], $0xffff  }
0x94: {  	[tilespmem:s30+$0x8480] =	vst v5;
	v5 =	vld.idx.msk [tilespmem:v14+s12+$0x0], $0xffff;
	v13 =	vor.u32 $0x15, v7  }
0x95: {  	v14 =	vor.u32 $0xC, v1;
	v6 =	vld.idx.msk [tilespmem:v6+s12+$0x0], $0xffff;
	[tilespmem:s28+$0x9780] =	vst v8  }
0x96: {  	v8 =	vor.u32 $0x3, v4;
	[tilespmem:s29+$0x8700] =	vst v9;
	v9 =	vld.idx.msk [tilespmem:v10+s12+$0x0], $0xffff  }
0x97: {  	v10 =	vld.idx.msk [tilespmem:v11+s12+$0x0], $0xffff;
	v11 =	vor.u32 $0x11, v3  }
0x98: {  	[tilespmem:s31+$0xA600] =	vst v12;
	v12 =	vor.u32 $0x8, v2  }
0x99: {  	[tilespmem:s26+$0x9580] =	vst v5;
	v5 =	vld.idx.msk [tilespmem:v13+s12+$0x0], $0xffff  }
0x9a: {  	[tilespmem:s30+$0x8500] =	vst v6;
	v6 =	vld.idx.msk [tilespmem:v14+s12+$0x0], $0xffff;
	v13 =	vor.u32 $0x16, v7  }
0x9b: {  	v14 =	vor.u32 $0xD, v1;
	v8 =	vld.idx.msk [tilespmem:v8+s12+$0x0], $0xffff;
	[tilespmem:s28+$0xA400] =	vst v9  }
0x9c: {  	s5 =	simm.s32 $0x50;
	v9 =	vor.u32 $0x4, v4;
	[tilespmem:s29+$0x8780] =	vst v10;
	v10 =	vld.idx.msk [tilespmem:v11+s12+$0x0], $0xffff  }
0x9d: {  	v15 =	vor.u32 $0x12, v3;
	v11 =	vld.idx.msk [tilespmem:v12+s12+$0x0], $0xffff;
	v12 =	vmov s5  }
0x9e: {  	[tilespmem:s31+$0xA680] =	vst v5;
	v5 =	vshll.u32 v12, $0x5;
	v12 =	vor.u32 $0x9, v2  }
0x9f: {  	[tilespmem:s26+$0x9600] =	vst v6;
	v6 =	vld.idx.msk [tilespmem:v13+s12+$0x0], $0xffff;
	v5 =	vor.u32 v0, v5  }
0xa0: {  	[tilespmem:s30+$0x8580] =	vst v8;
	v8 =	vld.idx.msk [tilespmem:v14+s12+$0x0], $0xffff;
	v13 =	vor.u32 $0x17, v7  }
0xa1: {  	v14 =	vor.u32 $0xE, v1;
	v9 =	vld.idx.msk [tilespmem:v9+s12+$0x0], $0xffff;
	[tilespmem:s28+$0xA480] =	vst v10  }
0xa2: {  	v10 =	vor.u32 $0x5, v4;
	[tilespmem:s29+$0x9400] =	vst v11;
	v11 =	vld.idx.msk [tilespmem:v15+s12+$0x0], $0xffff  }
0xa3: {  	v15 =	vor.u32 $0x13, v3;
	v12 =	vld.idx.msk [tilespmem:v12+s12+$0x0], $0xffff  }
0xa4: {  	v16 =	vld.idx.msk [tilespmem:v5+s12+$0x0], $0xffff;
	[tilespmem:s31+$0xA700] =	vst v6;
	v6 =	vor.u32 $0xA, v2  }
0xa5: {  	[tilespmem:s26+$0x9680] =	vst v8;
	v8 =	vld.idx.msk [tilespmem:v13+s12+$0x0], $0xffff;
	v13 =	vor.u32 $0x1, v5  }
0xa6: {  	s9 =	simm.s32 $0x280;
	[tilespmem:s30+$0x8600] =	vst v9;
	v9 =	vld.idx.msk [tilespmem:v14+s12+$0x0], $0xffff;
	v14 =	vor.u32 $0x18, v7  }
0xa7: {  	v17 =	vor.u32 $0xF, v1;
	s0 =	sand.u32 $0x70, s5;
	s1 =	sand.u32 $0xC00, s9;
	v10 =	vld.idx.msk [tilespmem:v10+s12+$0x0], $0xffff;
	[tilespmem:s28+$0xA500] =	vst v11  }
0xa8: {  	s1 =	sor.u32 s0, s1;
	v11 =	vor.u32 $0x6, v4;
	[tilespmem:s29+$0x9480] =	vst v12;
	v12 =	vld.idx.msk [tilespmem:v15+s12+$0x0], $0xffff  }
0xa9: {  	v15 =	vor.u32 $0x14, v3;
	[tilespmem:s1+$0x8400] =	vst v16;
	v6 =	vld.idx.msk [tilespmem:v6+s12+$0x0], $0xffff  }
0xaa: {  	v13 =	vld.idx.msk [tilespmem:v13+s12+$0x0], $0xffff;
	[tilespmem:s31+$0xA780] =	vst v8;
	v8 =	vor.u32 $0xB, v2  }
0xab: {  	[tilespmem:s26+$0x9700] =	vst v9;
	v9 =	vld.idx.msk [tilespmem:v14+s12+$0x0], $0xffff;
	v14 =	vor.u32 $0x2, v5  }
0xac: {  	v16 =	vor.u32 $0x19, v7;
	[tilespmem:s30+$0x8680] =	vst v10;
	v10 =	vld.idx.msk [tilespmem:v17+s12+$0x0], $0xffff  }
0xad: {  	v17 =	vor.u32 $0x10, v1;
	v11 =	vld.idx.msk [tilespmem:v11+s12+$0x0], $0xffff;
	[tilespmem:s28+$0xA580] =	vst v12  }
0xae: {  	v12 =	vor.u32 $0x7, v4;
	[tilespmem:s29+$0x9500] =	vst v6;
	v6 =	vld.idx.msk [tilespmem:v15+s12+$0x0], $0xffff  }
0xaf: {  	[tilespmem:s1+$0x8480] =	vst v13;
	v8 =	vld.idx.msk [tilespmem:v8+s12+$0x0], $0xffff;
	v13 =	vor.u32 $0x15, v3  }
0xb0: {  	v14 =	vld.idx.msk [tilespmem:v14+s12+$0x0], $0xffff;
	[tilespmem:s31+$0xB400] =	vst v9;
	v9 =	vor.u32 $0xC, v2  }
0xb1: {  	v15 =	vor.u32 $0x3, v5;
	[tilespmem:s26+$0x9780] =	vst v10;
	v10 =	vld.idx.msk [tilespmem:v16+s12+$0x0], $0xffff  }
0xb2: {  	[tilespmem:s30+$0x8700] =	vst v11;
	v11 =	vld.idx.msk [tilespmem:v17+s12+$0x0], $0xffff;
	v16 =	vor.u32 $0x1A, v7  }
0xb3: {  	v17 =	vor.u32 $0x11, v1;
	v12 =	vld.idx.msk [tilespmem:v12+s12+$0x0], $0xffff;
	[tilespmem:s28+$0xA600] =	vst v6  }
0xb4: {  	v6 =	vor.u32 $0x8, v4;
	[tilespmem:s29+$0x9580] =	vst v8;
	v8 =	vld.idx.msk [tilespmem:v13+s12+$0x0], $0xffff  }
0xb5: {  	v13 =	vor.u32 $0x16, v3;
	[tilespmem:s1+$0x8500] =	vst v14;
	v9 =	vld.idx.msk [tilespmem:v9+s12+$0x0], $0xffff  }
0xb6: {  	v14 =	vld.idx.msk [tilespmem:v15+s12+$0x0], $0xffff;
	[tilespmem:s31+$0xB480] =	vst v10;
	v10 =	vor.u32 $0xD, v2  }
0xb7: {  	[tilespmem:s26+$0xA400] =	vst v11;
	v15 =	vor.u32 $0x4, v5;
	v11 =	vld.idx.msk [tilespmem:v16+s12+$0x0], $0xffff  }
0xb8: {  	s10 =	simm.s32 $0x60;
	[tilespmem:s30+$0x8780] =	vst v12;
	v12 =	vld.idx.msk [tilespmem:v17+s12+$0x0], $0xffff;
	v16 =	vor.u32 $0x1B, v7  }
0xb9: {  	v18 =	vor.u32 $0x12, v1;
	v17 =	vld.idx.msk [tilespmem:v6+s12+$0x0], $0xffff;
	v6 =	vmov s10;
	[tilespmem:s28+$0xA680] =	vst v8  }
0xba: {  	v6 =	vshll.u32 v6, $0x5;
	v8 =	vor.u32 $0x9, v4;
	[tilespmem:s29+$0x9600] =	vst v9;
	v9 =	vld.idx.msk [tilespmem:v13+s12+$0x0], $0xffff  }
0xbb: {  	v6 =	vor.u32 v0, v6;
	[tilespmem:s1+$0x8580] =	vst v14;
	v10 =	vld.idx.msk [tilespmem:v10+s12+$0x0], $0xffff  }
0xbc: {  	v14 =	vor.u32 $0x17, v3;
	v13 =	vld.idx.msk [tilespmem:v15+s12+$0x0], $0xffff;
	[tilespmem:s31+$0xB500] =	vst v11  }
0xbd: {  	v11 =	vor.u32 $0xE, v2;
	[tilespmem:s26+$0xA480] =	vst v12;
	v12 =	vld.idx.msk [tilespmem:v16+s12+$0x0], $0xffff  }
0xbe: {  	v15 =	vor.u32 $0x5, v5;
	[tilespmem:s30+$0x9400] =	vst v17;
	v16 =	vld.idx.msk [tilespmem:v18+s12+$0x0], $0xffff  }
0xbf: {  	v17 =	vor.u32 $0x1C, v7;
	v8 =	vld.idx.msk [tilespmem:v8+s12+$0x0], $0xffff  }
0xc0: {  	v19 =	vor.u32 $0x13, v1;
	v18 =	vld.idx.msk [tilespmem:v6+s12+$0x0], $0xffff;
	[tilespmem:s28+$0xA700] =	vst v9  }
0xc1: {  	v9 =	vor.u32 $0xA, v4;
	[tilespmem:s29+$0x9680] =	vst v10;
	v10 =	vld.idx.msk [tilespmem:v14+s12+$0x0], $0xffff  }
0xc2: {  	v14 =	vor.u32 $0x1, v6;
	[tilespmem:s1+$0x8600] =	vst v13;
	v11 =	vld.idx.msk [tilespmem:v11+s12+$0x0], $0xffff  }
0xc3: {  	s5 =	simm.s32 $0x300;
	v13 =	vld.idx.msk [tilespmem:v15+s12+$0x0], $0xffff;
	v15 =	vor.u32 $0x18, v3;
	[tilespmem:s31+$0xB580] =	vst v12  }
0xc4: {  	s0 =	sand.u32 $0x70, s10;
	s5 =	sand.u32 $0xC00, s5;
	v12 =	vor.u32 $0xF, v2;
	[tilespmem:s26+$0xA500] =	vst v16;
	v16 =	vld.idx.msk [tilespmem:v17+s12+$0x0], $0xffff  }
0xc5: {  	s0 =	sor.u32 s0, s5;
	v17 =	vor.u32 $0x6, v5;
	[tilespmem:s30+$0x9480] =	vst v8;
	v8 =	vld.idx.msk [tilespmem:v19+s12+$0x0], $0xffff  }
0xc6: {  	[tilespmem:s0+$0x8400] =	vst v18;
	v9 =	vld.idx.msk [tilespmem:v9+s12+$0x0], $0xffff;
	v18 =	vor.u32 $0x1D, v7  }
0xc7: {  	v19 =	vor.u32 $0x14, v1;
	v14 =	vld.idx.msk [tilespmem:v14+s12+$0x0], $0xffff;
	[tilespmem:s28+$0xA780] =	vst v10  }
0xc8: {  	v10 =	vor.u32 $0xB, v4;
	[tilespmem:s29+$0x9700] =	vst v11;
	v11 =	vld.idx.msk [tilespmem:v15+s12+$0x0], $0xffff  }
0xc9: {  	v15 =	vor.u32 $0x2, v6;
	[tilespmem:s1+$0x8680] =	vst v13;
	v12 =	vld.idx.msk [tilespmem:v12+s12+$0x0], $0xffff  }
0xca: {  	v13 =	vld.idx.msk [tilespmem:v17+s12+$0x0], $0xffff;
	v17 =	vor.u32 $0x19, v3;
	[tilespmem:s31+$0xB600] =	vst v16  }
0xcb: {  	v16 =	vor.u32 $0x10, v2;
	[tilespmem:s26+$0xA580] =	vst v8;
	v8 =	vld.idx.msk [tilespmem:v18+s12+$0x0], $0xffff  }
0xcc: {  	v18 =	vor.u32 $0x7, v5;
	[tilespmem:s30+$0x9500] =	vst v9;
	v9 =	vld.idx.msk [tilespmem:v19+s12+$0x0], $0xffff  }
0xcd: {  	[tilespmem:s0+$0x8480] =	vst v14;
	v10 =	vld.idx.msk [tilespmem:v10+s12+$0x0], $0xffff;
	v14 =	vor.u32 $0x1E, v7  }
0xce: {  	v19 =	vor.u32 $0x15, v1;
	v15 =	vld.idx.msk [tilespmem:v15+s12+$0x0], $0xffff;
	[tilespmem:s28+$0xB400] =	vst v11  }
0xcf: {  	v11 =	vor.u32 $0xC, v4;
	[tilespmem:s29+$0x9780] =	vst v12;
	v12 =	vld.idx.msk [tilespmem:v17+s12+$0x0], $0xffff  }
0xd0: {  	v17 =	vor.u32 $0x3, v6;
	[tilespmem:s1+$0x8700] =	vst v13;
	v13 =	vld.idx.msk [tilespmem:v16+s12+$0x0], $0xffff  }
0xd1: {  	v16 =	vld.idx.msk [tilespmem:v18+s12+$0x0], $0xffff;
	v18 =	vor.u32 $0x1A, v3;
	[tilespmem:s31+$0xB680] =	vst v8  }
0xd2: {  	v8 =	vor.u32 $0x11, v2;
	[tilespmem:s26+$0xA600] =	vst v9;
	v9 =	vld.idx.msk [tilespmem:v14+s12+$0x0], $0xffff  }
0xd3: {  	v20 =	vor.u32 $0x8, v5;
	[tilespmem:s30+$0x9580] =	vst v10;
	v19 =	vld.idx.msk [tilespmem:v19+s12+$0x0], $0xffff  }
0xd4: {  	v21 =	vor.u32 $0x1F, v7;
	[tilespmem:s0+$0x8500] =	vst v15;
	v14 =	vld.idx.msk [tilespmem:v11+s12+$0x0], $0xffff  }
0xd5: {  	v10 =	vor.u32 $0x16, v1;
	v17 =	vld.idx.msk [tilespmem:v17+s12+$0x0], $0xffff;
	[tilespmem:s28+$0xB480] =	vst v12  }
0xd6: {  	v15 =	vor.u32 $0xD, v4;
	[tilespmem:s29+$0xA400] =	vst v13;
	v11 =	vld.idx.msk [tilespmem:v18+s12+$0x0], $0xffff  }
0xd7: {  	[tilespmem:s1+$0x8780] =	vst v16;
	v12 =	vld.idx.msk [tilespmem:v8+s12+$0x0], $0xffff;
	v18 =	vor.u32 $0x4, v6  }
0xd8: {  	s9 =	simm.s32 $0x70;
	v8 =	vor.u32 $0x1B, v3;
	v16 =	vld.idx.msk [tilespmem:v20+s12+$0x0], $0xffff;
	[tilespmem:s31+$0xB700] =	vst v9  }
0xd9: {  	s7 =	sor.u32 $0x1, s7;
	s5 =	simm.s32 $0x380;
	s10 =	simm.s32 $0x400;
	v7 =	vmov s9;
	v9 =	vor.u32 $0x12, v2;
	[tilespmem:s26+$0xA680] =	vst v19;
	v13 =	vld.idx.msk [tilespmem:v21+s12+$0x0], $0xffff  }
.LBB2_3:
0xda: {  	p1 =	sne.s32 s10, $0xF80;
	v7 =	vshll.u32 v7, $0x5;
	v19 =	vor.u32 $0x9, v5;
	[tilespmem:s30+$0x9600] =	vst v14;
	v10 =	vld.idx.msk [tilespmem:v10+s12+$0x0], $0xffff  }
0xdb: {  	v7 =	vor.u32 v0, v7;
	[tilespmem:s0+$0x8580] =	vst v17;
	v14 =	vld.idx.msk [tilespmem:v15+s12+$0x0], $0xffff  }
0xdc: {  	v17 =	vor.u32 $0x17, v1;
	v15 =	vld.idx.msk [tilespmem:v18+s12+$0x0], $0xffff;
	[tilespmem:s28+$0xB500] =	vst v11  }
0xdd: {  	v11 =	vor.u32 $0xE, v4;
	[tilespmem:s29+$0xA480] =	vst v12;
	v8 =	vld.idx.msk [tilespmem:v8+s12+$0x0], $0xffff  }
0xde: {  	v12 =	vor.u32 $0x5, v6;
	[tilespmem:s1+$0x9400] =	vst v16;
	v9 =	vld.idx.msk [tilespmem:v9+s12+$0x0], $0xffff  }
0xdf: {  	v18 =	vor.u32 $0x1C, v3;
	v16 =	vld.idx.msk [tilespmem:v19+s12+$0x0], $0xffff;
	[tilespmem:s31+$0xB780] =	vst v13;
	s31 =	smov.u32 s28;
	s28 =	smov.u32 s26;
	s26 =	smov.u32 s29  }
0xe0: {  	v19 =	vor.u32 $0x13, v2;
	s29 =	smov.u32 s30;
	s30 =	smov.u32 s1;
	s1 =	smov.u32 s0;
	v13 =	vld.idx.msk [tilespmem:v7+s12+$0x0], $0xffff;
	[tilespmem:s28+$0xA700] =	vst v10  }
0xe1: {  	v10 =	vor.u32 $0xA, v5;
	[tilespmem:s29+$0x9680] =	vst v14;
	v14 =	vld.idx.msk [tilespmem:v17+s12+$0x0], $0xffff  }
0xe2: {  	v17 =	vor.u32 $0x1, v7;
	[tilespmem:s1+$0x8600] =	vst v15;
	v11 =	vld.idx.msk [tilespmem:v11+s12+$0x0], $0xffff  }
0xe3: {  	v15 =	vor.u32 $0x18, v1;
	v12 =	vld.idx.msk [tilespmem:v12+s12+$0x0], $0xffff;
	[tilespmem:s31+$0xB580] =	vst v8  }
0xe4: {  	s3 =	sand.u32 $0xC00, s5;
	s5 =	smov.u32 s10;
	s0 =	sand.u32 $0x70, s9;
	v8 =	vor.u32 $0xF, v4;
	[tilespmem:s26+$0xA500] =	vst v9;
	v9 =	vld.idx.msk [tilespmem:v18+s12+$0x0], $0xffff  }
0xe5: {  	s0 =	sor.u32 s0, s3;
	v18 =	vor.u32 $0x6, v6;
	[tilespmem:s30+$0x9480] =	vst v16;
	v16 =	vld.idx.msk [tilespmem:v19+s12+$0x0], $0xffff  }
0xe6: {  	[tilespmem:s0+$0x8400] =	vst v13;
	v10 =	vld.idx.msk [tilespmem:v10+s12+$0x0], $0xffff;
	v13 =	vor.u32 $0x1D, v3  }
0xe7: {  	v19 =	vor.u32 $0x14, v2;
	v17 =	vld.idx.msk [tilespmem:v17+s12+$0x0], $0xffff;
	[tilespmem:s28+$0xA780] =	vst v14  }
0xe8: {  	v14 =	vor.u32 $0xB, v5;
	[tilespmem:s29+$0x9700] =	vst v11;
	v11 =	vld.idx.msk [tilespmem:v15+s12+$0x0], $0xffff  }
0xe9: {  	v15 =	vor.u32 $0x2, v7;
	[tilespmem:s1+$0x8680] =	vst v12;
	v8 =	vld.idx.msk [tilespmem:v8+s12+$0x0], $0xffff  }
0xea: {  	v12 =	vld.idx.msk [tilespmem:v18+s12+$0x0], $0xffff;
	v18 =	vor.u32 $0x19, v1;
	[tilespmem:s31+$0xB600] =	vst v9  }
0xeb: {  	v9 =	vor.u32 $0x10, v4;
	[tilespmem:s26+$0xA580] =	vst v16;
	v13 =	vld.idx.msk [tilespmem:v13+s12+$0x0], $0xffff  }
0xec: {  	v16 =	vor.u32 $0x7, v6;
	[tilespmem:s30+$0x9500] =	vst v10;
	v10 =	vld.idx.msk [tilespmem:v19+s12+$0x0], $0xffff  }
0xed: {  	[tilespmem:s0+$0x8480] =	vst v17;
	v14 =	vld.idx.msk [tilespmem:v14+s12+$0x0], $0xffff;
	v17 =	vor.u32 $0x1E, v3  }
0xee: {  	v19 =	vor.u32 $0x15, v2;
	v15 =	vld.idx.msk [tilespmem:v15+s12+$0x0], $0xffff;
	[tilespmem:s28+$0xB400] =	vst v11  }
0xef: {  	v11 =	vor.u32 $0xC, v5;
	[tilespmem:s29+$0x9780] =	vst v8;
	v8 =	vld.idx.msk [tilespmem:v18+s12+$0x0], $0xffff  }
0xf0: {  	v18 =	vor.u32 $0x3, v7;
	[tilespmem:s1+$0x8700] =	vst v12;
	v9 =	vld.idx.msk [tilespmem:v9+s12+$0x0], $0xffff  }
0xf1: {  	v12 =	vld.idx.msk [tilespmem:v16+s12+$0x0], $0xffff;
	v16 =	vor.u32 $0x1A, v1;
	[tilespmem:s31+$0xB680] =	vst v13  }
0xf2: {  	v13 =	vor.u32 $0x11, v4;
	[tilespmem:s26+$0xA600] =	vst v10;
	v20 =	vld.idx.msk [tilespmem:v17+s12+$0x0], $0xffff  }
0xf3: {  	v21 =	vor.u32 $0x8, v6;
	[tilespmem:s30+$0x9580] =	vst v14;
	v19 =	vld.idx.msk [tilespmem:v19+s12+$0x0], $0xffff  }
0xf4: {  	v22 =	vor.u32 $0x1F, v3;
	v3 =	vmovc v1;
	v1 =	vmovc v2;
	v2 =	vmov v4;
	v4 =	vmov v5;
	[tilespmem:s0+$0x8500] =	vst v15;
	v14 =	vld.idx.msk [tilespmem:v11+s12+$0x0], $0xffff  }
.Ltmp0:
0xf5: {  	v5 =	vmov v6;
	v6 =	vmov v7;
	v10 =	vor.u32 $0x16, v1;
	v17 =	vld.idx.msk [tilespmem:v18+s12+$0x0], $0xffff;
	[tilespmem:s28+$0xB480] =	vst v8;
	(pc) =	sbr.rel @p1 .LBB2_3-.Ltmp0, $4  }
0xf6: {  	v15 =	vor.u32 $0xD, v4;
	[tilespmem:s29+$0xA400] =	vst v9;
	v11 =	vld.idx.msk [tilespmem:v16+s12+$0x0], $0xffff  }
0xf7: {  	v18 =	vor.u32 $0x4, v6;
	[tilespmem:s1+$0x8780] =	vst v12;
	v12 =	vld.idx.msk [tilespmem:v13+s12+$0x0], $0xffff  }
0xf8: {  	s9 =	sadd.s32 $0x10, s9;
	v8 =	vor.u32 $0x1B, v3;
	v16 =	vld.idx.msk [tilespmem:v21+s12+$0x0], $0xffff;
	[tilespmem:s31+$0xB700] =	vst v20  }
0xf9: {  	s10 =	sadd.s32 $0x80, s10;
	v7 =	vmov s9;
	v9 =	vor.u32 $0x12, v2;
	[tilespmem:s26+$0xA680] =	vst v19;
	v13 =	vld.idx.msk [tilespmem:v22+s12+$0x0], $0xffff  }
0xfa: {  	v7 =	vshll.u32 v7, $0x5  }
0xfb: {  	v7 =	vor.u32 v0, v7;
	_ =	sdelay $0x4  }
0xfc: {  	v19 =	vld.idx.msk [tilespmem:v7+s12+$0x0], $0xffff  }
0xfd: {  	v20 =	vor.u32 $0x1, v7;
	_ =	sdelay $0x1  }
0xfe: {  	s3 =	sand.u32 $0x70, s9;
	s5 =	sand.u32 $0xC00, s5  }
0xff: {  	s9 =	sor.u32 s3, s5  }
0x100: {  	[tilespmem:s9+$0x8400] =	vst v19  }
0x101: {  	v19 =	vld.idx.msk [tilespmem:v20+s12+$0x0], $0xffff  }
0x102: {  	v20 =	vor.u32 $0x2, v7;
	_ =	sdelay $0x3  }
0x103: {  	[tilespmem:s9+$0x8480] =	vst v19  }
0x104: {  	v19 =	vld.idx.msk [tilespmem:v20+s12+$0x0], $0xffff  }
0x105: {  	v20 =	vor.u32 $0x3, v7;
	_ =	sdelay $0x3  }
0x106: {  	[tilespmem:s9+$0x8500] =	vst v19  }
0x107: {  	[tilespmem:s0+$0x8580] =	vst v17;
	v19 =	vld.idx.msk [tilespmem:v20+s12+$0x0], $0xffff  }
0x108: {  	v17 =	vld.idx.msk [tilespmem:v18+s12+$0x0], $0xffff;
	v20 =	vor.u32 $0x4, v7  }
0x109: {  	v18 =	vor.u32 $0x5, v6;
	_ =	sdelay $0x2  }
0x10a: {  	[tilespmem:s9+$0x8580] =	vst v19  }
0x10b: {  	[tilespmem:s0+$0x8600] =	vst v17;
	v19 =	vld.idx.msk [tilespmem:v20+s12+$0x0], $0xffff  }
0x10c: {  	v17 =	vld.idx.msk [tilespmem:v18+s12+$0x0], $0xffff;
	v20 =	vor.u32 $0x5, v7  }
0x10d: {  	v18 =	vor.u32 $0x6, v6;
	_ =	sdelay $0x2  }
0x10e: {  	[tilespmem:s9+$0x8600] =	vst v19  }
0x10f: {  	[tilespmem:s0+$0x8680] =	vst v17;
	v19 =	vld.idx.msk [tilespmem:v20+s12+$0x0], $0xffff  }
0x110: {  	v17 =	vld.idx.msk [tilespmem:v18+s12+$0x0], $0xffff;
	v20 =	vor.u32 $0x6, v7  }
0x111: {  	v18 =	vor.u32 $0x7, v6;
	_ =	sdelay $0x2  }
0x112: {  	[tilespmem:s9+$0x8680] =	vst v19  }
0x113: {  	[tilespmem:s0+$0x8700] =	vst v17;
	v19 =	vld.idx.msk [tilespmem:v20+s12+$0x0], $0xffff  }
0x114: {  	v17 =	vld.idx.msk [tilespmem:v18+s12+$0x0], $0xffff;
	v20 =	vor.u32 $0x7, v7;
	_ =	sdelay $0x3  }
0x115: {  	v18 =	vor.u32 $0x8, v6;
	[tilespmem:s9+$0x8700] =	vst v19  }
0x116: {  	[tilespmem:s0+$0x8780] =	vst v17;
	v17 =	vor.u32 $0x9, v5;
	v19 =	vld.idx.msk [tilespmem:v20+s12+$0x0], $0xffff  }
0x117: {  	v20 =	vor.u32 $0x8, v7;
	_ =	sdelay $0x2  }
0x118: {  	[tilespmem:s1+$0x9400] =	vst v16;
	v18 =	vld.idx.msk [tilespmem:v18+s12+$0x0], $0xffff  }
0x119: {  	v16 =	vld.idx.msk [tilespmem:v17+s12+$0x0], $0xffff;
	[tilespmem:s9+$0x8780] =	vst v19;
	v19 =	vor.u32 $0x9, v6  }
0x11a: {  	v17 =	vor.u32 $0xA, v5;
	v20 =	vld.idx.msk [tilespmem:v20+s12+$0x0], $0xffff  }
0x11b: {  	v21 =	vor.u32 $0x9, v7;
	_ =	sdelay $0x1  }
0x11c: {  	[tilespmem:s0+$0x9400] =	vst v18  }
0x11d: {  	[tilespmem:s1+$0x9480] =	vst v16;
	v18 =	vld.idx.msk [tilespmem:v19+s12+$0x0], $0xffff  }
0x11e: {  	v19 =	vor.u32 $0xA, v6;
	v16 =	vld.idx.msk [tilespmem:v17+s12+$0x0], $0xffff;
	[tilespmem:s9+$0x9400] =	vst v20  }
0x11f: {  	v17 =	vor.u32 $0xB, v5;
	v20 =	vld.idx.msk [tilespmem:v21+s12+$0x0], $0xffff  }
0x120: {  	v56 =	vor.u32 $0xA, v7;
	_ =	sdelay $0x1  }
0x121: {  	[tilespmem:s0+$0x9480] =	vst v18  }
0x122: {  	[tilespmem:s1+$0x9500] =	vst v16;
	v18 =	vld.idx.msk [tilespmem:v19+s12+$0x0], $0xffff  }
0x123: {  	v19 =	vor.u32 $0xB, v6;
	v16 =	vld.idx.msk [tilespmem:v17+s12+$0x0], $0xffff;
	[tilespmem:s9+$0x9480] =	vst v20  }
0x124: {  	v17 =	vor.u32 $0xC, v5;
	v20 =	vld.idx.msk [tilespmem:v56+s12+$0x0], $0xffff  }
0x125: {  	v57 =	vor.u32 $0xB, v7;
	_ =	sdelay $0x1  }
0x126: {  	[tilespmem:s0+$0x9500] =	vst v18  }
0x127: {  	[tilespmem:s1+$0x9580] =	vst v16;
	v18 =	vld.idx.msk [tilespmem:v19+s12+$0x0], $0xffff  }
0x128: {  	v19 =	vor.u32 $0xC, v6;
	v16 =	vld.idx.msk [tilespmem:v17+s12+$0x0], $0xffff;
	[tilespmem:s9+$0x9500] =	vst v20  }
0x129: {  	v17 =	vor.u32 $0xD, v5;
	v20 =	vld.idx.msk [tilespmem:v57+s12+$0x0], $0xffff  }
0x12a: {  	v58 =	vor.u32 $0xC, v7  }
0x12b: {  	[tilespmem:s30+$0x9600] =	vst v14  }
0x12c: {  	v14 =	vld.idx.msk [tilespmem:v15+s12+$0x0], $0xffff;
	[tilespmem:s0+$0x9580] =	vst v18  }
0x12d: {  	v15 =	vor.u32 $0xE, v4;
	[tilespmem:s1+$0x9600] =	vst v16;
	v18 =	vld.idx.msk [tilespmem:v19+s12+$0x0], $0xffff  }
0x12e: {  	v19 =	vor.u32 $0xD, v6;
	v16 =	vld.idx.msk [tilespmem:v17+s12+$0x0], $0xffff;
	[tilespmem:s9+$0x9580] =	vst v20  }
0x12f: {  	v17 =	vor.u32 $0xE, v5;
	v20 =	vld.idx.msk [tilespmem:v58+s12+$0x0], $0xffff  }
0x130: {  	v59 =	vor.u32 $0xD, v7  }
0x131: {  	[tilespmem:s30+$0x9680] =	vst v14  }
0x132: {  	v14 =	vld.idx.msk [tilespmem:v15+s12+$0x0], $0xffff;
	[tilespmem:s0+$0x9600] =	vst v18  }
0x133: {  	v15 =	vor.u32 $0xF, v4;
	[tilespmem:s1+$0x9680] =	vst v16;
	v18 =	vld.idx.msk [tilespmem:v19+s12+$0x0], $0xffff  }
0x134: {  	v19 =	vor.u32 $0xE, v6;
	v16 =	vld.idx.msk [tilespmem:v17+s12+$0x0], $0xffff;
	[tilespmem:s9+$0x9600] =	vst v20  }
0x135: {  	v17 =	vor.u32 $0xF, v5;
	v20 =	vld.idx.msk [tilespmem:v59+s12+$0x0], $0xffff  }
0x136: {  	v60 =	vor.u32 $0xE, v7  }
0x137: {  	[tilespmem:s30+$0x9700] =	vst v14  }
0x138: {  	v14 =	vld.idx.msk [tilespmem:v15+s12+$0x0], $0xffff;
	[tilespmem:s0+$0x9680] =	vst v18  }
0x139: {  	v15 =	vor.u32 $0x10, v4;
	[tilespmem:s1+$0x9700] =	vst v16;
	v18 =	vld.idx.msk [tilespmem:v19+s12+$0x0], $0xffff  }
0x13a: {  	v19 =	vor.u32 $0xF, v6;
	v16 =	vld.idx.msk [tilespmem:v17+s12+$0x0], $0xffff;
	[tilespmem:s9+$0x9680] =	vst v20  }
0x13b: {  	v17 =	vor.u32 $0x10, v5;
	v20 =	vld.idx.msk [tilespmem:v60+s12+$0x0], $0xffff  }
0x13c: {  	v61 =	vor.u32 $0xF, v7  }
0x13d: {  	[tilespmem:s30+$0x9780] =	vst v14  }
0x13e: {  	v14 =	vld.idx.msk [tilespmem:v15+s12+$0x0], $0xffff;
	[tilespmem:s0+$0x9700] =	vst v18  }
0x13f: {  	v15 =	vor.u32 $0x11, v4;
	[tilespmem:s1+$0x9780] =	vst v16;
	v18 =	vld.idx.msk [tilespmem:v19+s12+$0x0], $0xffff  }
0x140: {  	v19 =	vor.u32 $0x10, v6;
	v16 =	vld.idx.msk [tilespmem:v17+s12+$0x0], $0xffff;
	[tilespmem:s9+$0x9700] =	vst v20  }
0x141: {  	v17 =	vor.u32 $0x11, v5;
	v20 =	vld.idx.msk [tilespmem:v61+s12+$0x0], $0xffff  }
0x142: {  	v62 =	vor.u32 $0x10, v7;
	[tilespmem:s28+$0xB500] =	vst v11  }
0x143: {  	[tilespmem:s30+$0xA400] =	vst v14  }
0x144: {  	v14 =	vld.idx.msk [tilespmem:v15+s12+$0x0], $0xffff;
	[tilespmem:s0+$0x9780] =	vst v18  }
0x145: {  	[tilespmem:s1+$0xA400] =	vst v16;
	v18 =	vld.idx.msk [tilespmem:v19+s12+$0x0], $0xffff  }
0x146: {  	v15 =	vor.u32 $0x12, v4;
	v16 =	vld.idx.msk [tilespmem:v17+s12+$0x0], $0xffff;
	[tilespmem:s9+$0x9780] =	vst v20  }
0x147: {  	v11 =	vor.u32 $0x11, v6;
	[tilespmem:s29+$0xA480] =	vst v12;
	v19 =	vld.idx.msk [tilespmem:v62+s12+$0x0], $0xffff  }
0x148: {  	v12 =	vor.u32 $0x11, v7;
	[tilespmem:s31+$0xB780] =	vst v13;
	v10 =	vld.idx.msk [tilespmem:v10+s12+$0x0], $0xffff  }
0x149: {  	v9 =	vld.idx.msk [tilespmem:v9+s12+$0x0], $0xffff;
	[tilespmem:s30+$0xA480] =	vst v14  }
0x14a: {  	v14 =	vor.u32 $0x13, v2;
	[tilespmem:s0+$0xA400] =	vst v18  }
0x14b: {  	v15 =	vld.idx.msk [tilespmem:v15+s12+$0x0], $0xffff;
	v17 =	vor.u32 $0x12, v5;
	[tilespmem:s1+$0xA480] =	vst v16  }
0x14c: {  	v16 =	vor.u32 $0x13, v4;
	v11 =	vld.idx.msk [tilespmem:v11+s12+$0x0], $0xffff;
	[tilespmem:s9+$0xA400] =	vst v19  }
0x14d: {  	v13 =	vor.u32 $0x12, v6;
	[tilespmem:s26+$0xA700] =	vst v10;
	v12 =	vld.idx.msk [tilespmem:v12+s12+$0x0], $0xffff  }
0x14e: {  	v8 =	vld.idx.msk [tilespmem:v8+s12+$0x0], $0xffff;
	v10 =	vor.u32 $0x12, v7;
	[tilespmem:s29+$0xA500] =	vst v9  }
0x14f: {  	v14 =	vld.idx.msk [tilespmem:v14+s12+$0x0], $0xffff  }
0x150: {  	[tilespmem:s30+$0xA500] =	vst v15;
	v18 =	vor.u32 $0x17, v1;
	v17 =	vld.idx.msk [tilespmem:v17+s12+$0x0], $0xffff  }
0x151: {  	v15 =	vor.u32 $0x14, v2;
	v16 =	vld.idx.msk [tilespmem:v16+s12+$0x0], $0xffff;
	[tilespmem:s0+$0xA480] =	vst v11  }
0x152: {  	v11 =	vor.u32 $0x13, v5;
	v13 =	vld.idx.msk [tilespmem:v13+s12+$0x0], $0xffff;
	[tilespmem:s9+$0xA480] =	vst v12  }
0x153: {  	[tilespmem:s28+$0xB580] =	vst v8;
	v8 =	vor.u32 $0x13, v6;
	v10 =	vld.idx.msk [tilespmem:v10+s12+$0x0], $0xffff  }
0x154: {  	v9 =	vor.u32 $0x13, v7;
	[tilespmem:s29+$0xA580] =	vst v14  }
0x155: {  	[tilespmem:s1+$0xA500] =	vst v17;
	v12 =	vld.idx.msk [tilespmem:v18+s12+$0x0], $0xffff;
	v18 =	vor.u32 $0x1C, v3  }
0x156: {  	v15 =	vld.idx.msk [tilespmem:v15+s12+$0x0], $0xffff;
	v17 =	vor.u32 $0x14, v4;
	[tilespmem:s30+$0xA580] =	vst v16  }
0x157: {  	v16 =	vor.u32 $0x15, v2;
	v11 =	vld.idx.msk [tilespmem:v11+s12+$0x0], $0xffff;
	[tilespmem:s0+$0xA500] =	vst v13  }
0x158: {  	v13 =	vor.u32 $0x14, v5;
	v8 =	vld.idx.msk [tilespmem:v8+s12+$0x0], $0xffff;
	[tilespmem:s9+$0xA500] =	vst v10  }
0x159: {  	v10 =	vor.u32 $0x14, v6;
	v9 =	vld.idx.msk [tilespmem:v9+s12+$0x0], $0xffff  }
0x15a: {  	v14 =	vor.u32 $0x14, v7;
	[tilespmem:s26+$0xA780] =	vst v12;
	v12 =	vld.idx.msk [tilespmem:v18+s12+$0x0], $0xffff  }
0x15b: {  	[tilespmem:s29+$0xA600] =	vst v15;
	v17 =	vld.idx.msk [tilespmem:v17+s12+$0x0], $0xffff;
	v18 =	vor.u32 $0x18, v1  }
0x15c: {  	v16 =	vld.idx.msk [tilespmem:v16+s12+$0x0], $0xffff;
	[tilespmem:s1+$0xA580] =	vst v11;
	v11 =	vor.u32 $0x15, v4  }
0x15d: {  	v13 =	vld.idx.msk [tilespmem:v13+s12+$0x0], $0xffff;
	[tilespmem:s0+$0xA580] =	vst v8  }
0x15e: {  	v8 =	vor.u32 $0x15, v5;
	v10 =	vld.idx.msk [tilespmem:v10+s12+$0x0], $0xffff;
	[tilespmem:s9+$0xA580] =	vst v9  }
0x15f: {  	[tilespmem:s28+$0xB600] =	vst v12;
	v9 =	vor.u32 $0x15, v6;
	v12 =	vld.idx.msk [tilespmem:v14+s12+$0x0], $0xffff  }
0x160: {  	[tilespmem:s30+$0xA600] =	vst v17;
	v17 =	vor.u32 $0x16, v2;
	v14 =	vld.idx.msk [tilespmem:v18+s12+$0x0], $0xffff  }
0x161: {  	v15 =	vor.u32 $0x15, v7;
	[tilespmem:s29+$0xA680] =	vst v16;
	v11 =	vld.idx.msk [tilespmem:v11+s12+$0x0], $0xffff  }
0x162: {  	v18 =	vor.u32 $0x1D, v3;
	[tilespmem:s1+$0xA600] =	vst v13  }
0x163: {  	v13 =	vor.u32 $0x16, v4;
	v8 =	vld.idx.msk [tilespmem:v8+s12+$0x0], $0xffff;
	[tilespmem:s0+$0xA600] =	vst v10  }
0x164: {  	v10 =	vor.u32 $0x16, v5;
	v9 =	vld.idx.msk [tilespmem:v9+s12+$0x0], $0xffff;
	[tilespmem:s9+$0xA600] =	vst v12  }
0x165: {  	v17 =	vld.idx.msk [tilespmem:v17+s12+$0x0], $0xffff;
	[tilespmem:s26+$0xB400] =	vst v14;
	v12 =	vor.u32 $0x16, v6  }
0x166: {  	[tilespmem:s30+$0xA680] =	vst v11;
	v11 =	vor.u32 $0x17, v2;
	v14 =	vld.idx.msk [tilespmem:v15+s12+$0x0], $0xffff  }
0x167: {  	v16 =	vor.u32 $0x16, v7;
	v15 =	vld.idx.msk [tilespmem:v18+s12+$0x0], $0xffff  }
0x168: {  	v18 =	vor.u32 $0x19, v1;
	v13 =	vld.idx.msk [tilespmem:v13+s12+$0x0], $0xffff;
	[tilespmem:s1+$0xA680] =	vst v8  }
0x169: {  	v10 =	vld.idx.msk [tilespmem:v10+s12+$0x0], $0xffff;
	[tilespmem:s0+$0xA680] =	vst v9  }
0x16a: {  	[tilespmem:s29+$0xA700] =	vst v17;
	v8 =	vor.u32 $0x17, v4;
	v12 =	vld.idx.msk [tilespmem:v12+s12+$0x0], $0xffff  }
0x16b: {  	v9 =	vor.u32 $0x17, v5;
	v11 =	vld.idx.msk [tilespmem:v11+s12+$0x0], $0xffff;
	[tilespmem:s9+$0xA680] =	vst v14  }
0x16c: {  	[tilespmem:s28+$0xB680] =	vst v15;
	v14 =	vor.u32 $0x17, v6;
	v15 =	vld.idx.msk [tilespmem:v16+s12+$0x0], $0xffff  }
0x16d: {  	v17 =	vor.u32 $0x17, v7;
	[tilespmem:s30+$0xA700] =	vst v13;
	v16 =	vld.idx.msk [tilespmem:v18+s12+$0x0], $0xffff  }
0x16e: {  	v13 =	vor.u32 $0x18, v2;
	[tilespmem:s1+$0xA700] =	vst v10  }
0x16f: {  	v18 =	vor.u32 $0x1E, v3;
	v8 =	vld.idx.msk [tilespmem:v8+s12+$0x0], $0xffff;
	[tilespmem:s0+$0xA700] =	vst v12  }
0x170: {  	v10 =	vor.u32 $0x18, v4;
	v9 =	vld.idx.msk [tilespmem:v9+s12+$0x0], $0xffff;
	[tilespmem:s29+$0xA780] =	vst v11  }
0x171: {  	v12 =	vor.u32 $0x18, v5;
	v14 =	vld.idx.msk [tilespmem:v14+s12+$0x0], $0xffff;
	[tilespmem:s9+$0xA700] =	vst v15  }
0x172: {  	[tilespmem:s26+$0xB480] =	vst v16;
	v15 =	vor.u32 $0x18, v6;
	v16 =	vld.idx.msk [tilespmem:v17+s12+$0x0], $0xffff  }
0x173: {  	v11 =	vor.u32 $0x18, v7;
	v13 =	vld.idx.msk [tilespmem:v13+s12+$0x0], $0xffff  }
0x174: {  	[tilespmem:s30+$0xA780] =	vst v8;
	v8 =	vor.u32 $0x19, v2;
	v17 =	vld.idx.msk [tilespmem:v18+s12+$0x0], $0xffff  }
0x175: {  	v18 =	vor.u32 $0x1A, v1;
	v10 =	vld.idx.msk [tilespmem:v10+s12+$0x0], $0xffff;
	[tilespmem:s1+$0xA780] =	vst v9  }
0x176: {  	v9 =	vor.u32 $0x19, v4;
	v12 =	vld.idx.msk [tilespmem:v12+s12+$0x0], $0xffff;
	[tilespmem:s0+$0xA780] =	vst v14  }
0x177: {  	v14 =	vor.u32 $0x19, v5;
	v15 =	vld.idx.msk [tilespmem:v15+s12+$0x0], $0xffff;
	[tilespmem:s9+$0xA780] =	vst v16  }
0x178: {  	[tilespmem:s29+$0xB400] =	vst v13;
	v16 =	vor.u32 $0x19, v6;
	v11 =	vld.idx.msk [tilespmem:v11+s12+$0x0], $0xffff  }
0x179: {  	v13 =	vor.u32 $0x19, v7;
	v8 =	vld.idx.msk [tilespmem:v8+s12+$0x0], $0xffff;
	[tilespmem:s28+$0xB700] =	vst v17  }
0x17a: {  	v3 =	vor.u32 $0x1F, v3;
	v17 =	vld.idx.msk [tilespmem:v18+s12+$0x0], $0xffff;
	[tilespmem:s30+$0xB400] =	vst v10  }
0x17b: {  	v10 =	vor.u32 $0x1A, v2;
	v9 =	vld.idx.msk [tilespmem:v9+s12+$0x0], $0xffff;
	[tilespmem:s1+$0xB400] =	vst v12  }
0x17c: {  	v12 =	vor.u32 $0x1A, v4;
	v14 =	vld.idx.msk [tilespmem:v14+s12+$0x0], $0xffff;
	[tilespmem:s0+$0xB400] =	vst v15  }
0x17d: {  	v15 =	vor.u32 $0x1A, v5;
	v16 =	vld.idx.msk [tilespmem:v16+s12+$0x0], $0xffff;
	[tilespmem:s9+$0xB400] =	vst v11  }
0x17e: {  	[tilespmem:s29+$0xB480] =	vst v8;
	v11 =	vor.u32 $0x1A, v6;
	v13 =	vld.idx.msk [tilespmem:v13+s12+$0x0], $0xffff  }
0x17f: {  	v3 =	vld.idx.msk [tilespmem:v3+s12+$0x0], $0xffff;
	v8 =	vor.u32 $0x1A, v7;
	[tilespmem:s26+$0xB500] =	vst v17  }
0x180: {  	v17 =	vor.u32 $0x1B, v1;
	v10 =	vld.idx.msk [tilespmem:v10+s12+$0x0], $0xffff;
	[tilespmem:s30+$0xB480] =	vst v9  }
0x181: {  	v9 =	vor.u32 $0x1B, v2;
	v12 =	vld.idx.msk [tilespmem:v12+s12+$0x0], $0xffff;
	[tilespmem:s1+$0xB480] =	vst v14  }
0x182: {  	v14 =	vor.u32 $0x1B, v4;
	v15 =	vld.idx.msk [tilespmem:v15+s12+$0x0], $0xffff;
	[tilespmem:s0+$0xB480] =	vst v16  }
0x183: {  	v16 =	vor.u32 $0x1B, v5;
	v11 =	vld.idx.msk [tilespmem:v11+s12+$0x0], $0xffff;
	[tilespmem:s9+$0xB480] =	vst v13  }
0x184: {  	[tilespmem:s28+$0xB780] =	vst v3;
	v3 =	vor.u32 $0x1B, v6;
	v8 =	vld.idx.msk [tilespmem:v8+s12+$0x0], $0xffff  }
0x185: {  	[tilespmem:s29+$0xB500] =	vst v10;
	v10 =	vor.u32 $0x1B, v7;
	v13 =	vld.idx.msk [tilespmem:v17+s12+$0x0], $0xffff  }
0x186: {  	v9 =	vld.idx.msk [tilespmem:v9+s12+$0x0], $0xffff;
	v17 =	vor.u32 $0x1C, v1;
	[tilespmem:s30+$0xB500] =	vst v12  }
0x187: {  	v12 =	vor.u32 $0x1C, v2;
	v14 =	vld.idx.msk [tilespmem:v14+s12+$0x0], $0xffff;
	[tilespmem:s1+$0xB500] =	vst v15  }
0x188: {  	v15 =	vor.u32 $0x1C, v4;
	v16 =	vld.idx.msk [tilespmem:v16+s12+$0x0], $0xffff;
	[tilespmem:s0+$0xB500] =	vst v11  }
0x189: {  	v11 =	vor.u32 $0x1C, v5;
	v3 =	vld.idx.msk [tilespmem:v3+s12+$0x0], $0xffff;
	[tilespmem:s9+$0xB500] =	vst v8  }
0x18a: {  	[tilespmem:s26+$0xB580] =	vst v13;
	v8 =	vor.u32 $0x1C, v6;
	v10 =	vld.idx.msk [tilespmem:v10+s12+$0x0], $0xffff  }
0x18b: {  	[tilespmem:s29+$0xB580] =	vst v9;
	v9 =	vor.u32 $0x1C, v7;
	v13 =	vld.idx.msk [tilespmem:v17+s12+$0x0], $0xffff  }
0x18c: {  	v12 =	vld.idx.msk [tilespmem:v12+s12+$0x0], $0xffff;
	v17 =	vor.u32 $0x1D, v1;
	[tilespmem:s30+$0xB580] =	vst v14  }
0x18d: {  	v14 =	vor.u32 $0x1D, v2;
	v15 =	vld.idx.msk [tilespmem:v15+s12+$0x0], $0xffff;
	[tilespmem:s1+$0xB580] =	vst v16  }
0x18e: {  	v16 =	vor.u32 $0x1D, v4;
	v11 =	vld.idx.msk [tilespmem:v11+s12+$0x0], $0xffff;
	[tilespmem:s0+$0xB580] =	vst v3  }
0x18f: {  	v3 =	vor.u32 $0x1D, v5;
	v8 =	vld.idx.msk [tilespmem:v8+s12+$0x0], $0xffff;
	[tilespmem:s9+$0xB580] =	vst v10  }
0x190: {  	[tilespmem:s26+$0xB600] =	vst v13;
	v10 =	vor.u32 $0x1D, v6;
	v9 =	vld.idx.msk [tilespmem:v9+s12+$0x0], $0xffff  }
0x191: {  	[tilespmem:s29+$0xB600] =	vst v12;
	v12 =	vor.u32 $0x1D, v7;
	v13 =	vld.idx.msk [tilespmem:v17+s12+$0x0], $0xffff  }
0x192: {  	v14 =	vld.idx.msk [tilespmem:v14+s12+$0x0], $0xffff;
	v17 =	vor.u32 $0x1E, v1;
	[tilespmem:s30+$0xB600] =	vst v15  }
0x193: {  	v15 =	vor.u32 $0x1E, v2;
	v16 =	vld.idx.msk [tilespmem:v16+s12+$0x0], $0xffff;
	[tilespmem:s1+$0xB600] =	vst v11  }
0x194: {  	v11 =	vor.u32 $0x1E, v4;
	v3 =	vld.idx.msk [tilespmem:v3+s12+$0x0], $0xffff;
	[tilespmem:s0+$0xB600] =	vst v8  }
0x195: {  	v8 =	vor.u32 $0x1E, v5;
	v10 =	vld.idx.msk [tilespmem:v10+s12+$0x0], $0xffff;
	[tilespmem:s9+$0xB600] =	vst v9  }
0x196: {  	[tilespmem:s26+$0xB680] =	vst v13;
	v9 =	vor.u32 $0x1E, v6;
	v12 =	vld.idx.msk [tilespmem:v12+s12+$0x0], $0xffff  }
0x197: {  	[tilespmem:s29+$0xB680] =	vst v14;
	v14 =	vor.u32 $0x1E, v7;
	v13 =	vld.idx.msk [tilespmem:v17+s12+$0x0], $0xffff  }
0x198: {  	v1 =	vor.u32 $0x1F, v1;
	v15 =	vld.idx.msk [tilespmem:v15+s12+$0x0], $0xffff;
	[tilespmem:s30+$0xB680] =	vst v16  }
0x199: {  	v2 =	vor.u32 $0x1F, v2;
	v11 =	vld.idx.msk [tilespmem:v11+s12+$0x0], $0xffff;
	[tilespmem:s1+$0xB680] =	vst v3  }
0x19a: {  	v3 =	vor.u32 $0x1F, v4;
	v4 =	vld.idx.msk [tilespmem:v8+s12+$0x0], $0xffff;
	[tilespmem:s0+$0xB680] =	vst v10  }
0x19b: {  	v5 =	vor.u32 $0x1F, v5;
	v8 =	vld.idx.msk [tilespmem:v9+s12+$0x0], $0xffff;
	[tilespmem:s9+$0xB680] =	vst v12  }
0x19c: {  	v6 =	vor.u32 $0x1F, v6;
	[tilespmem:s26+$0xB700] =	vst v13;
	v9 =	vld.idx.msk [tilespmem:v14+s12+$0x0], $0xffff  }
0x19d: {  	v7 =	vor.u32 $0x1F, v7;
	[tilespmem:s29+$0xB700] =	vst v15;
	v1 =	vld.idx.msk [tilespmem:v1+s12+$0x0], $0xffff  }
0x19e: {  	v2 =	vld.idx.msk [tilespmem:v2+s12+$0x0], $0xffff;
	[tilespmem:s30+$0xB700] =	vst v11  }
0x19f: {  	v3 =	vld.idx.msk [tilespmem:v3+s12+$0x0], $0xffff;
	[tilespmem:s1+$0xB700] =	vst v4  }
0x1a0: {  	v4 =	vld.idx.msk [tilespmem:v5+s12+$0x0], $0xffff;
	[tilespmem:s0+$0xB700] =	vst v8  }
0x1a1: {  	v5 =	vld.idx.msk [tilespmem:v6+s12+$0x0], $0xffff;
	[tilespmem:s9+$0xB700] =	vst v9  }
0x1a2: {  	[tilespmem:s26+$0xB780] =	vst v1;
	v1 =	vld.idx.msk [tilespmem:v7+s12+$0x0], $0xffff  }
0x1a3: {  	[tilespmem:s29+$0xB780] =	vst v2  }
0x1a4: {  	s10 =	sshll.u32 s25, $0x9;
	[tilespmem:s30+$0xB780] =	vst v3  }
0x1a5: {  	s3 =	sand.u32 $0x3C00, s10;
	s26 =	sshll.u32 s25, $0xB;
	[tilespmem:s1+$0xB780] =	vst v4  }
0x1a6: {  	s5 =	sadd.s32 s2, s3;
	s1 =	sand.u32 $0xFFF0000, s26;
	[tilespmem:s0+$0xB780] =	vst v5  }
0x1a7: {  	s0 =	sadd.s32 s1, s5;
	[tilespmem:s9+$0xB780] =	vst v1  }
0x1a8: {  	[hbm4b:s0+s16] =	stream.strided.scatter [tilespmem:s18], [sflag:$0x5], $0x4000, s17, s16, $0x38;
	[tilespmem:$0x10400] =	vst v63  }
0x1a9: {  	s25 =	sadd.s32 s6, s7;
	_ =	swait.ge [sflag:s19], $0x4000  }
0x1aa: {  	s3 =	simm.s32 @!p0 $0x200;
	s0 =	sshll.u32 @!p0 s25, $0x6;
	[sflag:s19] =	ssyncset.done $0x0  }
0x1ab: {  	s1 =	simm.s32 @!p0 $0x0;
	s0 =	sadd.s32 @!p0 s0, s8;
	[sflag:s19] =	ssyncadd.s32 $0xFFFFC000  }
0x1ac: {  	[tilespmem:s3], [sflag:$0x4] =	stream.linear.gather @!p0 [hbm4b:s0+s1], $0x200, $0x38;
	[tilespmem:$0x10400] =	vst v63  }
0x1ad: {  	s0 =	simm.s32 @!p0 $0x3  }
0x1ae: {  	s10 =	simm.s32 $0x0;
	_ =	swait.ge @!p0 [sflag:s0], $0x200  }
0x1af: {  	v1 =	vmov s10;
	[sflag:s0] =	ssyncset.done @!p0 $0x0  }
0x1b0: {  	p1 =	seq.s32 @!p0 s24, $0x0;
	v1 =	vshll.u32 v1, $0x5;
	[sflag:s0] =	ssyncadd.s32 @!p0 $0xFFFFFE00;
	s0 =	simm.s32 @!p0 $0x400  }
0x1b1: {  	v7 =	vor.u32 v0, v1;
	[tilespmem:s0], [sflag:$0x1] =	stream.indirect.gather @!p0 [hbm4b:s4+s3], $0x20, s1, s3, $0xb8;
	[tilespmem:$0x10400] =	vst v63  }
0x1b2: {  	p0 =	por p0, !p1  }
0x1b3: {  	_ =	swait.ge @p0 [sflag:s22], $0x4000  }
0x1b4: {  	[sflag:s22] =	ssyncset.done @p0 $0x0  }
0x1b5: {  	[sflag:s22] =	ssyncadd.s32 @p0 $0xFFFFC000  }
0x1b6: {  	v1 =	vld.idx.msk [tilespmem:v7+s15+$0x0], $0xffff  }
0x1b7: {  	v2 =	vor.u32 $0x1, v7;
	_ =	sdelay $0x1  }
0x1b8: {  	s26 =	sand.u32 $0x70, s10;
	s0 =	sand.u32 $0xC00, s10  }
0x1b9: {  	s31 =	sor.u32 s26, s0  }
0x1ba: {  	[tilespmem:s31+$0xC400] =	vst v1  }
0x1bb: {  	v1 =	vld.idx.msk [tilespmem:v2+s15+$0x0], $0xffff  }
0x1bc: {  	v2 =	vor.u32 $0x2, v7;
	_ =	sdelay $0x3  }
0x1bd: {  	[tilespmem:s31+$0xC480] =	vst v1  }
0x1be: {  	v1 =	vld.idx.msk [tilespmem:v2+s15+$0x0], $0xffff  }
0x1bf: {  	v2 =	vor.u32 $0x3, v7;
	_ =	sdelay $0x3  }
0x1c0: {  	[tilespmem:s31+$0xC500] =	vst v1  }
0x1c1: {  	v1 =	vld.idx.msk [tilespmem:v2+s15+$0x0], $0xffff  }
0x1c2: {  	s1 =	simm.s32 $0x10;
	v2 =	vor.u32 $0x4, v7  }
0x1c3: {  	v3 =	vmov s1  }
0x1c4: {  	v3 =	vshll.u32 v3, $0x5  }
0x1c5: {  	v3 =	vor.u32 v0, v3  }
0x1c6: {  	[tilespmem:s31+$0xC580] =	vst v1  }
0x1c7: {  	v1 =	vld.idx.msk [tilespmem:v2+s15+$0x0], $0xffff  }
0x1c8: {  	v2 =	vor.u32 $0x5, v7;
	_ =	sdelay $0x1  }
0x1c9: {  	v4 =	vld.idx.msk [tilespmem:v3+s15+$0x0], $0xffff  }
0x1ca: {  	v5 =	vor.u32 $0x1, v3  }
0x1cb: {  	s3 =	simm.s32 $0x80;
	[tilespmem:s31+$0xC600] =	vst v1  }
0x1cc: {  	s0 =	sand.u32 $0x70, s1;
	s1 =	sand.u32 $0xC00, s3;
	v1 =	vld.idx.msk [tilespmem:v2+s15+$0x0], $0xffff  }
0x1cd: {  	s28 =	sor.u32 s0, s1;
	v2 =	vor.u32 $0x6, v7  }
0x1ce: {  	[tilespmem:s28+$0xC400] =	vst v4  }
0x1cf: {  	v4 =	vld.idx.msk [tilespmem:v5+s15+$0x0], $0xffff  }
0x1d0: {  	v5 =	vor.u32 $0x2, v3  }
0x1d1: {  	[tilespmem:s31+$0xC680] =	vst v1  }
0x1d2: {  	v1 =	vld.idx.msk [tilespmem:v2+s15+$0x0], $0xffff  }
0x1d3: {  	v2 =	vor.u32 $0x7, v7  }
0x1d4: {  	[tilespmem:s28+$0xC480] =	vst v4  }
0x1d5: {  	v4 =	vld.idx.msk [tilespmem:v5+s15+$0x0], $0xffff  }
0x1d6: {  	v5 =	vor.u32 $0x3, v3  }
0x1d7: {  	[tilespmem:s31+$0xC700] =	vst v1  }
0x1d8: {  	v1 =	vld.idx.msk [tilespmem:v2+s15+$0x0], $0xffff  }
0x1d9: {  	v2 =	vor.u32 $0x8, v7  }
0x1da: {  	[tilespmem:s28+$0xC500] =	vst v4  }
0x1db: {  	v4 =	vld.idx.msk [tilespmem:v5+s15+$0x0], $0xffff  }
0x1dc: {  	v5 =	vor.u32 $0x4, v3  }
0x1dd: {  	s5 =	simm.s32 $0x20;
	[tilespmem:s31+$0xC780] =	vst v1  }
0x1de: {  	v1 =	vmov s5;
	v2 =	vld.idx.msk [tilespmem:v2+s15+$0x0], $0xffff  }
0x1df: {  	v6 =	vor.u32 $0x9, v7;
	v1 =	vshll.u32 v1, $0x5  }
0x1e0: {  	[tilespmem:s28+$0xC580] =	vst v4;
	v1 =	vor.u32 v0, v1  }
0x1e1: {  	v4 =	vld.idx.msk [tilespmem:v5+s15+$0x0], $0xffff  }
0x1e2: {  	v5 =	vor.u32 $0x5, v3  }
0x1e3: {  	[tilespmem:s31+$0xD400] =	vst v2  }
0x1e4: {  	v2 =	vld.idx.msk [tilespmem:v6+s15+$0x0], $0xffff  }
0x1e5: {  	v8 =	vor.u32 $0xA, v7;
	v6 =	vld.idx.msk [tilespmem:v1+s15+$0x0], $0xffff  }
0x1e6: {  	[tilespmem:s28+$0xC600] =	vst v4;
	v9 =	vor.u32 $0x1, v1  }
0x1e7: {  	s7 =	simm.s32 $0x100;
	v4 =	vld.idx.msk [tilespmem:v5+s15+$0x0], $0xffff  }
0x1e8: {  	s0 =	sand.u32 $0x70, s5;
	s1 =	sand.u32 $0xC00, s7;
	v5 =	vor.u32 $0x6, v3  }
0x1e9: {  	s26 =	sor.u32 s0, s1;
	[tilespmem:s31+$0xD480] =	vst v2  }
0x1ea: {  	[tilespmem:s26+$0xC400] =	vst v6;
	v2 =	vld.idx.msk [tilespmem:v8+s15+$0x0], $0xffff  }
0x1eb: {  	v6 =	vld.idx.msk [tilespmem:v9+s15+$0x0], $0xffff;
	v8 =	vor.u32 $0xB, v7  }
0x1ec: {  	[tilespmem:s28+$0xC680] =	vst v4;
	v9 =	vor.u32 $0x2, v1  }
0x1ed: {  	v4 =	vld.idx.msk [tilespmem:v5+s15+$0x0], $0xffff  }
0x1ee: {  	v5 =	vor.u32 $0x7, v3  }
0x1ef: {  	[tilespmem:s31+$0xD500] =	vst v2  }
0x1f0: {  	[tilespmem:s26+$0xC480] =	vst v6;
	v2 =	vld.idx.msk [tilespmem:v8+s15+$0x0], $0xffff  }
0x1f1: {  	v6 =	vld.idx.msk [tilespmem:v9+s15+$0x0], $0xffff;
	v8 =	vor.u32 $0xC, v7  }
0x1f2: {  	[tilespmem:s28+$0xC700] =	vst v4;
	v9 =	vor.u32 $0x3, v1  }
0x1f3: {  	v4 =	vld.idx.msk [tilespmem:v5+s15+$0x0], $0xffff  }
0x1f4: {  	v5 =	vor.u32 $0x8, v3  }
0x1f5: {  	[tilespmem:s31+$0xD580] =	vst v2  }
0x1f6: {  	[tilespmem:s26+$0xC500] =	vst v6;
	v2 =	vld.idx.msk [tilespmem:v8+s15+$0x0], $0xffff  }
0x1f7: {  	v6 =	vld.idx.msk [tilespmem:v9+s15+$0x0], $0xffff;
	v8 =	vor.u32 $0xD, v7  }
0x1f8: {  	s9 =	simm.s32 $0x30;
	[tilespmem:s28+$0xC780] =	vst v4;
	v9 =	vor.u32 $0x4, v1  }
0x1f9: {  	v4 =	vld.idx.msk [tilespmem:v5+s15+$0x0], $0xffff;
	v5 =	vmov s9  }
0x1fa: {  	v10 =	vor.u32 $0x9, v3;
	v5 =	vshll.u32 v5, $0x5  }
0x1fb: {  	[tilespmem:s31+$0xD600] =	vst v2;
	v2 =	vor.u32 v0, v5  }
0x1fc: {  	[tilespmem:s26+$0xC580] =	vst v6;
	v5 =	vld.idx.msk [tilespmem:v8+s15+$0x0], $0xffff  }
0x1fd: {  	v6 =	vld.idx.msk [tilespmem:v9+s15+$0x0], $0xffff;
	v8 =	vor.u32 $0xE, v7  }
0x1fe: {  	[tilespmem:s28+$0xD400] =	vst v4;
	v9 =	vor.u32 $0x5, v1  }
0x1ff: {  	v4 =	vld.idx.msk [tilespmem:v10+s15+$0x0], $0xffff  }
0x200: {  	v11 =	vor.u32 $0xA, v3;
	v10 =	vld.idx.msk [tilespmem:v2+s15+$0x0], $0xffff  }
0x201: {  	[tilespmem:s31+$0xD680] =	vst v5;
	v5 =	vor.u32 $0x1, v2  }
0x202: {  	s10 =	simm.s32 $0x180;
	[tilespmem:s26+$0xC600] =	vst v6;
	v6 =	vld.idx.msk [tilespmem:v8+s15+$0x0], $0xffff  }
0x203: {  	s0 =	sand.u32 $0x70, s9;
	s1 =	sand.u32 $0xC00, s10;
	v8 =	vld.idx.msk [tilespmem:v9+s15+$0x0], $0xffff;
	v9 =	vor.u32 $0xF, v7  }
0x204: {  	s29 =	sor.u32 s0, s1;
	v12 =	vor.u32 $0x6, v1;
	[tilespmem:s28+$0xD480] =	vst v4  }
0x205: {  	v4 =	vld.idx.msk [tilespmem:v11+s15+$0x0], $0xffff;
	[tilespmem:s29+$0xC400] =	vst v10  }
0x206: {  	v10 =	vor.u32 $0xB, v3;
	v5 =	vld.idx.msk [tilespmem:v5+s15+$0x0], $0xffff  }
0x207: {  	[tilespmem:s31+$0xD700] =	vst v6;
	v6 =	vor.u32 $0x2, v2  }
0x208: {  	[tilespmem:s26+$0xC680] =	vst v8;
	v8 =	vld.idx.msk [tilespmem:v9+s15+$0x0], $0xffff  }
0x209: {  	v11 =	vor.u32 $0x10, v7;
	v9 =	vld.idx.msk [tilespmem:v12+s15+$0x0], $0xffff  }
0x20a: {  	[tilespmem:s28+$0xD500] =	vst v4;
	v12 =	vor.u32 $0x7, v1  }
0x20b: {  	v4 =	vld.idx.msk [tilespmem:v10+s15+$0x0], $0xffff;
	[tilespmem:s29+$0xC480] =	vst v5  }
0x20c: {  	v5 =	vld.idx.msk [tilespmem:v6+s15+$0x0], $0xffff;
	v6 =	vor.u32 $0xC, v3  }
0x20d: {  	[tilespmem:s31+$0xD780] =	vst v8;
	v8 =	vor.u32 $0x3, v2  }
0x20e: {  	[tilespmem:s26+$0xC700] =	vst v9;
	v9 =	vld.idx.msk [tilespmem:v11+s15+$0x0], $0xffff  }
0x20f: {  	v10 =	vld.idx.msk [tilespmem:v12+s15+$0x0], $0xffff;
	v11 =	vor.u32 $0x11, v7  }
0x210: {  	v12 =	vor.u32 $0x8, v1;
	[tilespmem:s28+$0xD580] =	vst v4  }
0x211: {  	[tilespmem:s29+$0xC500] =	vst v5;
	v4 =	vld.idx.msk [tilespmem:v6+s15+$0x0], $0xffff  }
0x212: {  	v6 =	vor.u32 $0xD, v3;
	v5 =	vld.idx.msk [tilespmem:v8+s15+$0x0], $0xffff  }
0x213: {  	v8 =	vor.u32 $0x4, v2;
	[tilespmem:s31+$0xE400] =	vst v9  }
0x214: {  	s1 =	simm.s32 $0x40;
	[tilespmem:s26+$0xC780] =	vst v10;
	v9 =	vld.idx.msk [tilespmem:v11+s15+$0x0], $0xffff  }
0x215: {  	v10 =	vld.idx.msk [tilespmem:v12+s15+$0x0], $0xffff;
	v11 =	vmov s1;
	v12 =	vor.u32 $0x12, v7  }
0x216: {  	v13 =	vor.u32 $0x9, v1;
	v11 =	vshll.u32 v11, $0x5;
	[tilespmem:s28+$0xD600] =	vst v4  }
0x217: {  	v4 =	vor.u32 v0, v11;
	[tilespmem:s29+$0xC580] =	vst v5;
	v5 =	vld.idx.msk [tilespmem:v6+s15+$0x0], $0xffff  }
0x218: {  	v6 =	vld.idx.msk [tilespmem:v8+s15+$0x0], $0xffff;
	v8 =	vor.u32 $0xE, v3  }
0x219: {  	[tilespmem:s31+$0xE480] =	vst v9;
	v9 =	vor.u32 $0x5, v2  }
0x21a: {  	[tilespmem:s26+$0xD400] =	vst v10;
	v10 =	vld.idx.msk [tilespmem:v12+s15+$0x0], $0xffff  }
0x21b: {  	v11 =	vld.idx.msk [tilespmem:v13+s15+$0x0], $0xffff;
	v12 =	vor.u32 $0x13, v7  }
0x21c: {  	v14 =	vor.u32 $0xA, v1;
	v13 =	vld.idx.msk [tilespmem:v4+s15+$0x0], $0xffff;
	[tilespmem:s28+$0xD680] =	vst v5  }
0x21d: {  	v5 =	vor.u32 $0x1, v4;
	[tilespmem:s29+$0xC600] =	vst v6;
	v6 =	vld.idx.msk [tilespmem:v8+s15+$0x0], $0xffff  }
0x21e: {  	s3 =	simm.s32 $0x200;
	v8 =	vld.idx.msk [tilespmem:v9+s15+$0x0], $0xffff;
	v9 =	vor.u32 $0xF, v3  }
0x21f: {  	s0 =	sand.u32 $0x70, s1;
	s1 =	sand.u32 $0xC00, s3;
	[tilespmem:s31+$0xE500] =	vst v10;
	v10 =	vor.u32 $0x6, v2  }
0x220: {  	s30 =	sor.u32 s0, s1;
	[tilespmem:s26+$0xD480] =	vst v11;
	v11 =	vld.idx.msk [tilespmem:v12+s15+$0x0], $0xffff  }
0x221: {  	[tilespmem:s30+$0xC400] =	vst v13;
	v12 =	vld.idx.msk [tilespmem:v14+s15+$0x0], $0xffff;
	v13 =	vor.u32 $0x14, v7  }
0x222: {  	v14 =	vor.u32 $0xB, v1;
	v5 =	vld.idx.msk [tilespmem:v5+s15+$0x0], $0xffff;
	[tilespmem:s28+$0xD700] =	vst v6  }
0x223: {  	v6 =	vor.u32 $0x2, v4;
	[tilespmem:s29+$0xC680] =	vst v8;
	v8 =	vld.idx.msk [tilespmem:v9+s15+$0x0], $0xffff  }
0x224: {  	v9 =	vld.idx.msk [tilespmem:v10+s15+$0x0], $0xffff;
	v10 =	vor.u32 $0x10, v3  }
0x225: {  	[tilespmem:s31+$0xE580] =	vst v11;
	v11 =	vor.u32 $0x7, v2  }
0x226: {  	[tilespmem:s26+$0xD500] =	vst v12;
	v12 =	vld.idx.msk [tilespmem:v13+s15+$0x0], $0xffff  }
0x227: {  	[tilespmem:s30+$0xC480] =	vst v5;
	v5 =	vld.idx.msk [tilespmem:v14+s15+$0x0], $0xffff;
	v13 =	vor.u32 $0x15, v7  }
0x228: {  	v14 =	vor.u32 $0xC, v1;
	v6 =	vld.idx.msk [tilespmem:v6+s15+$0x0], $0xffff;
	[tilespmem:s28+$0xD780] =	vst v8  }
0x229: {  	v8 =	vor.u32 $0x3, v4;
	[tilespmem:s29+$0xC700] =	vst v9;
	v9 =	vld.idx.msk [tilespmem:v10+s15+$0x0], $0xffff  }
0x22a: {  	v10 =	vld.idx.msk [tilespmem:v11+s15+$0x0], $0xffff;
	v11 =	vor.u32 $0x11, v3  }
0x22b: {  	[tilespmem:s31+$0xE600] =	vst v12;
	v12 =	vor.u32 $0x8, v2  }
0x22c: {  	[tilespmem:s26+$0xD580] =	vst v5;
	v5 =	vld.idx.msk [tilespmem:v13+s15+$0x0], $0xffff  }
0x22d: {  	[tilespmem:s30+$0xC500] =	vst v6;
	v6 =	vld.idx.msk [tilespmem:v14+s15+$0x0], $0xffff;
	v13 =	vor.u32 $0x16, v7  }
0x22e: {  	v14 =	vor.u32 $0xD, v1;
	v8 =	vld.idx.msk [tilespmem:v8+s15+$0x0], $0xffff;
	[tilespmem:s28+$0xE400] =	vst v9  }
0x22f: {  	s5 =	simm.s32 $0x50;
	v9 =	vor.u32 $0x4, v4;
	[tilespmem:s29+$0xC780] =	vst v10;
	v10 =	vld.idx.msk [tilespmem:v11+s15+$0x0], $0xffff  }
0x230: {  	v15 =	vor.u32 $0x12, v3;
	v11 =	vld.idx.msk [tilespmem:v12+s15+$0x0], $0xffff;
	v12 =	vmov s5  }
0x231: {  	[tilespmem:s31+$0xE680] =	vst v5;
	v5 =	vshll.u32 v12, $0x5;
	v12 =	vor.u32 $0x9, v2  }
0x232: {  	[tilespmem:s26+$0xD600] =	vst v6;
	v6 =	vld.idx.msk [tilespmem:v13+s15+$0x0], $0xffff;
	v5 =	vor.u32 v0, v5  }
0x233: {  	[tilespmem:s30+$0xC580] =	vst v8;
	v8 =	vld.idx.msk [tilespmem:v14+s15+$0x0], $0xffff;
	v13 =	vor.u32 $0x17, v7  }
0x234: {  	v14 =	vor.u32 $0xE, v1;
	v9 =	vld.idx.msk [tilespmem:v9+s15+$0x0], $0xffff;
	[tilespmem:s28+$0xE480] =	vst v10  }
0x235: {  	v10 =	vor.u32 $0x5, v4;
	[tilespmem:s29+$0xD400] =	vst v11;
	v11 =	vld.idx.msk [tilespmem:v15+s15+$0x0], $0xffff  }
0x236: {  	v15 =	vor.u32 $0x13, v3;
	v12 =	vld.idx.msk [tilespmem:v12+s15+$0x0], $0xffff  }
0x237: {  	v16 =	vld.idx.msk [tilespmem:v5+s15+$0x0], $0xffff;
	[tilespmem:s31+$0xE700] =	vst v6;
	v6 =	vor.u32 $0xA, v2  }
0x238: {  	[tilespmem:s26+$0xD680] =	vst v8;
	v8 =	vld.idx.msk [tilespmem:v13+s15+$0x0], $0xffff;
	v13 =	vor.u32 $0x1, v5  }
0x239: {  	s7 =	simm.s32 $0x280;
	[tilespmem:s30+$0xC600] =	vst v9;
	v9 =	vld.idx.msk [tilespmem:v14+s15+$0x0], $0xffff;
	v14 =	vor.u32 $0x18, v7  }
0x23a: {  	v17 =	vor.u32 $0xF, v1;
	s0 =	sand.u32 $0x70, s5;
	s1 =	sand.u32 $0xC00, s7;
	v10 =	vld.idx.msk [tilespmem:v10+s15+$0x0], $0xffff;
	[tilespmem:s28+$0xE500] =	vst v11  }
0x23b: {  	s1 =	sor.u32 s0, s1;
	v11 =	vor.u32 $0x6, v4;
	[tilespmem:s29+$0xD480] =	vst v12;
	v12 =	vld.idx.msk [tilespmem:v15+s15+$0x0], $0xffff  }
0x23c: {  	v15 =	vor.u32 $0x14, v3;
	[tilespmem:s1+$0xC400] =	vst v16;
	v6 =	vld.idx.msk [tilespmem:v6+s15+$0x0], $0xffff  }
0x23d: {  	v13 =	vld.idx.msk [tilespmem:v13+s15+$0x0], $0xffff;
	[tilespmem:s31+$0xE780] =	vst v8;
	v8 =	vor.u32 $0xB, v2  }
0x23e: {  	[tilespmem:s26+$0xD700] =	vst v9;
	v9 =	vld.idx.msk [tilespmem:v14+s15+$0x0], $0xffff;
	v14 =	vor.u32 $0x2, v5  }
0x23f: {  	v16 =	vor.u32 $0x19, v7;
	[tilespmem:s30+$0xC680] =	vst v10;
	v10 =	vld.idx.msk [tilespmem:v17+s15+$0x0], $0xffff  }
0x240: {  	v17 =	vor.u32 $0x10, v1;
	v11 =	vld.idx.msk [tilespmem:v11+s15+$0x0], $0xffff;
	[tilespmem:s28+$0xE580] =	vst v12  }
0x241: {  	v12 =	vor.u32 $0x7, v4;
	[tilespmem:s29+$0xD500] =	vst v6;
	v6 =	vld.idx.msk [tilespmem:v15+s15+$0x0], $0xffff  }
0x242: {  	[tilespmem:s1+$0xC480] =	vst v13;
	v8 =	vld.idx.msk [tilespmem:v8+s15+$0x0], $0xffff;
	v13 =	vor.u32 $0x15, v3  }
0x243: {  	v14 =	vld.idx.msk [tilespmem:v14+s15+$0x0], $0xffff;
	[tilespmem:s31+$0xF400] =	vst v9;
	v9 =	vor.u32 $0xC, v2  }
0x244: {  	v15 =	vor.u32 $0x3, v5;
	[tilespmem:s26+$0xD780] =	vst v10;
	v10 =	vld.idx.msk [tilespmem:v16+s15+$0x0], $0xffff  }
0x245: {  	[tilespmem:s30+$0xC700] =	vst v11;
	v11 =	vld.idx.msk [tilespmem:v17+s15+$0x0], $0xffff;
	v16 =	vor.u32 $0x1A, v7  }
0x246: {  	v17 =	vor.u32 $0x11, v1;
	v12 =	vld.idx.msk [tilespmem:v12+s15+$0x0], $0xffff;
	[tilespmem:s28+$0xE600] =	vst v6  }
0x247: {  	v6 =	vor.u32 $0x8, v4;
	[tilespmem:s29+$0xD580] =	vst v8;
	v8 =	vld.idx.msk [tilespmem:v13+s15+$0x0], $0xffff  }
0x248: {  	v13 =	vor.u32 $0x16, v3;
	[tilespmem:s1+$0xC500] =	vst v14;
	v9 =	vld.idx.msk [tilespmem:v9+s15+$0x0], $0xffff  }
0x249: {  	v14 =	vld.idx.msk [tilespmem:v15+s15+$0x0], $0xffff;
	[tilespmem:s31+$0xF480] =	vst v10;
	v10 =	vor.u32 $0xD, v2  }
0x24a: {  	[tilespmem:s26+$0xE400] =	vst v11;
	v15 =	vor.u32 $0x4, v5;
	v11 =	vld.idx.msk [tilespmem:v16+s15+$0x0], $0xffff  }
0x24b: {  	s9 =	simm.s32 $0x60;
	[tilespmem:s30+$0xC780] =	vst v12;
	v12 =	vld.idx.msk [tilespmem:v17+s15+$0x0], $0xffff;
	v16 =	vor.u32 $0x1B, v7  }
0x24c: {  	v18 =	vor.u32 $0x12, v1;
	v17 =	vld.idx.msk [tilespmem:v6+s15+$0x0], $0xffff;
	v6 =	vmov s9;
	[tilespmem:s28+$0xE680] =	vst v8  }
0x24d: {  	v6 =	vshll.u32 v6, $0x5;
	v8 =	vor.u32 $0x9, v4;
	[tilespmem:s29+$0xD600] =	vst v9;
	v9 =	vld.idx.msk [tilespmem:v13+s15+$0x0], $0xffff  }
0x24e: {  	v6 =	vor.u32 v0, v6;
	[tilespmem:s1+$0xC580] =	vst v14;
	v10 =	vld.idx.msk [tilespmem:v10+s15+$0x0], $0xffff  }
0x24f: {  	v14 =	vor.u32 $0x17, v3;
	v13 =	vld.idx.msk [tilespmem:v15+s15+$0x0], $0xffff;
	[tilespmem:s31+$0xF500] =	vst v11  }
0x250: {  	v11 =	vor.u32 $0xE, v2;
	[tilespmem:s26+$0xE480] =	vst v12;
	v12 =	vld.idx.msk [tilespmem:v16+s15+$0x0], $0xffff  }
0x251: {  	v15 =	vor.u32 $0x5, v5;
	[tilespmem:s30+$0xD400] =	vst v17;
	v16 =	vld.idx.msk [tilespmem:v18+s15+$0x0], $0xffff  }
0x252: {  	v17 =	vor.u32 $0x1C, v7;
	v8 =	vld.idx.msk [tilespmem:v8+s15+$0x0], $0xffff  }
0x253: {  	v19 =	vor.u32 $0x13, v1;
	v18 =	vld.idx.msk [tilespmem:v6+s15+$0x0], $0xffff;
	[tilespmem:s28+$0xE700] =	vst v9  }
0x254: {  	v9 =	vor.u32 $0xA, v4;
	[tilespmem:s29+$0xD680] =	vst v10;
	v10 =	vld.idx.msk [tilespmem:v14+s15+$0x0], $0xffff  }
0x255: {  	v14 =	vor.u32 $0x1, v6;
	[tilespmem:s1+$0xC600] =	vst v13;
	v11 =	vld.idx.msk [tilespmem:v11+s15+$0x0], $0xffff  }
0x256: {  	s10 =	simm.s32 $0x300;
	v13 =	vld.idx.msk [tilespmem:v15+s15+$0x0], $0xffff;
	v15 =	vor.u32 $0x18, v3;
	[tilespmem:s31+$0xF580] =	vst v12  }
0x257: {  	s3 =	sand.u32 $0xC00, s10;
	s0 =	sand.u32 $0x70, s9;
	v12 =	vor.u32 $0xF, v2;
	[tilespmem:s26+$0xE500] =	vst v16;
	v16 =	vld.idx.msk [tilespmem:v17+s15+$0x0], $0xffff  }
0x258: {  	s0 =	sor.u32 s0, s3;
	v17 =	vor.u32 $0x6, v5;
	[tilespmem:s30+$0xD480] =	vst v8;
	v8 =	vld.idx.msk [tilespmem:v19+s15+$0x0], $0xffff  }
0x259: {  	[tilespmem:s0+$0xC400] =	vst v18;
	v9 =	vld.idx.msk [tilespmem:v9+s15+$0x0], $0xffff;
	v18 =	vor.u32 $0x1D, v7  }
0x25a: {  	v19 =	vor.u32 $0x14, v1;
	v14 =	vld.idx.msk [tilespmem:v14+s15+$0x0], $0xffff;
	[tilespmem:s28+$0xE780] =	vst v10  }
0x25b: {  	v10 =	vor.u32 $0xB, v4;
	[tilespmem:s29+$0xD700] =	vst v11;
	v11 =	vld.idx.msk [tilespmem:v15+s15+$0x0], $0xffff  }
0x25c: {  	v15 =	vor.u32 $0x2, v6;
	[tilespmem:s1+$0xC680] =	vst v13;
	v12 =	vld.idx.msk [tilespmem:v12+s15+$0x0], $0xffff  }
0x25d: {  	v13 =	vld.idx.msk [tilespmem:v17+s15+$0x0], $0xffff;
	v17 =	vor.u32 $0x19, v3;
	[tilespmem:s31+$0xF600] =	vst v16  }
0x25e: {  	v16 =	vor.u32 $0x10, v2;
	[tilespmem:s26+$0xE580] =	vst v8;
	v8 =	vld.idx.msk [tilespmem:v18+s15+$0x0], $0xffff  }
0x25f: {  	v18 =	vor.u32 $0x7, v5;
	[tilespmem:s30+$0xD500] =	vst v9;
	v9 =	vld.idx.msk [tilespmem:v19+s15+$0x0], $0xffff  }
0x260: {  	[tilespmem:s0+$0xC480] =	vst v14;
	v10 =	vld.idx.msk [tilespmem:v10+s15+$0x0], $0xffff;
	v14 =	vor.u32 $0x1E, v7  }
0x261: {  	v19 =	vor.u32 $0x15, v1;
	v15 =	vld.idx.msk [tilespmem:v15+s15+$0x0], $0xffff;
	[tilespmem:s28+$0xF400] =	vst v11  }
0x262: {  	v11 =	vor.u32 $0xC, v4;
	[tilespmem:s29+$0xD780] =	vst v12;
	v12 =	vld.idx.msk [tilespmem:v17+s15+$0x0], $0xffff  }
0x263: {  	v17 =	vor.u32 $0x3, v6;
	[tilespmem:s1+$0xC700] =	vst v13;
	v13 =	vld.idx.msk [tilespmem:v16+s15+$0x0], $0xffff  }
0x264: {  	v16 =	vld.idx.msk [tilespmem:v18+s15+$0x0], $0xffff;
	v18 =	vor.u32 $0x1A, v3;
	[tilespmem:s31+$0xF680] =	vst v8  }
0x265: {  	v8 =	vor.u32 $0x11, v2;
	[tilespmem:s26+$0xE600] =	vst v9;
	v9 =	vld.idx.msk [tilespmem:v14+s15+$0x0], $0xffff  }
0x266: {  	v20 =	vor.u32 $0x8, v5;
	[tilespmem:s30+$0xD580] =	vst v10;
	v19 =	vld.idx.msk [tilespmem:v19+s15+$0x0], $0xffff  }
0x267: {  	v63 =	vor.u32 $0x1F, v7;
	[tilespmem:s0+$0xC500] =	vst v15;
	v14 =	vld.idx.msk [tilespmem:v11+s15+$0x0], $0xffff  }
0x268: {  	v10 =	vor.u32 $0x16, v1;
	v17 =	vld.idx.msk [tilespmem:v17+s15+$0x0], $0xffff;
	[tilespmem:s28+$0xF480] =	vst v12  }
0x269: {  	v15 =	vor.u32 $0xD, v4;
	[tilespmem:s29+$0xE400] =	vst v13;
	v11 =	vld.idx.msk [tilespmem:v18+s15+$0x0], $0xffff  }
0x26a: {  	[tilespmem:s1+$0xC780] =	vst v16;
	v12 =	vld.idx.msk [tilespmem:v8+s15+$0x0], $0xffff;
	v18 =	vor.u32 $0x4, v6  }
0x26b: {  	s7 =	simm.s32 $0x70;
	v8 =	vor.u32 $0x1B, v3;
	v16 =	vld.idx.msk [tilespmem:v20+s15+$0x0], $0xffff;
	[tilespmem:s31+$0xF700] =	vst v9  }
0x26c: {  	s5 =	simm.s32 $0x380;
	s9 =	simm.s32 $0x400;
	v7 =	vmov s7;
	v9 =	vor.u32 $0x12, v2;
	[tilespmem:s26+$0xE680] =	vst v19;
	v13 =	vld.idx.msk [tilespmem:v63+s15+$0x0], $0xffff  }
.LBB2_5:
0x26d: {  	p0 =	sne.s32 s9, $0xF80;
	v7 =	vshll.u32 v7, $0x5;
	v19 =	vor.u32 $0x9, v5;
	[tilespmem:s30+$0xD600] =	vst v14;
	v10 =	vld.idx.msk [tilespmem:v10+s15+$0x0], $0xffff  }
0x26e: {  	v7 =	vor.u32 v0, v7;
	[tilespmem:s0+$0xC580] =	vst v17;
	v14 =	vld.idx.msk [tilespmem:v15+s15+$0x0], $0xffff  }
0x26f: {  	v17 =	vor.u32 $0x17, v1;
	v15 =	vld.idx.msk [tilespmem:v18+s15+$0x0], $0xffff;
	[tilespmem:s28+$0xF500] =	vst v11  }
0x270: {  	v11 =	vor.u32 $0xE, v4;
	[tilespmem:s29+$0xE480] =	vst v12;
	v8 =	vld.idx.msk [tilespmem:v8+s15+$0x0], $0xffff  }
0x271: {  	v12 =	vor.u32 $0x5, v6;
	[tilespmem:s1+$0xD400] =	vst v16;
	v9 =	vld.idx.msk [tilespmem:v9+s15+$0x0], $0xffff  }
0x272: {  	v18 =	vor.u32 $0x1C, v3;
	v16 =	vld.idx.msk [tilespmem:v19+s15+$0x0], $0xffff;
	[tilespmem:s31+$0xF780] =	vst v13;
	s31 =	smov.u32 s28;
	s28 =	smov.u32 s26;
	s26 =	smov.u32 s29  }
0x273: {  	v19 =	vor.u32 $0x13, v2;
	s29 =	smov.u32 s30;
	s30 =	smov.u32 s1;
	s1 =	smov.u32 s0;
	v13 =	vld.idx.msk [tilespmem:v7+s15+$0x0], $0xffff;
	[tilespmem:s28+$0xE700] =	vst v10  }
0x274: {  	v10 =	vor.u32 $0xA, v5;
	[tilespmem:s29+$0xD680] =	vst v14;
	v14 =	vld.idx.msk [tilespmem:v17+s15+$0x0], $0xffff  }
0x275: {  	v17 =	vor.u32 $0x1, v7;
	[tilespmem:s1+$0xC600] =	vst v15;
	v11 =	vld.idx.msk [tilespmem:v11+s15+$0x0], $0xffff  }
0x276: {  	v15 =	vor.u32 $0x18, v1;
	v12 =	vld.idx.msk [tilespmem:v12+s15+$0x0], $0xffff;
	[tilespmem:s31+$0xF580] =	vst v8  }
0x277: {  	s3 =	sand.u32 $0xC00, s5;
	s5 =	smov.u32 s9;
	s0 =	sand.u32 $0x70, s7;
	v8 =	vor.u32 $0xF, v4;
	[tilespmem:s26+$0xE500] =	vst v9;
	v9 =	vld.idx.msk [tilespmem:v18+s15+$0x0], $0xffff  }
0x278: {  	s0 =	sor.u32 s0, s3;
	v18 =	vor.u32 $0x6, v6;
	[tilespmem:s30+$0xD480] =	vst v16;
	v16 =	vld.idx.msk [tilespmem:v19+s15+$0x0], $0xffff  }
0x279: {  	[tilespmem:s0+$0xC400] =	vst v13;
	v10 =	vld.idx.msk [tilespmem:v10+s15+$0x0], $0xffff;
	v13 =	vor.u32 $0x1D, v3  }
0x27a: {  	v19 =	vor.u32 $0x14, v2;
	v17 =	vld.idx.msk [tilespmem:v17+s15+$0x0], $0xffff;
	[tilespmem:s28+$0xE780] =	vst v14  }
0x27b: {  	v14 =	vor.u32 $0xB, v5;
	[tilespmem:s29+$0xD700] =	vst v11;
	v11 =	vld.idx.msk [tilespmem:v15+s15+$0x0], $0xffff  }
0x27c: {  	v15 =	vor.u32 $0x2, v7;
	[tilespmem:s1+$0xC680] =	vst v12;
	v8 =	vld.idx.msk [tilespmem:v8+s15+$0x0], $0xffff  }
0x27d: {  	v12 =	vld.idx.msk [tilespmem:v18+s15+$0x0], $0xffff;
	v18 =	vor.u32 $0x19, v1;
	[tilespmem:s31+$0xF600] =	vst v9  }
0x27e: {  	v9 =	vor.u32 $0x10, v4;
	[tilespmem:s26+$0xE580] =	vst v16;
	v13 =	vld.idx.msk [tilespmem:v13+s15+$0x0], $0xffff  }
0x27f: {  	v16 =	vor.u32 $0x7, v6;
	[tilespmem:s30+$0xD500] =	vst v10;
	v10 =	vld.idx.msk [tilespmem:v19+s15+$0x0], $0xffff  }
0x280: {  	[tilespmem:s0+$0xC480] =	vst v17;
	v14 =	vld.idx.msk [tilespmem:v14+s15+$0x0], $0xffff;
	v17 =	vor.u32 $0x1E, v3  }
0x281: {  	v19 =	vor.u32 $0x15, v2;
	v15 =	vld.idx.msk [tilespmem:v15+s15+$0x0], $0xffff;
	[tilespmem:s28+$0xF400] =	vst v11  }
0x282: {  	v11 =	vor.u32 $0xC, v5;
	[tilespmem:s29+$0xD780] =	vst v8;
	v8 =	vld.idx.msk [tilespmem:v18+s15+$0x0], $0xffff  }
0x283: {  	v18 =	vor.u32 $0x3, v7;
	[tilespmem:s1+$0xC700] =	vst v12;
	v9 =	vld.idx.msk [tilespmem:v9+s15+$0x0], $0xffff  }
0x284: {  	v12 =	vld.idx.msk [tilespmem:v16+s15+$0x0], $0xffff;
	v16 =	vor.u32 $0x1A, v1;
	[tilespmem:s31+$0xF680] =	vst v13  }
0x285: {  	v13 =	vor.u32 $0x11, v4;
	[tilespmem:s26+$0xE600] =	vst v10;
	v20 =	vld.idx.msk [tilespmem:v17+s15+$0x0], $0xffff  }
0x286: {  	v21 =	vor.u32 $0x8, v6;
	[tilespmem:s30+$0xD580] =	vst v14;
	v19 =	vld.idx.msk [tilespmem:v19+s15+$0x0], $0xffff  }
0x287: {  	v22 =	vor.u32 $0x1F, v3;
	v3 =	vmovc v1;
	v1 =	vmovc v2;
	v2 =	vmov v4;
	v4 =	vmov v5;
	[tilespmem:s0+$0xC500] =	vst v15;
	v14 =	vld.idx.msk [tilespmem:v11+s15+$0x0], $0xffff  }
.Ltmp1:
0x288: {  	v5 =	vmov v6;
	v6 =	vmov v7;
	v10 =	vor.u32 $0x16, v1;
	v17 =	vld.idx.msk [tilespmem:v18+s15+$0x0], $0xffff;
	[tilespmem:s28+$0xF480] =	vst v8;
	(pc) =	sbr.rel @p0 .LBB2_5-.Ltmp1, $4  }
0x289: {  	v15 =	vor.u32 $0xD, v4;
	[tilespmem:s29+$0xE400] =	vst v9;
	v11 =	vld.idx.msk [tilespmem:v16+s15+$0x0], $0xffff  }
0x28a: {  	v18 =	vor.u32 $0x4, v6;
	[tilespmem:s1+$0xC780] =	vst v12;
	v12 =	vld.idx.msk [tilespmem:v13+s15+$0x0], $0xffff  }
0x28b: {  	s7 =	sadd.s32 $0x10, s7;
	v8 =	vor.u32 $0x1B, v3;
	v16 =	vld.idx.msk [tilespmem:v21+s15+$0x0], $0xffff;
	[tilespmem:s31+$0xF700] =	vst v20  }
0x28c: {  	s9 =	sadd.s32 $0x80, s9;
	v7 =	vmov s7;
	v9 =	vor.u32 $0x12, v2;
	[tilespmem:s26+$0xE680] =	vst v19;
	v13 =	vld.idx.msk [tilespmem:v22+s15+$0x0], $0xffff  }
0x28d: {  	v7 =	vshll.u32 v7, $0x5  }
0x28e: {  	v7 =	vor.u32 v0, v7;
	_ =	sdelay $0x4  }
0x28f: {  	v19 =	vld.idx.msk [tilespmem:v7+s15+$0x0], $0xffff  }
0x290: {  	v20 =	vor.u32 $0x1, v7;
	_ =	sdelay $0x1  }
0x291: {  	s3 =	sand.u32 $0x70, s7;
	s5 =	sand.u32 $0xC00, s5  }
0x292: {  	s7 =	sor.u32 s3, s5  }
0x293: {  	[tilespmem:s7+$0xC400] =	vst v19  }
0x294: {  	v19 =	vld.idx.msk [tilespmem:v20+s15+$0x0], $0xffff  }
0x295: {  	v57 =	vor.u32 $0x2, v7;
	_ =	sdelay $0x3  }
0x296: {  	[tilespmem:s7+$0xC480] =	vst v19  }
0x297: {  	v19 =	vld.idx.msk [tilespmem:v57+s15+$0x0], $0xffff  }
0x298: {  	v58 =	vor.u32 $0x3, v7;
	_ =	sdelay $0x3  }
0x299: {  	[tilespmem:s7+$0xC500] =	vst v19  }
0x29a: {  	v19 =	vld.idx.msk [tilespmem:v58+s15+$0x0], $0xffff  }
0x29b: {  	v59 =	vor.u32 $0x4, v7;
	_ =	sdelay $0x2  }
0x29c: {  	[tilespmem:s0+$0xC580] =	vst v17  }
0x29d: {  	v17 =	vld.idx.msk [tilespmem:v18+s15+$0x0], $0xffff;
	[tilespmem:s7+$0xC580] =	vst v19  }
0x29e: {  	v60 =	vor.u32 $0x5, v6;
	v19 =	vld.idx.msk [tilespmem:v59+s15+$0x0], $0xffff  }
0x29f: {  	v61 =	vor.u32 $0x5, v7;
	_ =	sdelay $0x2  }
0x2a0: {  	[tilespmem:s0+$0xC600] =	vst v17  }
0x2a1: {  	v17 =	vld.idx.msk [tilespmem:v60+s15+$0x0], $0xffff;
	[tilespmem:s7+$0xC600] =	vst v19  }
0x2a2: {  	v62 =	vor.u32 $0x6, v6;
	v19 =	vld.idx.msk [tilespmem:v61+s15+$0x0], $0xffff  }
0x2a3: {  	v63 =	vor.u32 $0x6, v7;
	_ =	sdelay $0x2  }
0x2a4: {  	[tilespmem:s0+$0xC680] =	vst v17  }
0x2a5: {  	v17 =	vld.idx.msk [tilespmem:v62+s15+$0x0], $0xffff;
	[tilespmem:s7+$0xC680] =	vst v19  }
0x2a6: {  	v24 =	vor.u32 $0x7, v6;
	v19 =	vld.idx.msk [tilespmem:v63+s15+$0x0], $0xffff  }
0x2a7: {  	v25 =	vor.u32 $0x7, v7;
	_ =	sdelay $0x2  }
0x2a8: {  	[tilespmem:s0+$0xC700] =	vst v17  }
0x2a9: {  	v17 =	vld.idx.msk [tilespmem:v24+s15+$0x0], $0xffff;
	[tilespmem:s7+$0xC700] =	vst v19  }
0x2aa: {  	v26 =	vor.u32 $0x8, v6;
	v19 =	vld.idx.msk [tilespmem:v25+s15+$0x0], $0xffff  }
0x2ab: {  	v27 =	vor.u32 $0x8, v7;
	_ =	sdelay $0x2  }
0x2ac: {  	[tilespmem:s0+$0xC780] =	vst v17  }
0x2ad: {  	v28 =	vor.u32 $0x9, v5;
	v18 =	vld.idx.msk [tilespmem:v26+s15+$0x0], $0xffff;
	[tilespmem:s7+$0xC780] =	vst v19  }
0x2ae: {  	v29 =	vor.u32 $0x9, v6;
	v20 =	vld.idx.msk [tilespmem:v27+s15+$0x0], $0xffff  }
0x2af: {  	v21 =	vor.u32 $0x9, v7;
	_ =	sdelay $0x1  }
0x2b0: {  	[tilespmem:s1+$0xD400] =	vst v16  }
0x2b1: {  	v16 =	vld.idx.msk [tilespmem:v28+s15+$0x0], $0xffff;
	[tilespmem:s0+$0xD400] =	vst v18  }
0x2b2: {  	v30 =	vor.u32 $0xA, v5;
	v18 =	vld.idx.msk [tilespmem:v29+s15+$0x0], $0xffff;
	[tilespmem:s7+$0xD400] =	vst v20  }
0x2b3: {  	v31 =	vor.u32 $0xA, v6;
	v20 =	vld.idx.msk [tilespmem:v21+s15+$0x0], $0xffff  }
0x2b4: {  	v32 =	vor.u32 $0xA, v7;
	_ =	sdelay $0x1  }
0x2b5: {  	[tilespmem:s1+$0xD480] =	vst v16  }
0x2b6: {  	v16 =	vld.idx.msk [tilespmem:v30+s15+$0x0], $0xffff;
	[tilespmem:s0+$0xD480] =	vst v18  }
0x2b7: {  	v33 =	vor.u32 $0xB, v5;
	v18 =	vld.idx.msk [tilespmem:v31+s15+$0x0], $0xffff;
	[tilespmem:s7+$0xD480] =	vst v20  }
0x2b8: {  	v34 =	vor.u32 $0xB, v6;
	v20 =	vld.idx.msk [tilespmem:v32+s15+$0x0], $0xffff  }
0x2b9: {  	v35 =	vor.u32 $0xB, v7;
	_ =	sdelay $0x1  }
0x2ba: {  	[tilespmem:s1+$0xD500] =	vst v16  }
0x2bb: {  	v16 =	vld.idx.msk [tilespmem:v33+s15+$0x0], $0xffff;
	[tilespmem:s0+$0xD500] =	vst v18  }
0x2bc: {  	v36 =	vor.u32 $0xC, v5;
	v18 =	vld.idx.msk [tilespmem:v34+s15+$0x0], $0xffff;
	[tilespmem:s7+$0xD500] =	vst v20  }
0x2bd: {  	v37 =	vor.u32 $0xC, v6;
	v20 =	vld.idx.msk [tilespmem:v35+s15+$0x0], $0xffff  }
0x2be: {  	v38 =	vor.u32 $0xC, v7;
	_ =	sdelay $0x1  }
0x2bf: {  	[tilespmem:s1+$0xD580] =	vst v16  }
0x2c0: {  	v16 =	vld.idx.msk [tilespmem:v36+s15+$0x0], $0xffff;
	[tilespmem:s0+$0xD580] =	vst v18  }
0x2c1: {  	v39 =	vor.u32 $0xD, v5;
	v18 =	vld.idx.msk [tilespmem:v37+s15+$0x0], $0xffff;
	[tilespmem:s7+$0xD580] =	vst v20  }
0x2c2: {  	v40 =	vor.u32 $0xD, v6;
	v20 =	vld.idx.msk [tilespmem:v38+s15+$0x0], $0xffff  }
0x2c3: {  	v41 =	vor.u32 $0xD, v7  }
0x2c4: {  	[tilespmem:s30+$0xD600] =	vst v14  }
0x2c5: {  	v14 =	vld.idx.msk [tilespmem:v15+s15+$0x0], $0xffff;
	[tilespmem:s1+$0xD600] =	vst v16  }
0x2c6: {  	v42 =	vor.u32 $0xE, v4;
	v16 =	vld.idx.msk [tilespmem:v39+s15+$0x0], $0xffff;
	[tilespmem:s0+$0xD600] =	vst v18  }
0x2c7: {  	v43 =	vor.u32 $0xE, v5;
	v18 =	vld.idx.msk [tilespmem:v40+s15+$0x0], $0xffff;
	[tilespmem:s7+$0xD600] =	vst v20  }
0x2c8: {  	v44 =	vor.u32 $0xE, v6;
	v20 =	vld.idx.msk [tilespmem:v41+s15+$0x0], $0xffff  }
0x2c9: {  	v45 =	vor.u32 $0xE, v7  }
0x2ca: {  	[tilespmem:s30+$0xD680] =	vst v14  }
0x2cb: {  	v14 =	vld.idx.msk [tilespmem:v42+s15+$0x0], $0xffff;
	[tilespmem:s1+$0xD680] =	vst v16  }
0x2cc: {  	v46 =	vor.u32 $0xF, v4;
	v16 =	vld.idx.msk [tilespmem:v43+s15+$0x0], $0xffff;
	[tilespmem:s0+$0xD680] =	vst v18  }
0x2cd: {  	v47 =	vor.u32 $0xF, v5;
	v18 =	vld.idx.msk [tilespmem:v44+s15+$0x0], $0xffff;
	[tilespmem:s7+$0xD680] =	vst v20  }
0x2ce: {  	v48 =	vor.u32 $0xF, v6;
	v20 =	vld.idx.msk [tilespmem:v45+s15+$0x0], $0xffff  }
0x2cf: {  	v49 =	vor.u32 $0xF, v7  }
0x2d0: {  	[tilespmem:s30+$0xD700] =	vst v14  }
0x2d1: {  	v14 =	vld.idx.msk [tilespmem:v46+s15+$0x0], $0xffff;
	[tilespmem:s1+$0xD700] =	vst v16  }
0x2d2: {  	v50 =	vor.u32 $0x10, v4;
	v16 =	vld.idx.msk [tilespmem:v47+s15+$0x0], $0xffff;
	[tilespmem:s0+$0xD700] =	vst v18  }
0x2d3: {  	v51 =	vor.u32 $0x10, v5;
	v18 =	vld.idx.msk [tilespmem:v48+s15+$0x0], $0xffff;
	[tilespmem:s7+$0xD700] =	vst v20  }
0x2d4: {  	v52 =	vor.u32 $0x10, v6;
	v20 =	vld.idx.msk [tilespmem:v49+s15+$0x0], $0xffff  }
0x2d5: {  	v53 =	vor.u32 $0x10, v7  }
0x2d6: {  	[tilespmem:s30+$0xD780] =	vst v14  }
0x2d7: {  	v14 =	vld.idx.msk [tilespmem:v50+s15+$0x0], $0xffff;
	[tilespmem:s1+$0xD780] =	vst v16  }
0x2d8: {  	v54 =	vor.u32 $0x11, v4;
	v16 =	vld.idx.msk [tilespmem:v51+s15+$0x0], $0xffff;
	[tilespmem:s0+$0xD780] =	vst v18  }
0x2d9: {  	v55 =	vor.u32 $0x11, v5;
	v18 =	vld.idx.msk [tilespmem:v52+s15+$0x0], $0xffff;
	[tilespmem:s7+$0xD780] =	vst v20  }
0x2da: {  	v56 =	vor.u32 $0x11, v6;
	[tilespmem:s28+$0xF500] =	vst v11;
	v57 =	vld.idx.msk [tilespmem:v53+s15+$0x0], $0xffff  }
0x2db: {  	[tilespmem:s29+$0xE480] =	vst v12;
	v58 =	vor.u32 $0x11, v7  }
0x2dc: {  	v10 =	vld.idx.msk [tilespmem:v10+s15+$0x0], $0xffff;
	[tilespmem:s30+$0xE400] =	vst v14  }
0x2dd: {  	v14 =	vld.idx.msk [tilespmem:v54+s15+$0x0], $0xffff;
	[tilespmem:s1+$0xE400] =	vst v16  }
0x2de: {  	v59 =	vor.u32 $0x12, v4;
	v16 =	vld.idx.msk [tilespmem:v55+s15+$0x0], $0xffff;
	[tilespmem:s0+$0xE400] =	vst v18  }
0x2df: {  	v60 =	vor.u32 $0x12, v5;
	v11 =	vld.idx.msk [tilespmem:v56+s15+$0x0], $0xffff;
	[tilespmem:s7+$0xE400] =	vst v57  }
0x2e0: {  	[tilespmem:s31+$0xF780] =	vst v13;
	v61 =	vor.u32 $0x12, v6;
	v12 =	vld.idx.msk [tilespmem:v58+s15+$0x0], $0xffff  }
0x2e1: {  	v8 =	vld.idx.msk [tilespmem:v8+s15+$0x0], $0xffff;
	[tilespmem:s26+$0xE700] =	vst v10;
	v62 =	vor.u32 $0x12, v7  }
0x2e2: {  	v9 =	vld.idx.msk [tilespmem:v9+s15+$0x0], $0xffff;
	[tilespmem:s30+$0xE480] =	vst v14;
	v63 =	vor.u32 $0x17, v1  }
0x2e3: {  	v15 =	vld.idx.msk [tilespmem:v59+s15+$0x0], $0xffff;
	[tilespmem:s1+$0xE480] =	vst v16;
	v21 =	vor.u32 $0x13, v2  }
0x2e4: {  	v22 =	vor.u32 $0x13, v4;
	v17 =	vld.idx.msk [tilespmem:v60+s15+$0x0], $0xffff;
	[tilespmem:s0+$0xE480] =	vst v11  }
0x2e5: {  	v23 =	vor.u32 $0x13, v5;
	v13 =	vld.idx.msk [tilespmem:v61+s15+$0x0], $0xffff;
	[tilespmem:s7+$0xE480] =	vst v12  }
0x2e6: {  	[tilespmem:s28+$0xF580] =	vst v8;
	v24 =	vor.u32 $0x13, v6;
	v10 =	vld.idx.msk [tilespmem:v62+s15+$0x0], $0xffff  }
0x2e7: {  	[tilespmem:s29+$0xE500] =	vst v9;
	v26 =	vor.u32 $0x13, v7;
	v25 =	vld.idx.msk [tilespmem:v63+s15+$0x0], $0xffff  }
0x2e8: {  	[tilespmem:s30+$0xE500] =	vst v15;
	v34 =	vor.u32 $0x18, v1;
	v14 =	vld.idx.msk [tilespmem:v21+s15+$0x0], $0xffff  }
0x2e9: {  	v28 =	vor.u32 $0x14, v2;
	v16 =	vld.idx.msk [tilespmem:v22+s15+$0x0], $0xffff;
	[tilespmem:s1+$0xE500] =	vst v17  }
0x2ea: {  	v29 =	vor.u32 $0x14, v4;
	v11 =	vld.idx.msk [tilespmem:v23+s15+$0x0], $0xffff;
	[tilespmem:s0+$0xE500] =	vst v13  }
0x2eb: {  	v30 =	vor.u32 $0x14, v5;
	v8 =	vld.idx.msk [tilespmem:v24+s15+$0x0], $0xffff;
	[tilespmem:s7+$0xE500] =	vst v10  }
0x2ec: {  	v31 =	vor.u32 $0x14, v6;
	[tilespmem:s26+$0xE780] =	vst v25;
	v9 =	vld.idx.msk [tilespmem:v26+s15+$0x0], $0xffff  }
0x2ed: {  	v33 =	vor.u32 $0x14, v7;
	v40 =	vld.idx.msk [tilespmem:v34+s15+$0x0], $0xffff;
	[tilespmem:s29+$0xE580] =	vst v14  }
0x2ee: {  	v27 =	vor.u32 $0x1C, v3;
	[tilespmem:s30+$0xE580] =	vst v16;
	v15 =	vld.idx.msk [tilespmem:v28+s15+$0x0], $0xffff  }
0x2ef: {  	v17 =	vld.idx.msk [tilespmem:v29+s15+$0x0], $0xffff;
	v35 =	vor.u32 $0x15, v2;
	[tilespmem:s1+$0xE580] =	vst v11  }
0x2f0: {  	v36 =	vor.u32 $0x15, v4;
	v13 =	vld.idx.msk [tilespmem:v30+s15+$0x0], $0xffff;
	[tilespmem:s0+$0xE580] =	vst v8  }
0x2f1: {  	v37 =	vor.u32 $0x15, v5;
	v10 =	vld.idx.msk [tilespmem:v31+s15+$0x0], $0xffff;
	[tilespmem:s7+$0xE580] =	vst v9  }
0x2f2: {  	[tilespmem:s26+$0xF400] =	vst v40;
	v38 =	vor.u32 $0x15, v6;
	v39 =	vld.idx.msk [tilespmem:v33+s15+$0x0], $0xffff  }
0x2f3: {  	v32 =	vld.idx.msk [tilespmem:v27+s15+$0x0], $0xffff;
	[tilespmem:s29+$0xE600] =	vst v15;
	v41 =	vor.u32 $0x15, v7  }
0x2f4: {  	v42 =	vor.u32 $0x1D, v3;
	[tilespmem:s30+$0xE600] =	vst v17;
	v16 =	vld.idx.msk [tilespmem:v35+s15+$0x0], $0xffff  }
0x2f5: {  	v43 =	vor.u32 $0x16, v2;
	v11 =	vld.idx.msk [tilespmem:v36+s15+$0x0], $0xffff;
	[tilespmem:s1+$0xE600] =	vst v13  }
0x2f6: {  	v44 =	vor.u32 $0x16, v4;
	v8 =	vld.idx.msk [tilespmem:v37+s15+$0x0], $0xffff;
	[tilespmem:s0+$0xE600] =	vst v10  }
0x2f7: {  	v45 =	vor.u32 $0x16, v5;
	v9 =	vld.idx.msk [tilespmem:v38+s15+$0x0], $0xffff;
	[tilespmem:s7+$0xE600] =	vst v39  }
0x2f8: {  	v46 =	vor.u32 $0x16, v6;
	[tilespmem:s28+$0xF600] =	vst v32;
	v47 =	vld.idx.msk [tilespmem:v41+s15+$0x0], $0xffff  }
0x2f9: {  	v48 =	vld.idx.msk [tilespmem:v42+s15+$0x0], $0xffff;
	[tilespmem:s29+$0xE680] =	vst v16;
	v49 =	vor.u32 $0x16, v7  }
0x2fa: {  	v50 =	vor.u32 $0x19, v1;
	v17 =	vld.idx.msk [tilespmem:v43+s15+$0x0], $0xffff;
	[tilespmem:s30+$0xE680] =	vst v11  }
0x2fb: {  	v51 =	vor.u32 $0x17, v2;
	v13 =	vld.idx.msk [tilespmem:v44+s15+$0x0], $0xffff;
	[tilespmem:s1+$0xE680] =	vst v8  }
0x2fc: {  	v52 =	vor.u32 $0x17, v4;
	v10 =	vld.idx.msk [tilespmem:v45+s15+$0x0], $0xffff;
	[tilespmem:s0+$0xE680] =	vst v9  }
0x2fd: {  	v53 =	vor.u32 $0x17, v5;
	v12 =	vld.idx.msk [tilespmem:v46+s15+$0x0], $0xffff;
	[tilespmem:s7+$0xE680] =	vst v47  }
0x2fe: {  	v54 =	vor.u32 $0x17, v6;
	[tilespmem:s28+$0xF680] =	vst v48;
	v55 =	vld.idx.msk [tilespmem:v49+s15+$0x0], $0xffff  }
0x2ff: {  	v56 =	vld.idx.msk [tilespmem:v50+s15+$0x0], $0xffff;
	[tilespmem:s29+$0xE700] =	vst v17;
	v57 =	vor.u32 $0x17, v7  }
0x300: {  	v23 =	vor.u32 $0x1A, v1;
	v11 =	vld.idx.msk [tilespmem:v51+s15+$0x0], $0xffff;
	[tilespmem:s30+$0xE700] =	vst v13  }
0x301: {  	v59 =	vor.u32 $0x18, v2;
	v8 =	vld.idx.msk [tilespmem:v52+s15+$0x0], $0xffff;
	[tilespmem:s1+$0xE700] =	vst v10  }
0x302: {  	v60 =	vor.u32 $0x18, v4;
	v9 =	vld.idx.msk [tilespmem:v53+s15+$0x0], $0xffff;
	[tilespmem:s0+$0xE700] =	vst v12  }
0x303: {  	v61 =	vor.u32 $0x18, v5;
	v14 =	vld.idx.msk [tilespmem:v54+s15+$0x0], $0xffff;
	[tilespmem:s7+$0xE700] =	vst v55  }
0x304: {  	[tilespmem:s26+$0xF480] =	vst v56;
	v62 =	vor.u32 $0x18, v6;
	v63 =	vld.idx.msk [tilespmem:v57+s15+$0x0], $0xffff  }
0x305: {  	v22 =	vor.u32 $0x18, v7;
	v28 =	vld.idx.msk [tilespmem:v23+s15+$0x0], $0xffff;
	[tilespmem:s29+$0xE780] =	vst v11  }
0x306: {  	v13 =	vld.idx.msk [tilespmem:v59+s15+$0x0], $0xffff;
	[tilespmem:s30+$0xE780] =	vst v8;
	v58 =	vor.u32 $0x1E, v3  }
0x307: {  	v24 =	vor.u32 $0x19, v2;
	v10 =	vld.idx.msk [tilespmem:v60+s15+$0x0], $0xffff;
	[tilespmem:s1+$0xE780] =	vst v9  }
0x308: {  	v25 =	vor.u32 $0x19, v4;
	v12 =	vld.idx.msk [tilespmem:v61+s15+$0x0], $0xffff;
	[tilespmem:s0+$0xE780] =	vst v14  }
0x309: {  	v26 =	vor.u32 $0x19, v5;
	v15 =	vld.idx.msk [tilespmem:v62+s15+$0x0], $0xffff;
	[tilespmem:s7+$0xE780] =	vst v63  }
0x30a: {  	v27 =	vor.u32 $0x19, v6;
	[tilespmem:s26+$0xF500] =	vst v28;
	v11 =	vld.idx.msk [tilespmem:v22+s15+$0x0], $0xffff  }
0x30b: {  	v29 =	vor.u32 $0x19, v7;
	[tilespmem:s29+$0xF400] =	vst v13;
	v21 =	vld.idx.msk [tilespmem:v58+s15+$0x0], $0xffff  }
0x30c: {  	v8 =	vld.idx.msk [tilespmem:v24+s15+$0x0], $0xffff;
	v3 =	vor.u32 $0x1F, v3;
	[tilespmem:s30+$0xF400] =	vst v10  }
0x30d: {  	v30 =	vor.u32 $0x1A, v2;
	v9 =	vld.idx.msk [tilespmem:v25+s15+$0x0], $0xffff;
	[tilespmem:s1+$0xF400] =	vst v12  }
0x30e: {  	v31 =	vor.u32 $0x1A, v4;
	v14 =	vld.idx.msk [tilespmem:v26+s15+$0x0], $0xffff;
	[tilespmem:s0+$0xF400] =	vst v15  }
0x30f: {  	v32 =	vor.u32 $0x1A, v5;
	v16 =	vld.idx.msk [tilespmem:v27+s15+$0x0], $0xffff;
	[tilespmem:s7+$0xF400] =	vst v11  }
0x310: {  	[tilespmem:s28+$0xF700] =	vst v21;
	v33 =	vor.u32 $0x1A, v6;
	v13 =	vld.idx.msk [tilespmem:v29+s15+$0x0], $0xffff  }
0x311: {  	v34 =	vor.u32 $0x1A, v7;
	[tilespmem:s29+$0xF480] =	vst v8;
	v3 =	vld.idx.msk [tilespmem:v3+s15+$0x0], $0xffff  }
0x312: {  	v35 =	vor.u32 $0x1B, v1;
	v10 =	vld.idx.msk [tilespmem:v30+s15+$0x0], $0xffff;
	[tilespmem:s30+$0xF480] =	vst v9  }
0x313: {  	v36 =	vor.u32 $0x1B, v2;
	v12 =	vld.idx.msk [tilespmem:v31+s15+$0x0], $0xffff;
	[tilespmem:s1+$0xF480] =	vst v14  }
0x314: {  	v37 =	vor.u32 $0x1B, v4;
	v15 =	vld.idx.msk [tilespmem:v32+s15+$0x0], $0xffff;
	[tilespmem:s0+$0xF480] =	vst v16  }
0x315: {  	v38 =	vor.u32 $0x1B, v5;
	v11 =	vld.idx.msk [tilespmem:v33+s15+$0x0], $0xffff;
	[tilespmem:s7+$0xF480] =	vst v13  }
0x316: {  	[tilespmem:s28+$0xF780] =	vst v3;
	v3 =	vor.u32 $0x1B, v6;
	v8 =	vld.idx.msk [tilespmem:v34+s15+$0x0], $0xffff  }
0x317: {  	v40 =	vor.u32 $0x1B, v7;
	v39 =	vld.idx.msk [tilespmem:v35+s15+$0x0], $0xffff;
	[tilespmem:s29+$0xF500] =	vst v10  }
0x318: {  	v41 =	vor.u32 $0x1C, v1;
	v9 =	vld.idx.msk [tilespmem:v36+s15+$0x0], $0xffff;
	[tilespmem:s30+$0xF500] =	vst v12  }
0x319: {  	v42 =	vor.u32 $0x1C, v2;
	v14 =	vld.idx.msk [tilespmem:v37+s15+$0x0], $0xffff;
	[tilespmem:s1+$0xF500] =	vst v15  }
0x31a: {  	v43 =	vor.u32 $0x1C, v4;
	v16 =	vld.idx.msk [tilespmem:v38+s15+$0x0], $0xffff;
	[tilespmem:s0+$0xF500] =	vst v11  }
0x31b: {  	v44 =	vor.u32 $0x1C, v5;
	v3 =	vld.idx.msk [tilespmem:v3+s15+$0x0], $0xffff;
	[tilespmem:s7+$0xF500] =	vst v8  }
0x31c: {  	v45 =	vor.u32 $0x1C, v6;
	[tilespmem:s26+$0xF580] =	vst v39;
	v10 =	vld.idx.msk [tilespmem:v40+s15+$0x0], $0xffff  }
0x31d: {  	v46 =	vor.u32 $0x1C, v7;
	[tilespmem:s29+$0xF580] =	vst v9;
	v13 =	vld.idx.msk [tilespmem:v41+s15+$0x0], $0xffff  }
0x31e: {  	v47 =	vor.u32 $0x1D, v1;
	v12 =	vld.idx.msk [tilespmem:v42+s15+$0x0], $0xffff;
	[tilespmem:s30+$0xF580] =	vst v14  }
0x31f: {  	v48 =	vor.u32 $0x1D, v2;
	v15 =	vld.idx.msk [tilespmem:v43+s15+$0x0], $0xffff;
	[tilespmem:s1+$0xF580] =	vst v16  }
0x320: {  	v49 =	vor.u32 $0x1D, v4;
	v11 =	vld.idx.msk [tilespmem:v44+s15+$0x0], $0xffff;
	[tilespmem:s0+$0xF580] =	vst v3  }
0x321: {  	v3 =	vor.u32 $0x1D, v5;
	v8 =	vld.idx.msk [tilespmem:v45+s15+$0x0], $0xffff;
	[tilespmem:s7+$0xF580] =	vst v10  }
0x322: {  	v50 =	vor.u32 $0x1D, v6;
	[tilespmem:s26+$0xF600] =	vst v13;
	v9 =	vld.idx.msk [tilespmem:v46+s15+$0x0], $0xffff  }
0x323: {  	v51 =	vor.u32 $0x1D, v7;
	[tilespmem:s29+$0xF600] =	vst v12;
	v13 =	vld.idx.msk [tilespmem:v47+s15+$0x0], $0xffff  }
0x324: {  	v52 =	vor.u32 $0x1E, v1;
	v14 =	vld.idx.msk [tilespmem:v48+s15+$0x0], $0xffff;
	[tilespmem:s30+$0xF600] =	vst v15  }
0x325: {  	v53 =	vor.u32 $0x1E, v2;
	v16 =	vld.idx.msk [tilespmem:v49+s15+$0x0], $0xffff;
	[tilespmem:s1+$0xF600] =	vst v11  }
0x326: {  	v54 =	vor.u32 $0x1E, v4;
	v3 =	vld.idx.msk [tilespmem:v3+s15+$0x0], $0xffff;
	[tilespmem:s0+$0xF600] =	vst v8  }
0x327: {  	v55 =	vor.u32 $0x1E, v5;
	v10 =	vld.idx.msk [tilespmem:v50+s15+$0x0], $0xffff;
	[tilespmem:s7+$0xF600] =	vst v9  }
0x328: {  	v56 =	vor.u32 $0x1E, v6;
	[tilespmem:s26+$0xF680] =	vst v13;
	v12 =	vld.idx.msk [tilespmem:v51+s15+$0x0], $0xffff  }
0x329: {  	v57 =	vor.u32 $0x1E, v7;
	[tilespmem:s29+$0xF680] =	vst v14;
	v13 =	vld.idx.msk [tilespmem:v52+s15+$0x0], $0xffff  }
0x32a: {  	v1 =	vor.u32 $0x1F, v1;
	v15 =	vld.idx.msk [tilespmem:v53+s15+$0x0], $0xffff;
	[tilespmem:s30+$0xF680] =	vst v16  }
0x32b: {  	v2 =	vor.u32 $0x1F, v2;
	v11 =	vld.idx.msk [tilespmem:v54+s15+$0x0], $0xffff;
	[tilespmem:s1+$0xF680] =	vst v3  }
0x32c: {  	v3 =	vor.u32 $0x1F, v4;
	v58 =	vld.idx.msk [tilespmem:v55+s15+$0x0], $0xffff;
	[tilespmem:s0+$0xF680] =	vst v10  }
0x32d: {  	v59 =	vor.u32 $0x1F, v5;
	v60 =	vld.idx.msk [tilespmem:v56+s15+$0x0], $0xffff;
	[tilespmem:s7+$0xF680] =	vst v12  }
0x32e: {  	v61 =	vor.u32 $0x1F, v6;
	[tilespmem:s26+$0xF700] =	vst v13;
	v62 =	vld.idx.msk [tilespmem:v57+s15+$0x0], $0xffff  }
0x32f: {  	v7 =	vor.u32 $0x1F, v7;
	[tilespmem:s29+$0xF700] =	vst v15;
	v1 =	vld.idx.msk [tilespmem:v1+s15+$0x0], $0xffff  }
0x330: {  	v2 =	vld.idx.msk [tilespmem:v2+s15+$0x0], $0xffff;
	[tilespmem:s30+$0xF700] =	vst v11  }
0x331: {  	v3 =	vld.idx.msk [tilespmem:v3+s15+$0x0], $0xffff;
	[tilespmem:s1+$0xF700] =	vst v58  }
0x332: {  	v4 =	vld.idx.msk [tilespmem:v59+s15+$0x0], $0xffff;
	[tilespmem:s0+$0xF700] =	vst v60  }
0x333: {  	v63 =	vld.idx.msk [tilespmem:v61+s15+$0x0], $0xffff;
	[tilespmem:s7+$0xF700] =	vst v62  }
0x334: {  	s24 =	sadd.s32 $0x1, s24;
	[tilespmem:s26+$0xF780] =	vst v1;
	v1 =	vld.idx.msk [tilespmem:v7+s15+$0x0], $0xffff  }
0x335: {  	p0 =	sne.s32 s24, $0x19;
	[tilespmem:s29+$0xF780] =	vst v2  }
.Ltmp2:
0x336: {  	s28 =	sshll.u32 s25, $0x9;
	[tilespmem:s30+$0xF780] =	vst v3;
	(pc) =	sbr.rel @p0 .LBB2_2-.Ltmp2, $4  }
0x337: {  	s3 =	sand.u32 $0x3E00, s28;
	s29 =	sshll.u32 s25, $0xB;
	[tilespmem:s1+$0xF780] =	vst v4  }
0x338: {  	s31 =	sadd.s32 s2, s3;
	s30 =	sand.u32 $0xFFF0000, s29;
	[tilespmem:s0+$0xF780] =	vst v63  }
0x339: {  	s0 =	sadd.s32 s30, s31;
	[tilespmem:s7+$0xF780] =	vst v1  }
0x33a: {  	[hbm4b:s0+s16] =	stream.strided.scatter [tilespmem:s20], [sflag:$0x6], $0x4000, s17, s16, $0x38;
	[tilespmem:$0x10400] =	vst v63  }
0x33b: {  	_ =	swait.ge [sflag:s21], $0x4000  }
0x33c: {  	[sflag:s21] =	ssyncset.done $0x0  }
0x33d: {  	[sflag:s21] =	ssyncadd.s32 $0xFFFFC000  }
0x33e: {  	_ =	swait.ge [sflag:s22], $0x4000  }
0x33f: {  	s23 =	sadd.s32 $0x1, s23;
	s0 =	rddreg [dreg:$0x6]  }
0x340: {  	p0 =	sne.s32 s23, s0  }
.Ltmp3:
0x341: {  	_ = 	snop;
	(pc) =	sbr.rel @p0 .LBB2_1-.Ltmp3, $3  }
0x342: {  	_ =	sdelay $0x1  }
0x343: {  	[sflag:s22] =	ssyncset.done $0x0  }
0x344: {  	[sflag:s22] =	ssyncadd.s32 $0xFFFFC000  }
0x345: {  	_ =	sfence.sel $0x180000  }
0x346: {  	[bflag:$0x0] =	sbarrier.arrive $0xFFFF  }
0x347: {  	_ =	strace $0x90000047  }
0x348: {  	s0 =	stileid.u32;
	[bflag:$0x2] =	sbarrier.arrive $0xFFFF  }
0x349: {  	p0 =	sne.s32 s0, $0x0;
	s0 =	rddreg [dreg:$0x3]  }
0x34a: {  	s0 =	sadd.s32 @!p0 $0x100000, s0  }
0x34b: {  	[sflag:s0] =	ssyncadd.tile.s32 @!p0 $0x1;
	_ =	shalt  }
.Lfunc_end2:
_tile_overlayer_lowered:
.L_overlay_start_2:
0x34c: {  	(tag) =	ssettag $0x2  }
0x34d: {  	s0 =	rddreg [dreg:$0x0];
	s2 =	stileid.u32  }
0x34e: {  	s1 =	rddreg [dreg:$0x1];
	p0 =	sne.s32 s2, $0x0  }
0x34f: {  	s3 =	rddreg [dreg:$0x2];
	[bflag:$0x3] =	sbarrier.arrive $0xFFFF;
	s2 =	simm.s32 @!p0 $0x1C07  }
0x350: {  	[timem:s3], [sflag:s2] =	dma.local @!p0 [hbm:s0], s1  }
0x351: {  	s0 =	simm.s32 @!p0 $0x7  }
0x352: {  	_ =	swait.ge @!p0 [sflag:s0], s1  }
0x353: {  	s1 =	ssub.s32 @!p0 $0x0, s1;
	[sflag:s0] =	ssyncset.done @!p0 $0x0  }
0x354: {  	[sflag:s0] =	ssyncadd.s32 @!p0 s1  }
0x355: {  	[bflag:$0x3] =	sbarrier.arrive $0xFFFF  }
0x356: {  	_ =	shalt  }

</sc_bundles>
